<compile_context>
chip_gen: v7x
topology: tpu7x:2x2x1
jax: 0.10.2.dev20260603
libtpu: 0.0.44.dev20260713+nightly
codegen_flags: <defaults>
</compile_context>

<pallas_src>
import functools
import jax
import jax.numpy as jnp
from jax import lax
from jax.experimental import pallas as pl
from jax.experimental.pallas import tpu as pltpu
from jax.experimental.pallas import tpu_sc as plsc

N_ROWS = 100000
D_IN = 512
D_OUT = 256
NC = 2
NS = 16
NW = NC * NS
CHUNK = 80
NCHUNK_TOT = N_ROWS // CHUNK
ITERS = -(-NCHUNK_TOT // NW)
PAIRS = ITERS // 2


def _compute_chunk(in_buf, out_buf, iota2):
    def row_body(r):
        rvec = jnp.full((16,), r, dtype=jnp.int32)
        for v in range(D_OUT // 16):
            ce = iota2 + (32 * v)
            e = plsc.load_gather(in_buf, [rvec, ce])
            o = plsc.load_gather(in_buf, [rvec, ce + 1])
            out_buf[r, pl.ds(16 * v, 16)] = (e + o) * 0.5

    plsc.parallel_loop(0, CHUNK, unroll=2)(row_body)


def _sc_body(w_hbm, out_hbm, in_buf, out_buf, in_sem0, in_sem1, out_sem0, out_sem1):
    wid = lax.axis_index("s") * NC + lax.axis_index("c")
    iota2 = lax.iota(jnp.int32, 16) * 2
    in_sems = (in_sem0, in_sem1)
    out_sems = (out_sem0, out_sem1)

    def chunk_of(t):
        c = wid + t * NW
        return jnp.where(c < NCHUNK_TOT, c, wid)

    def start_in(t, slot):
        r0 = pl.multiple_of(chunk_of(t) * CHUNK, 8)
        pltpu.make_async_copy(
            w_hbm.at[pl.ds(r0, CHUNK)], in_buf.at[slot], in_sems[slot]
        ).start()

    def wait_in(slot):
        pltpu.make_async_copy(
            w_hbm.at[pl.ds(0, CHUNK)], in_buf.at[slot], in_sems[slot]
        ).wait()

    def start_out(t, slot):
        r0 = pl.multiple_of(chunk_of(t) * CHUNK, 8)
        pltpu.make_async_copy(
            out_buf.at[slot], out_hbm.at[pl.ds(r0, CHUNK)], out_sems[slot]
        ).start()

    def wait_out(slot):
        pltpu.make_async_copy(
            out_buf.at[slot], out_hbm.at[pl.ds(0, CHUNK)], out_sems[slot]
        ).wait()

    start_in(0, 0)

    def pair_body(k, carry):
        t0 = 2 * k
        start_in(t0 + 1, 1)
        wait_in(0)

        @pl.when(k > 0)
        def _():
            wait_out(0)

        _compute_chunk(in_buf.at[0], out_buf.at[0], iota2)
        start_out(t0, 0)

        @pl.when(k < PAIRS - 1)
        def _():
            start_in(t0 + 2, 0)

        wait_in(1)

        @pl.when(k > 0)
        def _():
            wait_out(1)

        _compute_chunk(in_buf.at[1], out_buf.at[1], iota2)
        start_out(t0 + 1, 1)
        return carry

    lax.fori_loop(0, PAIRS, pair_body, 0)
    wait_out(0)
    wait_out(1)


def kernel(W):
    mesh = plsc.VectorSubcoreMesh(core_axis_name="c", subcore_axis_name="s")
    f = functools.partial(
        pl.kernel,
        mesh=mesh,
        out_type=jax.ShapeDtypeStruct((N_ROWS, D_OUT), jnp.float32),
        compiler_params=pltpu.CompilerParams(
            needs_layout_passes=False, disable_bounds_checks=True
        ),
        scratch_types=[
            pltpu.VMEM((2, CHUNK, D_IN), jnp.float32),
            pltpu.VMEM((2, CHUNK, D_OUT), jnp.float32),
            pltpu.SemaphoreType.DMA,
            pltpu.SemaphoreType.DMA,
            pltpu.SemaphoreType.DMA,
            pltpu.SemaphoreType.DMA,
        ],
    )(_sc_body)
    return f(W)

# --- scband reference (transcript-rebuilt; emitter-appended) ---
"""Pipeline reference for scband-clip-prompter-without-encoder-49855980372060 (READ-ONLY COPY).

The authoritative reference and input builder live on the scoring server;
editing this copy changes nothing except your own understanding.
"""

import jax, jax.numpy as jnp
import numpy as np

# CLIP_Prompter_WithoutEncoder: the effective forward is get_prompts(), which takes
# no tensor inputs and reads the learnable prompt embedding table for the current
# task (task_step=1 -> classes[1]=100000 rows, prompt_dim=512).
# prompts = weight.unsqueeze(1).reshape(-1, 256, 2).mean(dim=-1)

N_CLASSES = 100000
PROMPT_DIM = 512


def setup_inputs(seed: int = 0) -> dict:
    key = jax.random.key(seed)
    # learnable prompt embedding table for task_step=1 (nn.Embedding default init ~ N(0,1))
    W = jax.random.normal(key, (N_CLASSES, PROMPT_DIM), dtype=jnp.float32)
    return {"W": W}


def reference(W) -> jnp.ndarray:
    # weight.unsqueeze(1): [N, D] -> [N, 1, D]
    prompts = W[:, None, :]
    # reshape(-1, 256, 2).mean(dim=-1): averages adjacent pairs of features
    prompts = prompts.reshape(-1, 256, 2).mean(axis=-1)
    return prompts

if __name__ == "__main__":
    import jax
    _d = setup_inputs()
    print(jax.jit(kernel)(*tuple(_d.values())))

</pallas_src>

<mosaic_0001>
#map = affine_map<(d0, d1) -> (0, 0)>
module attributes {stable_mosaic.version = 14 : i64} {
  func.func @_sc_body(%arg0: i32, %arg1: i32, %arg2: memref<100000x512xf32, #tpu.memory_space<hbm>>, %arg3: memref<100000x256xf32, #tpu.memory_space<hbm>>, %arg4: memref<2x80x512xf32, #tpu.memory_space<vmem>>, %arg5: memref<2x80x256xf32, #tpu.memory_space<vmem>>, %arg6: memref<!tpu.dma_semaphore, #tpu.memory_space<semaphore_mem>>, %arg7: memref<!tpu.dma_semaphore, #tpu.memory_space<semaphore_mem>>, %arg8: memref<!tpu.dma_semaphore, #tpu.memory_space<semaphore_mem>>, %arg9: memref<!tpu.dma_semaphore, #tpu.memory_space<semaphore_mem>>) attributes {dimension_semantics = [#tpu.dimension_semantics<core_parallel>, #tpu.dimension_semantics<subcore_parallel>], iteration_bounds = array<i64: 2, 16>, scalar_prefetch = 0 : i64, scratch_operands = 6 : i64, tpu.core_type = #tpu.core_type<sc_vector_subcore>, window_params = [{transform_indices = #map}, {transform_indices = #map}]} {
    %mul3A = arith.constant 2 : i32
    %mul3A_0 = arith.muli %arg1, %mul3A : i32
    %add3A = arith.addi %mul3A_0, %arg0 : i32
    %iota3A = tpu.iota {dimensions = array<i32: 0>} : vector<16xi32>
    %mul3A_1 = arith.constant 2 : i32
    %mul3A_2 = vector.broadcast %mul3A_1 : i32 to vector<16xi32>
    %mul3A_3 = arith.muli %iota3A, %mul3A_2 : vector<16xi32>
    %add3A_4 = arith.constant 0 : i32
    %add3A_5 = arith.addi %add3A, %add3A_4 : i32
    %lt3A = arith.constant 1250 : i32
    %lt3A_6 = arith.cmpi slt, %add3A_5, %lt3A : i32
    %select_n3A = arith.select %lt3A_6, %add3A_5, %add3A : i32
    %mul3A_7 = arith.constant 80 : i32
    %mul3A_8 = arith.muli %select_n3A, %mul3A_7 : i32
    %multiple_of3A = tpu.assume_multiple %mul3A_8, 8 : i32
    %dma_start3A = arith.constant 0 : i32
    %dma_start3A_9 = arith.constant 0 : i32
    %dma_start3A_10 = arith.constant 0 : i32
    %dma_start3A_11 = tpu.memref_slice %arg4[%dma_start3A, %dma_start3A_9, %dma_start3A_10] : memref<2x80x512xf32, #tpu.memory_space<vmem>> -> memref<1x80x512xf32, #tpu.memory_space<vmem>>
    %dma_start3A_12 = tpu.memref_squeeze %dma_start3A_11 : memref<1x80x512xf32, #tpu.memory_space<vmem>> -> memref<80x512xf32, #tpu.memory_space<vmem>>
    %dma_start3A_13 = arith.constant 0 : i32
    %dma_start3A_14 = tpu.memref_slice %arg2[%multiple_of3A, %dma_start3A_13] : memref<100000x512xf32, #tpu.memory_space<hbm>> -> memref<80x512xf32, #tpu.memory_space<hbm>>
    %dma_start3A_15 = arith.constant 0 : i32
    %dma_start3A_16 = arith.constant 0 : i32
    %dma_start3A_17 = tpu.memref_slice %arg4[%dma_start3A, %dma_start3A_15, %dma_start3A_16] : memref<2x80x512xf32, #tpu.memory_space<vmem>> -> memref<1x80x512xf32, #tpu.memory_space<vmem>>
    %dma_start3A_18 = tpu.memref_squeeze %dma_start3A_17 : memref<1x80x512xf32, #tpu.memory_space<vmem>> -> memref<80x512xf32, #tpu.memory_space<vmem>>
    %dma_start3A_19 = arith.constant 0 : i32
    %dma_start3A_20 = tpu.memref_slice %arg2[%multiple_of3A, %dma_start3A_19] : memref<100000x512xf32, #tpu.memory_space<hbm>> -> memref<80x512xf32, #tpu.memory_space<hbm>>
    tpu.enqueue_dma source(%dma_start3A_20 : memref<80x512xf32, #tpu.memory_space<hbm>>) target(%dma_start3A_18 : memref<80x512xf32, #tpu.memory_space<vmem>>) target_semaphore(%arg6 : memref<!tpu.dma_semaphore, #tpu.memory_space<semaphore_mem>>)
    %scan3A = arith.constant 0 : i32
    %scan3A_21 = arith.constant 0 : i32
    %scan3A_22 = arith.constant 20 : i32
    %scan3A_23 = arith.addi %scan3A_21, %scan3A_22 : i32
    %scan3A_24 = arith.constant 1 : i32
    scf.for %scan3A_55 = %scan3A_21 to %scan3A_23 step %scan3A_24  : i32 {
      %mul3A_56 = arith.constant 2 : i32
      %mul3A_57 = arith.muli %mul3A_56, %scan3A_55 : i32
      %add3A_58 = arith.constant 1 : i32
      %add3A_59 = arith.addi %mul3A_57, %add3A_58 : i32
      %mul3A_60 = arith.constant 32 : i32
      %mul3A_61 = arith.muli %add3A_59, %mul3A_60 : i32
      %add3A_62 = arith.addi %add3A, %mul3A_61 : i32
      %lt3A_63 = arith.constant 1250 : i32
      %lt3A_64 = arith.cmpi slt, %add3A_62, %lt3A_63 : i32
      %select_n3A_65 = arith.select %lt3A_64, %add3A_62, %add3A : i32
      %mul3A_66 = arith.constant 80 : i32
      %mul3A_67 = arith.muli %select_n3A_65, %mul3A_66 : i32
      %multiple_of3A_68 = tpu.assume_multiple %mul3A_67, 8 : i32
      %dma_start3A_69 = arith.constant 1 : i32
      %dma_start3A_70 = arith.constant 0 : i32
      %dma_start3A_71 = arith.constant 0 : i32
      %dma_start3A_72 = tpu.memref_slice %arg4[%dma_start3A_69, %dma_start3A_70, %dma_start3A_71] : memref<2x80x512xf32, #tpu.memory_space<vmem>> -> memref<1x80x512xf32, #tpu.memory_space<vmem>>
      %dma_start3A_73 = tpu.memref_squeeze %dma_start3A_72 : memref<1x80x512xf32, #tpu.memory_space<vmem>> -> memref<80x512xf32, #tpu.memory_space<vmem>>
      %dma_start3A_74 = arith.constant 0 : i32
      %dma_start3A_75 = tpu.memref_slice %arg2[%multiple_of3A_68, %dma_start3A_74] : memref<100000x512xf32, #tpu.memory_space<hbm>> -> memref<80x512xf32, #tpu.memory_space<hbm>>
      %dma_start3A_76 = arith.constant 0 : i32
      %dma_start3A_77 = arith.constant 0 : i32
      %dma_start3A_78 = tpu.memref_slice %arg4[%dma_start3A_69, %dma_start3A_76, %dma_start3A_77] : memref<2x80x512xf32, #tpu.memory_space<vmem>> -> memref<1x80x512xf32, #tpu.memory_space<vmem>>
      %dma_start3A_79 = tpu.memref_squeeze %dma_start3A_78 : memref<1x80x512xf32, #tpu.memory_space<vmem>> -> memref<80x512xf32, #tpu.memory_space<vmem>>
      %dma_start3A_80 = arith.constant 0 : i32
      %dma_start3A_81 = tpu.memref_slice %arg2[%multiple_of3A_68, %dma_start3A_80] : memref<100000x512xf32, #tpu.memory_space<hbm>> -> memref<80x512xf32, #tpu.memory_space<hbm>>
      tpu.enqueue_dma source(%dma_start3A_81 : memref<80x512xf32, #tpu.memory_space<hbm>>) target(%dma_start3A_79 : memref<80x512xf32, #tpu.memory_space<vmem>>) target_semaphore(%arg7 : memref<!tpu.dma_semaphore, #tpu.memory_space<semaphore_mem>>)
      %dma_wait3A_82 = arith.constant 0 : i32
      %dma_wait3A_83 = arith.constant 0 : i32
      %dma_wait3A_84 = arith.constant 0 : i32
      %dma_wait3A_85 = tpu.memref_slice %arg4[%dma_wait3A_82, %dma_wait3A_83, %dma_wait3A_84] : memref<2x80x512xf32, #tpu.memory_space<vmem>> -> memref<1x80x512xf32, #tpu.memory_space<vmem>>
      %dma_wait3A_86 = tpu.memref_squeeze %dma_wait3A_85 : memref<1x80x512xf32, #tpu.memory_space<vmem>> -> memref<80x512xf32, #tpu.memory_space<vmem>>
      %dma_wait3A_87 = arith.constant 0 : i32
      %dma_wait3A_88 = arith.constant 0 : i32
      %dma_wait3A_89 = tpu.memref_slice %arg2[%dma_wait3A_87, %dma_wait3A_88] : memref<100000x512xf32, #tpu.memory_space<hbm>> -> memref<80x512xf32, #tpu.memory_space<hbm>>
      %dma_wait3A_90 = arith.constant 0 : i32
      %dma_wait3A_91 = arith.constant 0 : i32
      %dma_wait3A_92 = tpu.memref_slice %arg4[%dma_wait3A_82, %dma_wait3A_90, %dma_wait3A_91] : memref<2x80x512xf32, #tpu.memory_space<vmem>> -> memref<1x80x512xf32, #tpu.memory_space<vmem>>
      %dma_wait3A_93 = tpu.memref_squeeze %dma_wait3A_92 : memref<1x80x512xf32, #tpu.memory_space<vmem>> -> memref<80x512xf32, #tpu.memory_space<vmem>>
      %dma_wait3A_94 = arith.constant 0 : i32
      %dma_wait3A_95 = arith.constant 0 : i32
      %dma_wait3A_96 = tpu.memref_slice %arg2[%dma_wait3A_94, %dma_wait3A_95] : memref<100000x512xf32, #tpu.memory_space<hbm>> -> memref<80x512xf32, #tpu.memory_space<hbm>>
      tpu.wait_dma2 semaphore(%arg6 : memref<!tpu.dma_semaphore, #tpu.memory_space<semaphore_mem>>) src(%dma_wait3A_96 : memref<80x512xf32, #tpu.memory_space<hbm>>) dst(%dma_wait3A_93 : memref<80x512xf32, #tpu.memory_space<vmem>>)
      %gt3A = arith.constant 0 : i32
      %gt3A_97 = arith.cmpi sgt, %scan3A_55, %gt3A : i32
      %convert_element_type3A = arith.extui %gt3A_97 : i1 to i32
      %cond3A = arith.constant 0 : i32
      %cond3A_98 = arith.cmpi ne, %convert_element_type3A, %cond3A : i32
      scf.if %cond3A_98 {
        %dma_wait3A_179 = arith.constant 0 : i32
        %dma_wait3A_180 = arith.constant 0 : i32
        %dma_wait3A_181 = arith.constant 0 : i32
        %dma_wait3A_182 = tpu.memref_slice %arg5[%dma_wait3A_179, %dma_wait3A_180, %dma_wait3A_181] : memref<2x80x256xf32, #tpu.memory_space<vmem>> -> memref<1x80x256xf32, #tpu.memory_space<vmem>>
        %dma_wait3A_183 = tpu.memref_squeeze %dma_wait3A_182 : memref<1x80x256xf32, #tpu.memory_space<vmem>> -> memref<80x256xf32, #tpu.memory_space<vmem>>
        %dma_wait3A_184 = arith.constant 0 : i32
        %dma_wait3A_185 = arith.constant 0 : i32
        %dma_wait3A_186 = tpu.memref_slice %arg3[%dma_wait3A_184, %dma_wait3A_185] : memref<100000x256xf32, #tpu.memory_space<hbm>> -> memref<80x256xf32, #tpu.memory_space<hbm>>
        %dma_wait3A_187 = arith.constant 0 : i32
        %dma_wait3A_188 = arith.constant 0 : i32
        %dma_wait3A_189 = tpu.memref_slice %arg3[%dma_wait3A_187, %dma_wait3A_188] : memref<100000x256xf32, #tpu.memory_space<hbm>> -> memref<80x256xf32, #tpu.memory_space<hbm>>
        %dma_wait3A_190 = arith.constant 0 : i32
        %dma_wait3A_191 = arith.constant 0 : i32
        %dma_wait3A_192 = tpu.memref_slice %arg5[%dma_wait3A_179, %dma_wait3A_190, %dma_wait3A_191] : memref<2x80x256xf32, #tpu.memory_space<vmem>> -> memref<1x80x256xf32, #tpu.memory_space<vmem>>
        %dma_wait3A_193 = tpu.memref_squeeze %dma_wait3A_192 : memref<1x80x256xf32, #tpu.memory_space<vmem>> -> memref<80x256xf32, #tpu.memory_space<vmem>>
        tpu.wait_dma2 semaphore(%arg8 : memref<!tpu.dma_semaphore, #tpu.memory_space<semaphore_mem>>) src(%dma_wait3A_193 : memref<80x256xf32, #tpu.memory_space<vmem>>) dst(%dma_wait3A_189 : memref<80x256xf32, #tpu.memory_space<hbm>>)
      } else {
      }
      %parallel_loop3A = arith.constant 0 : i32
      %parallel_loop3A_99 = arith.constant 80 : i32
      %parallel_loop3A_100 = arith.constant 1 : i32
      %parallel_loop3A_101 = arith.constant 0 : i32
      %parallel_loop3A_102 = arith.constant 0 : i32
      scf.for %parallel_loop3A_179 = %parallel_loop3A to %parallel_loop3A_99 step %parallel_loop3A_100  : i32 {
        %parallel_loop3A_180 = vector.broadcast %parallel_loop3A_179 : i32 to vector<16xi32>
        %parallel_loop3A_181 = arith.constant 0 : i32
        %parallel_loop3A_182 = vector.broadcast %parallel_loop3A_181 : i32 to vector<16xi32>
        %parallel_loop3A_183 = arith.addi %mul3A_3, %parallel_loop3A_182 : vector<16xi32>
        %parallel_loop3A_184 = arith.constant 0 : i32
        %parallel_loop3A_185 = arith.constant 0 : i32
        %parallel_loop3A_186 = tpu.memref_slice %arg4[%parallel_loop3A_101, %parallel_loop3A_184, %parallel_loop3A_185] : memref<2x80x512xf32, #tpu.memory_space<vmem>> -> memref<1x80x512xf32, #tpu.memory_space<vmem>>
        %parallel_loop3A_187 = tpu.memref_squeeze %parallel_loop3A_186 : memref<1x80x512xf32, #tpu.memory_space<vmem>> -> memref<80x512xf32, #tpu.memory_space<vmem>>
        %parallel_loop3A_188 = tpu.vector_load_idx %parallel_loop3A_187[%parallel_loop3A_180, %parallel_loop3A_183] : memref<80x512xf32, #tpu.memory_space<vmem>>[vector<16xi32>, vector<16xi32>], vector<16xf32>,
        %parallel_loop3A_189 = arith.constant 1 : i32
        %parallel_loop3A_190 = vector.broadcast %parallel_loop3A_189 : i32 to vector<16xi32>
        %parallel_loop3A_191 = arith.addi %parallel_loop3A_183, %parallel_loop3A_190 : vector<16xi32>
        %parallel_loop3A_192 = arith.constant 0 : i32
        %parallel_loop3A_193 = arith.constant 0 : i32
        %parallel_loop3A_194 = tpu.memref_slice %arg4[%parallel_loop3A_101, %parallel_loop3A_192, %parallel_loop3A_193] : memref<2x80x512xf32, #tpu.memory_space<vmem>> -> memref<1x80x512xf32, #tpu.memory_space<vmem>>
        %parallel_loop3A_195 = tpu.memref_squeeze %parallel_loop3A_194 : memref<1x80x512xf32, #tpu.memory_space<vmem>> -> memref<80x512xf32, #tpu.memory_space<vmem>>
        %parallel_loop3A_196 = tpu.vector_load_idx %parallel_loop3A_195[%parallel_loop3A_180, %parallel_loop3A_191] : memref<80x512xf32, #tpu.memory_space<vmem>>[vector<16xi32>, vector<16xi32>], vector<16xf32>,
        %parallel_loop3A_197 = arith.addf %parallel_loop3A_188, %parallel_loop3A_196 : vector<16xf32>
        %parallel_loop3A_198 = arith.constant 5.000000e-01 : f32
        %parallel_loop3A_199 = vector.broadcast %parallel_loop3A_198 : f32 to vector<16xf32>
        %parallel_loop3A_200 = arith.mulf %parallel_loop3A_197, %parallel_loop3A_199 : vector<16xf32>
        %parallel_loop3A_201 = arith.constant 0 : i32
        %parallel_loop3A_202 = arith.constant 0 : i32
        %parallel_loop3A_203 = tpu.memref_slice %arg5[%parallel_loop3A_102, %parallel_loop3A_201, %parallel_loop3A_202] : memref<2x80x256xf32, #tpu.memory_space<vmem>> -> memref<1x80x256xf32, #tpu.memory_space<vmem>>
        %parallel_loop3A_204 = tpu.memref_squeeze %parallel_loop3A_203 : memref<1x80x256xf32, #tpu.memory_space<vmem>> -> memref<80x256xf32, #tpu.memory_space<vmem>>
        %parallel_loop3A_205 = arith.index_cast %parallel_loop3A_179 : i32 to index
        %parallel_loop3A_206 = arith.constant 0 : index
        %parallel_loop3A_207 = tpu.vector_load %parallel_loop3A_204[%parallel_loop3A_205, %parallel_loop3A_206] {strides = array<i32>} : memref<80x256xf32, #tpu.memory_space<vmem>>, vector<16xf32>,
        tpu.vector_store %parallel_loop3A_204[%parallel_loop3A_205, %parallel_loop3A_206], %parallel_loop3A_200 {strides = array<i32>} : memref<80x256xf32, #tpu.memory_space<vmem>>, vector<16xf32>,
        %parallel_loop3A_208 = arith.constant 32 : i32
        %parallel_loop3A_209 = vector.broadcast %parallel_loop3A_208 : i32 to vector<16xi32>
        %parallel_loop3A_210 = arith.addi %mul3A_3, %parallel_loop3A_209 : vector<16xi32>
        %parallel_loop3A_211 = arith.constant 0 : i32
        %parallel_loop3A_212 = arith.constant 0 : i32
        %parallel_loop3A_213 = tpu.memref_slice %arg4[%parallel_loop3A_101, %parallel_loop3A_211, %parallel_loop3A_212] : memref<2x80x512xf32, #tpu.memory_space<vmem>> -> memref<1x80x512xf32, #tpu.memory_space<vmem>>
        %parallel_loop3A_214 = tpu.memref_squeeze %parallel_loop3A_213 : memref<1x80x512xf32, #tpu.memory_space<vmem>> -> memref<80x512xf32, #tpu.memory_space<vmem>>
        %parallel_loop3A_215 = tpu.vector_load_idx %parallel_loop3A_214[%parallel_loop3A_180, %parallel_loop3A_210] : memref<80x512xf32, #tpu.memory_space<vmem>>[vector<16xi32>, vector<16xi32>], vector<16xf32>,
        %parallel_loop3A_216 = arith.constant 1 : i32
        %parallel_loop3A_217 = vector.broadcast %parallel_loop3A_216 : i32 to vector<16xi32>
        %parallel_loop3A_218 = arith.addi %parallel_loop3A_210, %parallel_loop3A_217 : vector<16xi32>
        %parallel_loop3A_219 = arith.constant 0 : i32
        %parallel_loop3A_220 = arith.constant 0 : i32
        %parallel_loop3A_221 = tpu.memref_slice %arg4[%parallel_loop3A_101, %parallel_loop3A_219, %parallel_loop3A_220] : memref<2x80x512xf32, #tpu.memory_space<vmem>> -> memref<1x80x512xf32, #tpu.memory_space<vmem>>
        %parallel_loop3A_222 = tpu.memref_squeeze %parallel_loop3A_221 : memref<1x80x512xf32, #tpu.memory_space<vmem>> -> memref<80x512xf32, #tpu.memory_space<vmem>>
        %parallel_loop3A_223 = tpu.vector_load_idx %parallel_loop3A_222[%parallel_loop3A_180, %parallel_loop3A_218] : memref<80x512xf32, #tpu.memory_space<vmem>>[vector<16xi32>, vector<16xi32>], vector<16xf32>,
        %parallel_loop3A_224 = arith.addf %parallel_loop3A_215, %parallel_loop3A_223 : vector<16xf32>
        %parallel_loop3A_225 = arith.constant 5.000000e-01 : f32
        %parallel_loop3A_226 = vector.broadcast %parallel_loop3A_225 : f32 to vector<16xf32>
        %parallel_loop3A_227 = arith.mulf %parallel_loop3A_224, %parallel_loop3A_226 : vector<16xf32>
        %parallel_loop3A_228 = arith.constant 0 : i32
        %parallel_loop3A_229 = arith.constant 0 : i32
        %parallel_loop3A_230 = tpu.memref_slice %arg5[%parallel_loop3A_102, %parallel_loop3A_228, %parallel_loop3A_229] : memref<2x80x256xf32, #tpu.memory_space<vmem>> -> memref<1x80x256xf32, #tpu.memory_space<vmem>>
        %parallel_loop3A_231 = tpu.memref_squeeze %parallel_loop3A_230 : memref<1x80x256xf32, #tpu.memory_space<vmem>> -> memref<80x256xf32, #tpu.memory_space<vmem>>
        %parallel_loop3A_232 = arith.index_cast %parallel_loop3A_179 : i32 to index
        %parallel_loop3A_233 = arith.constant 16 : index
        %parallel_loop3A_234 = tpu.vector_load %parallel_loop3A_231[%parallel_loop3A_232, %parallel_loop3A_233] {strides = array<i32>} : memref<80x256xf32, #tpu.memory_space<vmem>>, vector<16xf32>,
        tpu.vector_store %parallel_loop3A_231[%parallel_loop3A_232, %parallel_loop3A_233], %parallel_loop3A_227 {strides = array<i32>} : memref<80x256xf32, #tpu.memory_space<vmem>>, vector<16xf32>,
        %parallel_loop3A_235 = arith.constant 64 : i32
        %parallel_loop3A_236 = vector.broadcast %parallel_loop3A_235 : i32 to vector<16xi32>
        %parallel_loop3A_237 = arith.addi %mul3A_3, %parallel_loop3A_236 : vector<16xi32>
        %parallel_loop3A_238 = arith.constant 0 : i32
        %parallel_loop3A_239 = arith.constant 0 : i32
        %parallel_loop3A_240 = tpu.memref_slice %arg4[%parallel_loop3A_101, %parallel_loop3A_238, %parallel_loop3A_239] : memref<2x80x512xf32, #tpu.memory_space<vmem>> -> memref<1x80x512xf32, #tpu.memory_space<vmem>>
        %parallel_loop3A_241 = tpu.memref_squeeze %parallel_loop3A_240 : memref<1x80x512xf32, #tpu.memory_space<vmem>> -> memref<80x512xf32, #tpu.memory_space<vmem>>
        %parallel_loop3A_242 = tpu.vector_load_idx %parallel_loop3A_241[%parallel_loop3A_180, %parallel_loop3A_237] : memref<80x512xf32, #tpu.memory_space<vmem>>[vector<16xi32>, vector<16xi32>], vector<16xf32>,
        %parallel_loop3A_243 = arith.constant 1 : i32
        %parallel_loop3A_244 = vector.broadcast %parallel_loop3A_243 : i32 to vector<16xi32>
        %parallel_loop3A_245 = arith.addi %parallel_loop3A_237, %parallel_loop3A_244 : vector<16xi32>
        %parallel_loop3A_246 = arith.constant 0 : i32
        %parallel_loop3A_247 = arith.constant 0 : i32
        %parallel_loop3A_248 = tpu.memref_slice %arg4[%parallel_loop3A_101, %parallel_loop3A_246, %parallel_loop3A_247] : memref<2x80x512xf32, #tpu.memory_space<vmem>> -> memref<1x80x512xf32, #tpu.memory_space<vmem>>
        %parallel_loop3A_249 = tpu.memref_squeeze %parallel_loop3A_248 : memref<1x80x512xf32, #tpu.memory_space<vmem>> -> memref<80x512xf32, #tpu.memory_space<vmem>>
        %parallel_loop3A_250 = tpu.vector_load_idx %parallel_loop3A_249[%parallel_loop3A_180, %parallel_loop3A_245] : memref<80x512xf32, #tpu.memory_space<vmem>>[vector<16xi32>, vector<16xi32>], vector<16xf32>,
        %parallel_loop3A_251 = arith.addf %parallel_loop3A_242, %parallel_loop3A_250 : vector<16xf32>
        %parallel_loop3A_252 = arith.constant 5.000000e-01 : f32
        %parallel_loop3A_253 = vector.broadcast %parallel_loop3A_252 : f32 to vector<16xf32>
        %parallel_loop3A_254 = arith.mulf %parallel_loop3A_251, %parallel_loop3A_253 : vector<16xf32>
        %parallel_loop3A_255 = arith.constant 0 : i32
        %parallel_loop3A_256 = arith.constant 0 : i32
        %parallel_loop3A_257 = tpu.memref_slice %arg5[%parallel_loop3A_102, %parallel_loop3A_255, %parallel_loop3A_256] : memref<2x80x256xf32, #tpu.memory_space<vmem>> -> memref<1x80x256xf32, #tpu.memory_space<vmem>>
        %parallel_loop3A_258 = tpu.memref_squeeze %parallel_loop3A_257 : memref<1x80x256xf32, #tpu.memory_space<vmem>> -> memref<80x256xf32, #tpu.memory_space<vmem>>
        %parallel_loop3A_259 = arith.index_cast %parallel_loop3A_179 : i32 to index
        %parallel_loop3A_260 = arith.constant 32 : index
        %parallel_loop3A_261 = tpu.vector_load %parallel_loop3A_258[%parallel_loop3A_259, %parallel_loop3A_260] {strides = array<i32>} : memref<80x256xf32, #tpu.memory_space<vmem>>, vector<16xf32>,
        tpu.vector_store %parallel_loop3A_258[%parallel_loop3A_259, %parallel_loop3A_260], %parallel_loop3A_254 {strides = array<i32>} : memref<80x256xf32, #tpu.memory_space<vmem>>, vector<16xf32>,
        %parallel_loop3A_262 = arith.constant 96 : i32
        %parallel_loop3A_263 = vector.broadcast %parallel_loop3A_262 : i32 to vector<16xi32>
        %parallel_loop3A_264 = arith.addi %mul3A_3, %parallel_loop3A_263 : vector<16xi32>
        %parallel_loop3A_265 = arith.constant 0 : i32
        %parallel_loop3A_266 = arith.constant 0 : i32
        %parallel_loop3A_267 = tpu.memref_slice %arg4[%parallel_loop3A_101, %parallel_loop3A_265, %parallel_loop3A_266] : memref<2x80x512xf32, #tpu.memory_space<vmem>> -> memref<1x80x512xf32, #tpu.memory_space<vmem>>
        %parallel_loop3A_268 = tpu.memref_squeeze %parallel_loop3A_267 : memref<1x80x512xf32, #tpu.memory_space<vmem>> -> memref<80x512xf32, #tpu.memory_space<vmem>>
        %parallel_loop3A_269 = tpu.vector_load_idx %parallel_loop3A_268[%parallel_loop3A_180, %parallel_loop3A_264] : memref<80x512xf32, #tpu.memory_space<vmem>>[vector<16xi32>, vector<16xi32>], vector<16xf32>,
        %parallel_loop3A_270 = arith.constant 1 : i32
        %parallel_loop3A_271 = vector.broadcast %parallel_loop3A_270 : i32 to vector<16xi32>
        %parallel_loop3A_272 = arith.addi %parallel_loop3A_264, %parallel_loop3A_271 : vector<16xi32>
        %parallel_loop3A_273 = arith.constant 0 : i32
        %parallel_loop3A_274 = arith.constant 0 : i32
        %parallel_loop3A_275 = tpu.memref_slice %arg4[%parallel_loop3A_101, %parallel_loop3A_273, %parallel_loop3A_274] : memref<2x80x512xf32, #tpu.memory_space<vmem>> -> memref<1x80x512xf32, #tpu.memory_space<vmem>>
        %parallel_loop3A_276 = tpu.memref_squeeze %parallel_loop3A_275 : memref<1x80x512xf32, #tpu.memory_space<vmem>> -> memref<80x512xf32, #tpu.memory_space<vmem>>
        %parallel_loop3A_277 = tpu.vector_load_idx %parallel_loop3A_276[%parallel_loop3A_180, %parallel_loop3A_272] : memref<80x512xf32, #tpu.memory_space<vmem>>[vector<16xi32>, vector<16xi32>], vector<16xf32>,
        %parallel_loop3A_278 = arith.addf %parallel_loop3A_269, %parallel_loop3A_277 : vector<16xf32>
        %parallel_loop3A_279 = arith.constant 5.000000e-01 : f32
        %parallel_loop3A_280 = vector.broadcast %parallel_loop3A_279 : f32 to vector<16xf32>
        %parallel_loop3A_281 = arith.mulf %parallel_loop3A_278, %parallel_loop3A_280 : vector<16xf32>
        %parallel_loop3A_282 = arith.constant 0 : i32
        %parallel_loop3A_283 = arith.constant 0 : i32
        %parallel_loop3A_284 = tpu.memref_slice %arg5[%parallel_loop3A_102, %parallel_loop3A_282, %parallel_loop3A_283] : memref<2x80x256xf32, #tpu.memory_space<vmem>> -> memref<1x80x256xf32, #tpu.memory_space<vmem>>
        %parallel_loop3A_285 = tpu.memref_squeeze %parallel_loop3A_284 : memref<1x80x256xf32, #tpu.memory_space<vmem>> -> memref<80x256xf32, #tpu.memory_space<vmem>>
        %parallel_loop3A_286 = arith.index_cast %parallel_loop3A_179 : i32 to index
        %parallel_loop3A_287 = arith.constant 48 : index
        %parallel_loop3A_288 = tpu.vector_load %parallel_loop3A_285[%parallel_loop3A_286, %parallel_loop3A_287] {strides = array<i32>} : memref<80x256xf32, #tpu.memory_space<vmem>>, vector<16xf32>,
        tpu.vector_store %parallel_loop3A_285[%parallel_loop3A_286, %parallel_loop3A_287], %parallel_loop3A_281 {strides = array<i32>} : memref<80x256xf32, #tpu.memory_space<vmem>>, vector<16xf32>,
        %parallel_loop3A_289 = arith.constant 128 : i32
        %parallel_loop3A_290 = vector.broadcast %parallel_loop3A_289 : i32 to vector<16xi32>
        %parallel_loop3A_291 = arith.addi %mul3A_3, %parallel_loop3A_290 : vector<16xi32>
        %parallel_loop3A_292 = arith.constant 0 : i32
        %parallel_loop3A_293 = arith.constant 0 : i32
        %parallel_loop3A_294 = tpu.memref_slice %arg4[%parallel_loop3A_101, %parallel_loop3A_292, %parallel_loop3A_293] : memref<2x80x512xf32, #tpu.memory_space<vmem>> -> memref<1x80x512xf32, #tpu.memory_space<vmem>>
        %parallel_loop3A_295 = tpu.memref_squeeze %parallel_loop3A_294 : memref<1x80x512xf32, #tpu.memory_space<vmem>> -> memref<80x512xf32, #tpu.memory_space<vmem>>
        %parallel_loop3A_296 = tpu.vector_load_idx %parallel_loop3A_295[%parallel_loop3A_180, %parallel_loop3A_291] : memref<80x512xf32, #tpu.memory_space<vmem>>[vector<16xi32>, vector<16xi32>], vector<16xf32>,
        %parallel_loop3A_297 = arith.constant 1 : i32
        %parallel_loop3A_298 = vector.broadcast %parallel_loop3A_297 : i32 to vector<16xi32>
        %parallel_loop3A_299 = arith.addi %parallel_loop3A_291, %parallel_loop3A_298 : vector<16xi32>
        %parallel_loop3A_300 = arith.constant 0 : i32
        %parallel_loop3A_301 = arith.constant 0 : i32
        %parallel_loop3A_302 = tpu.memref_slice %arg4[%parallel_loop3A_101, %parallel_loop3A_300, %parallel_loop3A_301] : memref<2x80x512xf32, #tpu.memory_space<vmem>> -> memref<1x80x512xf32, #tpu.memory_space<vmem>>
        %parallel_loop3A_303 = tpu.memref_squeeze %parallel_loop3A_302 : memref<1x80x512xf32, #tpu.memory_space<vmem>> -> memref<80x512xf32, #tpu.memory_space<vmem>>
        %parallel_loop3A_304 = tpu.vector_load_idx %parallel_loop3A_303[%parallel_loop3A_180, %parallel_loop3A_299] : memref<80x512xf32, #tpu.memory_space<vmem>>[vector<16xi32>, vector<16xi32>], vector<16xf32>,
        %parallel_loop3A_305 = arith.addf %parallel_loop3A_296, %parallel_loop3A_304 : vector<16xf32>
        %parallel_loop3A_306 = arith.constant 5.000000e-01 : f32
        %parallel_loop3A_307 = vector.broadcast %parallel_loop3A_306 : f32 to vector<16xf32>
        %parallel_loop3A_308 = arith.mulf %parallel_loop3A_305, %parallel_loop3A_307 : vector<16xf32>
        %parallel_loop3A_309 = arith.constant 0 : i32
        %parallel_loop3A_310 = arith.constant 0 : i32
        %parallel_loop3A_311 = tpu.memref_slice %arg5[%parallel_loop3A_102, %parallel_loop3A_309, %parallel_loop3A_310] : memref<2x80x256xf32, #tpu.memory_space<vmem>> -> memref<1x80x256xf32, #tpu.memory_space<vmem>>
        %parallel_loop3A_312 = tpu.memref_squeeze %parallel_loop3A_311 : memref<1x80x256xf32, #tpu.memory_space<vmem>> -> memref<80x256xf32, #tpu.memory_space<vmem>>
        %parallel_loop3A_313 = arith.index_cast %parallel_loop3A_179 : i32 to index
        %parallel_loop3A_314 = arith.constant 64 : index
        %parallel_loop3A_315 = tpu.vector_load %parallel_loop3A_312[%parallel_loop3A_313, %parallel_loop3A_314] {strides = array<i32>} : memref<80x256xf32, #tpu.memory_space<vmem>>, vector<16xf32>,
        tpu.vector_store %parallel_loop3A_312[%parallel_loop3A_313, %parallel_loop3A_314], %parallel_loop3A_308 {strides = array<i32>} : memref<80x256xf32, #tpu.memory_space<vmem>>, vector<16xf32>,
        %parallel_loop3A_316 = arith.constant 160 : i32
        %parallel_loop3A_317 = vector.broadcast %parallel_loop3A_316 : i32 to vector<16xi32>
        %parallel_loop3A_318 = arith.addi %mul3A_3, %parallel_loop3A_317 : vector<16xi32>
        %parallel_loop3A_319 = arith.constant 0 : i32
        %parallel_loop3A_320 = arith.constant 0 : i32
        %parallel_loop3A_321 = tpu.memref_slice %arg4[%parallel_loop3A_101, %parallel_loop3A_319, %parallel_loop3A_320] : memref<2x80x512xf32, #tpu.memory_space<vmem>> -> memref<1x80x512xf32, #tpu.memory_space<vmem>>
        %parallel_loop3A_322 = tpu.memref_squeeze %parallel_loop3A_321 : memref<1x80x512xf32, #tpu.memory_space<vmem>> -> memref<80x512xf32, #tpu.memory_space<vmem>>
        %parallel_loop3A_323 = tpu.vector_load_idx %parallel_loop3A_322[%parallel_loop3A_180, %parallel_loop3A_318] : memref<80x512xf32, #tpu.memory_space<vmem>>[vector<16xi32>, vector<16xi32>], vector<16xf32>,
        %parallel_loop3A_324 = arith.constant 1 : i32
        %parallel_loop3A_325 = vector.broadcast %parallel_loop3A_324 : i32 to vector<16xi32>
        %parallel_loop3A_326 = arith.addi %parallel_loop3A_318, %parallel_loop3A_325 : vector<16xi32>
        %parallel_loop3A_327 = arith.constant 0 : i32
        %parallel_loop3A_328 = arith.constant 0 : i32
        %parallel_loop3A_329 = tpu.memref_slice %arg4[%parallel_loop3A_101, %parallel_loop3A_327, %parallel_loop3A_328] : memref<2x80x512xf32, #tpu.memory_space<vmem>> -> memref<1x80x512xf32, #tpu.memory_space<vmem>>
        %parallel_loop3A_330 = tpu.memref_squeeze %parallel_loop3A_329 : memref<1x80x512xf32, #tpu.memory_space<vmem>> -> memref<80x512xf32, #tpu.memory_space<vmem>>
        %parallel_loop3A_331 = tpu.vector_load_idx %parallel_loop3A_330[%parallel_loop3A_180, %parallel_loop3A_326] : memref<80x512xf32, #tpu.memory_space<vmem>>[vector<16xi32>, vector<16xi32>], vector<16xf32>,
        %parallel_loop3A_332 = arith.addf %parallel_loop3A_323, %parallel_loop3A_331 : vector<16xf32>
        %parallel_loop3A_333 = arith.constant 5.000000e-01 : f32
        %parallel_loop3A_334 = vector.broadcast %parallel_loop3A_333 : f32 to vector<16xf32>
        %parallel_loop3A_335 = arith.mulf %parallel_loop3A_332, %parallel_loop3A_334 : vector<16xf32>
        %parallel_loop3A_336 = arith.constant 0 : i32
        %parallel_loop3A_337 = arith.constant 0 : i32
        %parallel_loop3A_338 = tpu.memref_slice %arg5[%parallel_loop3A_102, %parallel_loop3A_336, %parallel_loop3A_337] : memref<2x80x256xf32, #tpu.memory_space<vmem>> -> memref<1x80x256xf32, #tpu.memory_space<vmem>>
        %parallel_loop3A_339 = tpu.memref_squeeze %parallel_loop3A_338 : memref<1x80x256xf32, #tpu.memory_space<vmem>> -> memref<80x256xf32, #tpu.memory_space<vmem>>
        %parallel_loop3A_340 = arith.index_cast %parallel_loop3A_179 : i32 to index
        %parallel_loop3A_341 = arith.constant 80 : index
        %parallel_loop3A_342 = tpu.vector_load %parallel_loop3A_339[%parallel_loop3A_340, %parallel_loop3A_341] {strides = array<i32>} : memref<80x256xf32, #tpu.memory_space<vmem>>, vector<16xf32>,
        tpu.vector_store %parallel_loop3A_339[%parallel_loop3A_340, %parallel_loop3A_341], %parallel_loop3A_335 {strides = array<i32>} : memref<80x256xf32, #tpu.memory_space<vmem>>, vector<16xf32>,
        %parallel_loop3A_343 = arith.constant 192 : i32
        %parallel_loop3A_344 = vector.broadcast %parallel_loop3A_343 : i32 to vector<16xi32>
        %parallel_loop3A_345 = arith.addi %mul3A_3, %parallel_loop3A_344 : vector<16xi32>
        %parallel_loop3A_346 = arith.constant 0 : i32
        %parallel_loop3A_347 = arith.constant 0 : i32
        %parallel_loop3A_348 = tpu.memref_slice %arg4[%parallel_loop3A_101, %parallel_loop3A_346, %parallel_loop3A_347] : memref<2x80x512xf32, #tpu.memory_space<vmem>> -> memref<1x80x512xf32, #tpu.memory_space<vmem>>
        %parallel_loop3A_349 = tpu.memref_squeeze %parallel_loop3A_348 : memref<1x80x512xf32, #tpu.memory_space<vmem>> -> memref<80x512xf32, #tpu.memory_space<vmem>>
        %parallel_loop3A_350 = tpu.vector_load_idx %parallel_loop3A_349[%parallel_loop3A_180, %parallel_loop3A_345] : memref<80x512xf32, #tpu.memory_space<vmem>>[vector<16xi32>, vector<16xi32>], vector<16xf32>,
        %parallel_loop3A_351 = arith.constant 1 : i32
        %parallel_loop3A_352 = vector.broadcast %parallel_loop3A_351 : i32 to vector<16xi32>
        %parallel_loop3A_353 = arith.addi %parallel_loop3A_345, %parallel_loop3A_352 : vector<16xi32>
        %parallel_loop3A_354 = arith.constant 0 : i32
        %parallel_loop3A_355 = arith.constant 0 : i32
        %parallel_loop3A_356 = tpu.memref_slice %arg4[%parallel_loop3A_101, %parallel_loop3A_354, %parallel_loop3A_355] : memref<2x80x512xf32, #tpu.memory_space<vmem>> -> memref<1x80x512xf32, #tpu.memory_space<vmem>>
        %parallel_loop3A_357 = tpu.memref_squeeze %parallel_loop3A_356 : memref<1x80x512xf32, #tpu.memory_space<vmem>> -> memref<80x512xf32, #tpu.memory_space<vmem>>
        %parallel_loop3A_358 = tpu.vector_load_idx %parallel_loop3A_357[%parallel_loop3A_180, %parallel_loop3A_353] : memref<80x512xf32, #tpu.memory_space<vmem>>[vector<16xi32>, vector<16xi32>], vector<16xf32>,
        %parallel_loop3A_359 = arith.addf %parallel_loop3A_350, %parallel_loop3A_358 : vector<16xf32>
        %parallel_loop3A_360 = arith.constant 5.000000e-01 : f32
        %parallel_loop3A_361 = vector.broadcast %parallel_loop3A_360 : f32 to vector<16xf32>
        %parallel_loop3A_362 = arith.mulf %parallel_loop3A_359, %parallel_loop3A_361 : vector<16xf32>
        %parallel_loop3A_363 = arith.constant 0 : i32
        %parallel_loop3A_364 = arith.constant 0 : i32
        %parallel_loop3A_365 = tpu.memref_slice %arg5[%parallel_loop3A_102, %parallel_loop3A_363, %parallel_loop3A_364] : memref<2x80x256xf32, #tpu.memory_space<vmem>> -> memref<1x80x256xf32, #tpu.memory_space<vmem>>
        %parallel_loop3A_366 = tpu.memref_squeeze %parallel_loop3A_365 : memref<1x80x256xf32, #tpu.memory_space<vmem>> -> memref<80x256xf32, #tpu.memory_space<vmem>>
        %parallel_loop3A_367 = arith.index_cast %parallel_loop3A_179 : i32 to index
        %parallel_loop3A_368 = arith.constant 96 : index
        %parallel_loop3A_369 = tpu.vector_load %parallel_loop3A_366[%parallel_loop3A_367, %parallel_loop3A_368] {strides = array<i32>} : memref<80x256xf32, #tpu.memory_space<vmem>>, vector<16xf32>,
        tpu.vector_store %parallel_loop3A_366[%parallel_loop3A_367, %parallel_loop3A_368], %parallel_loop3A_362 {strides = array<i32>} : memref<80x256xf32, #tpu.memory_space<vmem>>, vector<16xf32>,
        %parallel_loop3A_370 = arith.constant 224 : i32
        %parallel_loop3A_371 = vector.broadcast %parallel_loop3A_370 : i32 to vector<16xi32>
        %parallel_loop3A_372 = arith.addi %mul3A_3, %parallel_loop3A_371 : vector<16xi32>
        %parallel_loop3A_373 = arith.constant 0 : i32
        %parallel_loop3A_374 = arith.constant 0 : i32
        %parallel_loop3A_375 = tpu.memref_slice %arg4[%parallel_loop3A_101, %parallel_loop3A_373, %parallel_loop3A_374] : memref<2x80x512xf32, #tpu.memory_space<vmem>> -> memref<1x80x512xf32, #tpu.memory_space<vmem>>
        %parallel_loop3A_376 = tpu.memref_squeeze %parallel_loop3A_375 : memref<1x80x512xf32, #tpu.memory_space<vmem>> -> memref<80x512xf32, #tpu.memory_space<vmem>>
        %parallel_loop3A_377 = tpu.vector_load_idx %parallel_loop3A_376[%parallel_loop3A_180, %parallel_loop3A_372] : memref<80x512xf32, #tpu.memory_space<vmem>>[vector<16xi32>, vector<16xi32>], vector<16xf32>,
        %parallel_loop3A_378 = arith.constant 1 : i32
        %parallel_loop3A_379 = vector.broadcast %parallel_loop3A_378 : i32 to vector<16xi32>
        %parallel_loop3A_380 = arith.addi %parallel_loop3A_372, %parallel_loop3A_379 : vector<16xi32>
        %parallel_loop3A_381 = arith.constant 0 : i32
        %parallel_loop3A_382 = arith.constant 0 : i32
        %parallel_loop3A_383 = tpu.memref_slice %arg4[%parallel_loop3A_101, %parallel_loop3A_381, %parallel_loop3A_382] : memref<2x80x512xf32, #tpu.memory_space<vmem>> -> memref<1x80x512xf32, #tpu.memory_space<vmem>>
        %parallel_loop3A_384 = tpu.memref_squeeze %parallel_loop3A_383 : memref<1x80x512xf32, #tpu.memory_space<vmem>> -> memref<80x512xf32, #tpu.memory_space<vmem>>
        %parallel_loop3A_385 = tpu.vector_load_idx %parallel_loop3A_384[%parallel_loop3A_180, %parallel_loop3A_380] : memref<80x512xf32, #tpu.memory_space<vmem>>[vector<16xi32>, vector<16xi32>], vector<16xf32>,
        %parallel_loop3A_386 = arith.addf %parallel_loop3A_377, %parallel_loop3A_385 : vector<16xf32>
        %parallel_loop3A_387 = arith.constant 5.000000e-01 : f32
        %parallel_loop3A_388 = vector.broadcast %parallel_loop3A_387 : f32 to vector<16xf32>
        %parallel_loop3A_389 = arith.mulf %parallel_loop3A_386, %parallel_loop3A_388 : vector<16xf32>
        %parallel_loop3A_390 = arith.constant 0 : i32
        %parallel_loop3A_391 = arith.constant 0 : i32
        %parallel_loop3A_392 = tpu.memref_slice %arg5[%parallel_loop3A_102, %parallel_loop3A_390, %parallel_loop3A_391] : memref<2x80x256xf32, #tpu.memory_space<vmem>> -> memref<1x80x256xf32, #tpu.memory_space<vmem>>
        %parallel_loop3A_393 = tpu.memref_squeeze %parallel_loop3A_392 : memref<1x80x256xf32, #tpu.memory_space<vmem>> -> memref<80x256xf32, #tpu.memory_space<vmem>>
        %parallel_loop3A_394 = arith.index_cast %parallel_loop3A_179 : i32 to index
        %parallel_loop3A_395 = arith.constant 112 : index
        %parallel_loop3A_396 = tpu.vector_load %parallel_loop3A_393[%parallel_loop3A_394, %parallel_loop3A_395] {strides = array<i32>} : memref<80x256xf32, #tpu.memory_space<vmem>>, vector<16xf32>,
        tpu.vector_store %parallel_loop3A_393[%parallel_loop3A_394, %parallel_loop3A_395], %parallel_loop3A_389 {strides = array<i32>} : memref<80x256xf32, #tpu.memory_space<vmem>>, vector<16xf32>,
        %parallel_loop3A_397 = arith.constant 256 : i32
        %parallel_loop3A_398 = vector.broadcast %parallel_loop3A_397 : i32 to vector<16xi32>
        %parallel_loop3A_399 = arith.addi %mul3A_3, %parallel_loop3A_398 : vector<16xi32>
        %parallel_loop3A_400 = arith.constant 0 : i32
        %parallel_loop3A_401 = arith.constant 0 : i32
        %parallel_loop3A_402 = tpu.memref_slice %arg4[%parallel_loop3A_101, %parallel_loop3A_400, %parallel_loop3A_401] : memref<2x80x512xf32, #tpu.memory_space<vmem>> -> memref<1x80x512xf32, #tpu.memory_space<vmem>>
        %parallel_loop3A_403 = tpu.memref_squeeze %parallel_loop3A_402 : memref<1x80x512xf32, #tpu.memory_space<vmem>> -> memref<80x512xf32, #tpu.memory_space<vmem>>
        %parallel_loop3A_404 = tpu.vector_load_idx %parallel_loop3A_403[%parallel_loop3A_180, %parallel_loop3A_399] : memref<80x512xf32, #tpu.memory_space<vmem>>[vector<16xi32>, vector<16xi32>], vector<16xf32>,
        %parallel_loop3A_405 = arith.constant 1 : i32
        %parallel_loop3A_406 = vector.broadcast %parallel_loop3A_405 : i32 to vector<16xi32>
        %parallel_loop3A_407 = arith.addi %parallel_loop3A_399, %parallel_loop3A_406 : vector<16xi32>
        %parallel_loop3A_408 = arith.constant 0 : i32
        %parallel_loop3A_409 = arith.constant 0 : i32
        %parallel_loop3A_410 = tpu.memref_slice %arg4[%parallel_loop3A_101, %parallel_loop3A_408, %parallel_loop3A_409] : memref<2x80x512xf32, #tpu.memory_space<vmem>> -> memref<1x80x512xf32, #tpu.memory_space<vmem>>
        %parallel_loop3A_411 = tpu.memref_squeeze %parallel_loop3A_410 : memref<1x80x512xf32, #tpu.memory_space<vmem>> -> memref<80x512xf32, #tpu.memory_space<vmem>>
        %parallel_loop3A_412 = tpu.vector_load_idx %parallel_loop3A_411[%parallel_loop3A_180, %parallel_loop3A_407] : memref<80x512xf32, #tpu.memory_space<vmem>>[vector<16xi32>, vector<16xi32>], vector<16xf32>,
        %parallel_loop3A_413 = arith.addf %parallel_loop3A_404, %parallel_loop3A_412 : vector<16xf32>
        %parallel_loop3A_414 = arith.constant 5.000000e-01 : f32
        %parallel_loop3A_415 = vector.broadcast %parallel_loop3A_414 : f32 to vector<16xf32>
        %parallel_loop3A_416 = arith.mulf %parallel_loop3A_413, %parallel_loop3A_415 : vector<16xf32>
        %parallel_loop3A_417 = arith.constant 0 : i32
        %parallel_loop3A_418 = arith.constant 0 : i32
        %parallel_loop3A_419 = tpu.memref_slice %arg5[%parallel_loop3A_102, %parallel_loop3A_417, %parallel_loop3A_418] : memref<2x80x256xf32, #tpu.memory_space<vmem>> -> memref<1x80x256xf32, #tpu.memory_space<vmem>>
        %parallel_loop3A_420 = tpu.memref_squeeze %parallel_loop3A_419 : memref<1x80x256xf32, #tpu.memory_space<vmem>> -> memref<80x256xf32, #tpu.memory_space<vmem>>
        %parallel_loop3A_421 = arith.index_cast %parallel_loop3A_179 : i32 to index
        %parallel_loop3A_422 = arith.constant 128 : index
        %parallel_loop3A_423 = tpu.vector_load %parallel_loop3A_420[%parallel_loop3A_421, %parallel_loop3A_422] {strides = array<i32>} : memref<80x256xf32, #tpu.memory_space<vmem>>, vector<16xf32>,
        tpu.vector_store %parallel_loop3A_420[%parallel_loop3A_421, %parallel_loop3A_422], %parallel_loop3A_416 {strides = array<i32>} : memref<80x256xf32, #tpu.memory_space<vmem>>, vector<16xf32>,
        %parallel_loop3A_424 = arith.constant 288 : i32
        %parallel_loop3A_425 = vector.broadcast %parallel_loop3A_424 : i32 to vector<16xi32>
        %parallel_loop3A_426 = arith.addi %mul3A_3, %parallel_loop3A_425 : vector<16xi32>
        %parallel_loop3A_427 = arith.constant 0 : i32
        %parallel_loop3A_428 = arith.constant 0 : i32
        %parallel_loop3A_429 = tpu.memref_slice %arg4[%parallel_loop3A_101, %parallel_loop3A_427, %parallel_loop3A_428] : memref<2x80x512xf32, #tpu.memory_space<vmem>> -> memref<1x80x512xf32, #tpu.memory_space<vmem>>
        %parallel_loop3A_430 = tpu.memref_squeeze %parallel_loop3A_429 : memref<1x80x512xf32, #tpu.memory_space<vmem>> -> memref<80x512xf32, #tpu.memory_space<vmem>>
        %parallel_loop3A_431 = tpu.vector_load_idx %parallel_loop3A_430[%parallel_loop3A_180, %parallel_loop3A_426] : memref<80x512xf32, #tpu.memory_space<vmem>>[vector<16xi32>, vector<16xi32>], vector<16xf32>,
        %parallel_loop3A_432 = arith.constant 1 : i32
        %parallel_loop3A_433 = vector.broadcast %parallel_loop3A_432 : i32 to vector<16xi32>
        %parallel_loop3A_434 = arith.addi %parallel_loop3A_426, %parallel_loop3A_433 : vector<16xi32>
        %parallel_loop3A_435 = arith.constant 0 : i32
        %parallel_loop3A_436 = arith.constant 0 : i32
        %parallel_loop3A_437 = tpu.memref_slice %arg4[%parallel_loop3A_101, %parallel_loop3A_435, %parallel_loop3A_436] : memref<2x80x512xf32, #tpu.memory_space<vmem>> -> memref<1x80x512xf32, #tpu.memory_space<vmem>>
        %parallel_loop3A_438 = tpu.memref_squeeze %parallel_loop3A_437 : memref<1x80x512xf32, #tpu.memory_space<vmem>> -> memref<80x512xf32, #tpu.memory_space<vmem>>
        %parallel_loop3A_439 = tpu.vector_load_idx %parallel_loop3A_438[%parallel_loop3A_180, %parallel_loop3A_434] : memref<80x512xf32, #tpu.memory_space<vmem>>[vector<16xi32>, vector<16xi32>], vector<16xf32>,
        %parallel_loop3A_440 = arith.addf %parallel_loop3A_431, %parallel_loop3A_439 : vector<16xf32>
        %parallel_loop3A_441 = arith.constant 5.000000e-01 : f32
        %parallel_loop3A_442 = vector.broadcast %parallel_loop3A_441 : f32 to vector<16xf32>
        %parallel_loop3A_443 = arith.mulf %parallel_loop3A_440, %parallel_loop3A_442 : vector<16xf32>
        %parallel_loop3A_444 = arith.constant 0 : i32
        %parallel_loop3A_445 = arith.constant 0 : i32
        %parallel_loop3A_446 = tpu.memref_slice %arg5[%parallel_loop3A_102, %parallel_loop3A_444, %parallel_loop3A_445] : memref<2x80x256xf32, #tpu.memory_space<vmem>> -> memref<1x80x256xf32, #tpu.memory_space<vmem>>
        %parallel_loop3A_447 = tpu.memref_squeeze %parallel_loop3A_446 : memref<1x80x256xf32, #tpu.memory_space<vmem>> -> memref<80x256xf32, #tpu.memory_space<vmem>>
        %parallel_loop3A_448 = arith.index_cast %parallel_loop3A_179 : i32 to index
        %parallel_loop3A_449 = arith.constant 144 : index
        %parallel_loop3A_450 = tpu.vector_load %parallel_loop3A_447[%parallel_loop3A_448, %parallel_loop3A_449] {strides = array<i32>} : memref<80x256xf32, #tpu.memory_space<vmem>>, vector<16xf32>,
        tpu.vector_store %parallel_loop3A_447[%parallel_loop3A_448, %parallel_loop3A_449], %parallel_loop3A_443 {strides = array<i32>} : memref<80x256xf32, #tpu.memory_space<vmem>>, vector<16xf32>,
        %parallel_loop3A_451 = arith.constant 320 : i32
        %parallel_loop3A_452 = vector.broadcast %parallel_loop3A_451 : i32 to vector<16xi32>
        %parallel_loop3A_453 = arith.addi %mul3A_3, %parallel_loop3A_452 : vector<16xi32>
        %parallel_loop3A_454 = arith.constant 0 : i32
        %parallel_loop3A_455 = arith.constant 0 : i32
        %parallel_loop3A_456 = tpu.memref_slice %arg4[%parallel_loop3A_101, %parallel_loop3A_454, %parallel_loop3A_455] : memref<2x80x512xf32, #tpu.memory_space<vmem>> -> memref<1x80x512xf32, #tpu.memory_space<vmem>>
        %parallel_loop3A_457 = tpu.memref_squeeze %parallel_loop3A_456 : memref<1x80x512xf32, #tpu.memory_space<vmem>> -> memref<80x512xf32, #tpu.memory_space<vmem>>
        %parallel_loop3A_458 = tpu.vector_load_idx %parallel_loop3A_457[%parallel_loop3A_180, %parallel_loop3A_453] : memref<80x512xf32, #tpu.memory_space<vmem>>[vector<16xi32>, vector<16xi32>], vector<16xf32>,
        %parallel_loop3A_459 = arith.constant 1 : i32
        %parallel_loop3A_460 = vector.broadcast %parallel_loop3A_459 : i32 to vector<16xi32>
        %parallel_loop3A_461 = arith.addi %parallel_loop3A_453, %parallel_loop3A_460 : vector<16xi32>
        %parallel_loop3A_462 = arith.constant 0 : i32
        %parallel_loop3A_463 = arith.constant 0 : i32
        %parallel_loop3A_464 = tpu.memref_slice %arg4[%parallel_loop3A_101, %parallel_loop3A_462, %parallel_loop3A_463] : memref<2x80x512xf32, #tpu.memory_space<vmem>> -> memref<1x80x512xf32, #tpu.memory_space<vmem>>
        %parallel_loop3A_465 = tpu.memref_squeeze %parallel_loop3A_464 : memref<1x80x512xf32, #tpu.memory_space<vmem>> -> memref<80x512xf32, #tpu.memory_space<vmem>>
        %parallel_loop3A_466 = tpu.vector_load_idx %parallel_loop3A_465[%parallel_loop3A_180, %parallel_loop3A_461] : memref<80x512xf32, #tpu.memory_space<vmem>>[vector<16xi32>, vector<16xi32>], vector<16xf32>,
        %parallel_loop3A_467 = arith.addf %parallel_loop3A_458, %parallel_loop3A_466 : vector<16xf32>
        %parallel_loop3A_468 = arith.constant 5.000000e-01 : f32
        %parallel_loop3A_469 = vector.broadcast %parallel_loop3A_468 : f32 to vector<16xf32>
        %parallel_loop3A_470 = arith.mulf %parallel_loop3A_467, %parallel_loop3A_469 : vector<16xf32>
        %parallel_loop3A_471 = arith.constant 0 : i32
        %parallel_loop3A_472 = arith.constant 0 : i32
        %parallel_loop3A_473 = tpu.memref_slice %arg5[%parallel_loop3A_102, %parallel_loop3A_471, %parallel_loop3A_472] : memref<2x80x256xf32, #tpu.memory_space<vmem>> -> memref<1x80x256xf32, #tpu.memory_space<vmem>>
        %parallel_loop3A_474 = tpu.memref_squeeze %parallel_loop3A_473 : memref<1x80x256xf32, #tpu.memory_space<vmem>> -> memref<80x256xf32, #tpu.memory_space<vmem>>
        %parallel_loop3A_475 = arith.index_cast %parallel_loop3A_179 : i32 to index
        %parallel_loop3A_476 = arith.constant 160 : index
        %parallel_loop3A_477 = tpu.vector_load %parallel_loop3A_474[%parallel_loop3A_475, %parallel_loop3A_476] {strides = array<i32>} : memref<80x256xf32, #tpu.memory_space<vmem>>, vector<16xf32>,
        tpu.vector_store %parallel_loop3A_474[%parallel_loop3A_475, %parallel_loop3A_476], %parallel_loop3A_470 {strides = array<i32>} : memref<80x256xf32, #tpu.memory_space<vmem>>, vector<16xf32>,
        %parallel_loop3A_478 = arith.constant 352 : i32
        %parallel_loop3A_479 = vector.broadcast %parallel_loop3A_478 : i32 to vector<16xi32>
        %parallel_loop3A_480 = arith.addi %mul3A_3, %parallel_loop3A_479 : vector<16xi32>
        %parallel_loop3A_481 = arith.constant 0 : i32
        %parallel_loop3A_482 = arith.constant 0 : i32
        %parallel_loop3A_483 = tpu.memref_slice %arg4[%parallel_loop3A_101, %parallel_loop3A_481, %parallel_loop3A_482] : memref<2x80x512xf32, #tpu.memory_space<vmem>> -> memref<1x80x512xf32, #tpu.memory_space<vmem>>
        %parallel_loop3A_484 = tpu.memref_squeeze %parallel_loop3A_483 : memref<1x80x512xf32, #tpu.memory_space<vmem>> -> memref<80x512xf32, #tpu.memory_space<vmem>>
        %parallel_loop3A_485 = tpu.vector_load_idx %parallel_loop3A_484[%parallel_loop3A_180, %parallel_loop3A_480] : memref<80x512xf32, #tpu.memory_space<vmem>>[vector<16xi32>, vector<16xi32>], vector<16xf32>,
        %parallel_loop3A_486 = arith.constant 1 : i32
        %parallel_loop3A_487 = vector.broadcast %parallel_loop3A_486 : i32 to vector<16xi32>
        %parallel_loop3A_488 = arith.addi %parallel_loop3A_480, %parallel_loop3A_487 : vector<16xi32>
        %parallel_loop3A_489 = arith.constant 0 : i32
        %parallel_loop3A_490 = arith.constant 0 : i32
        %parallel_loop3A_491 = tpu.memref_slice %arg4[%parallel_loop3A_101, %parallel_loop3A_489, %parallel_loop3A_490] : memref<2x80x512xf32, #tpu.memory_space<vmem>> -> memref<1x80x512xf32, #tpu.memory_space<vmem>>
        %parallel_loop3A_492 = tpu.memref_squeeze %parallel_loop3A_491 : memref<1x80x512xf32, #tpu.memory_space<vmem>> -> memref<80x512xf32, #tpu.memory_space<vmem>>
        %parallel_loop3A_493 = tpu.vector_load_idx %parallel_loop3A_492[%parallel_loop3A_180, %parallel_loop3A_488] : memref<80x512xf32, #tpu.memory_space<vmem>>[vector<16xi32>, vector<16xi32>], vector<16xf32>,
        %parallel_loop3A_494 = arith.addf %parallel_loop3A_485, %parallel_loop3A_493 : vector<16xf32>
        %parallel_loop3A_495 = arith.constant 5.000000e-01 : f32
        %parallel_loop3A_496 = vector.broadcast %parallel_loop3A_495 : f32 to vector<16xf32>
        %parallel_loop3A_497 = arith.mulf %parallel_loop3A_494, %parallel_loop3A_496 : vector<16xf32>
        %parallel_loop3A_498 = arith.constant 0 : i32
        %parallel_loop3A_499 = arith.constant 0 : i32
        %parallel_loop3A_500 = tpu.memref_slice %arg5[%parallel_loop3A_102, %parallel_loop3A_498, %parallel_loop3A_499] : memref<2x80x256xf32, #tpu.memory_space<vmem>> -> memref<1x80x256xf32, #tpu.memory_space<vmem>>
        %parallel_loop3A_501 = tpu.memref_squeeze %parallel_loop3A_500 : memref<1x80x256xf32, #tpu.memory_space<vmem>> -> memref<80x256xf32, #tpu.memory_space<vmem>>
        %parallel_loop3A_502 = arith.index_cast %parallel_loop3A_179 : i32 to index
        %parallel_loop3A_503 = arith.constant 176 : index
        %parallel_loop3A_504 = tpu.vector_load %parallel_loop3A_501[%parallel_loop3A_502, %parallel_loop3A_503] {strides = array<i32>} : memref<80x256xf32, #tpu.memory_space<vmem>>, vector<16xf32>,
        tpu.vector_store %parallel_loop3A_501[%parallel_loop3A_502, %parallel_loop3A_503], %parallel_loop3A_497 {strides = array<i32>} : memref<80x256xf32, #tpu.memory_space<vmem>>, vector<16xf32>,
        %parallel_loop3A_505 = arith.constant 384 : i32
        %parallel_loop3A_506 = vector.broadcast %parallel_loop3A_505 : i32 to vector<16xi32>
        %parallel_loop3A_507 = arith.addi %mul3A_3, %parallel_loop3A_506 : vector<16xi32>
        %parallel_loop3A_508 = arith.constant 0 : i32
        %parallel_loop3A_509 = arith.constant 0 : i32
        %parallel_loop3A_510 = tpu.memref_slice %arg4[%parallel_loop3A_101, %parallel_loop3A_508, %parallel_loop3A_509] : memref<2x80x512xf32, #tpu.memory_space<vmem>> -> memref<1x80x512xf32, #tpu.memory_space<vmem>>
        %parallel_loop3A_511 = tpu.memref_squeeze %parallel_loop3A_510 : memref<1x80x512xf32, #tpu.memory_space<vmem>> -> memref<80x512xf32, #tpu.memory_space<vmem>>
        %parallel_loop3A_512 = tpu.vector_load_idx %parallel_loop3A_511[%parallel_loop3A_180, %parallel_loop3A_507] : memref<80x512xf32, #tpu.memory_space<vmem>>[vector<16xi32>, vector<16xi32>], vector<16xf32>,
        %parallel_loop3A_513 = arith.constant 1 : i32
        %parallel_loop3A_514 = vector.broadcast %parallel_loop3A_513 : i32 to vector<16xi32>
        %parallel_loop3A_515 = arith.addi %parallel_loop3A_507, %parallel_loop3A_514 : vector<16xi32>
        %parallel_loop3A_516 = arith.constant 0 : i32
        %parallel_loop3A_517 = arith.constant 0 : i32
        %parallel_loop3A_518 = tpu.memref_slice %arg4[%parallel_loop3A_101, %parallel_loop3A_516, %parallel_loop3A_517] : memref<2x80x512xf32, #tpu.memory_space<vmem>> -> memref<1x80x512xf32, #tpu.memory_space<vmem>>
        %parallel_loop3A_519 = tpu.memref_squeeze %parallel_loop3A_518 : memref<1x80x512xf32, #tpu.memory_space<vmem>> -> memref<80x512xf32, #tpu.memory_space<vmem>>
        %parallel_loop3A_520 = tpu.vector_load_idx %parallel_loop3A_519[%parallel_loop3A_180, %parallel_loop3A_515] : memref<80x512xf32, #tpu.memory_space<vmem>>[vector<16xi32>, vector<16xi32>], vector<16xf32>,
        %parallel_loop3A_521 = arith.addf %parallel_loop3A_512, %parallel_loop3A_520 : vector<16xf32>
        %parallel_loop3A_522 = arith.constant 5.000000e-01 : f32
        %parallel_loop3A_523 = vector.broadcast %parallel_loop3A_522 : f32 to vector<16xf32>
        %parallel_loop3A_524 = arith.mulf %parallel_loop3A_521, %parallel_loop3A_523 : vector<16xf32>
        %parallel_loop3A_525 = arith.constant 0 : i32
        %parallel_loop3A_526 = arith.constant 0 : i32
        %parallel_loop3A_527 = tpu.memref_slice %arg5[%parallel_loop3A_102, %parallel_loop3A_525, %parallel_loop3A_526] : memref<2x80x256xf32, #tpu.memory_space<vmem>> -> memref<1x80x256xf32, #tpu.memory_space<vmem>>
        %parallel_loop3A_528 = tpu.memref_squeeze %parallel_loop3A_527 : memref<1x80x256xf32, #tpu.memory_space<vmem>> -> memref<80x256xf32, #tpu.memory_space<vmem>>
        %parallel_loop3A_529 = arith.index_cast %parallel_loop3A_179 : i32 to index
        %parallel_loop3A_530 = arith.constant 192 : index
        %parallel_loop3A_531 = tpu.vector_load %parallel_loop3A_528[%parallel_loop3A_529, %parallel_loop3A_530] {strides = array<i32>} : memref<80x256xf32, #tpu.memory_space<vmem>>, vector<16xf32>,
        tpu.vector_store %parallel_loop3A_528[%parallel_loop3A_529, %parallel_loop3A_530], %parallel_loop3A_524 {strides = array<i32>} : memref<80x256xf32, #tpu.memory_space<vmem>>, vector<16xf32>,
        %parallel_loop3A_532 = arith.constant 416 : i32
        %parallel_loop3A_533 = vector.broadcast %parallel_loop3A_532 : i32 to vector<16xi32>
        %parallel_loop3A_534 = arith.addi %mul3A_3, %parallel_loop3A_533 : vector<16xi32>
        %parallel_loop3A_535 = arith.constant 0 : i32
        %parallel_loop3A_536 = arith.constant 0 : i32
        %parallel_loop3A_537 = tpu.memref_slice %arg4[%parallel_loop3A_101, %parallel_loop3A_535, %parallel_loop3A_536] : memref<2x80x512xf32, #tpu.memory_space<vmem>> -> memref<1x80x512xf32, #tpu.memory_space<vmem>>
        %parallel_loop3A_538 = tpu.memref_squeeze %parallel_loop3A_537 : memref<1x80x512xf32, #tpu.memory_space<vmem>> -> memref<80x512xf32, #tpu.memory_space<vmem>>
        %parallel_loop3A_539 = tpu.vector_load_idx %parallel_loop3A_538[%parallel_loop3A_180, %parallel_loop3A_534] : memref<80x512xf32, #tpu.memory_space<vmem>>[vector<16xi32>, vector<16xi32>], vector<16xf32>,
        %parallel_loop3A_540 = arith.constant 1 : i32
        %parallel_loop3A_541 = vector.broadcast %parallel_loop3A_540 : i32 to vector<16xi32>
        %parallel_loop3A_542 = arith.addi %parallel_loop3A_534, %parallel_loop3A_541 : vector<16xi32>
        %parallel_loop3A_543 = arith.constant 0 : i32
        %parallel_loop3A_544 = arith.constant 0 : i32
        %parallel_loop3A_545 = tpu.memref_slice %arg4[%parallel_loop3A_101, %parallel_loop3A_543, %parallel_loop3A_544] : memref<2x80x512xf32, #tpu.memory_space<vmem>> -> memref<1x80x512xf32, #tpu.memory_space<vmem>>
        %parallel_loop3A_546 = tpu.memref_squeeze %parallel_loop3A_545 : memref<1x80x512xf32, #tpu.memory_space<vmem>> -> memref<80x512xf32, #tpu.memory_space<vmem>>
        %parallel_loop3A_547 = tpu.vector_load_idx %parallel_loop3A_546[%parallel_loop3A_180, %parallel_loop3A_542] : memref<80x512xf32, #tpu.memory_space<vmem>>[vector<16xi32>, vector<16xi32>], vector<16xf32>,
        %parallel_loop3A_548 = arith.addf %parallel_loop3A_539, %parallel_loop3A_547 : vector<16xf32>
        %parallel_loop3A_549 = arith.constant 5.000000e-01 : f32
        %parallel_loop3A_550 = vector.broadcast %parallel_loop3A_549 : f32 to vector<16xf32>
        %parallel_loop3A_551 = arith.mulf %parallel_loop3A_548, %parallel_loop3A_550 : vector<16xf32>
        %parallel_loop3A_552 = arith.constant 0 : i32
        %parallel_loop3A_553 = arith.constant 0 : i32
        %parallel_loop3A_554 = tpu.memref_slice %arg5[%parallel_loop3A_102, %parallel_loop3A_552, %parallel_loop3A_553] : memref<2x80x256xf32, #tpu.memory_space<vmem>> -> memref<1x80x256xf32, #tpu.memory_space<vmem>>
        %parallel_loop3A_555 = tpu.memref_squeeze %parallel_loop3A_554 : memref<1x80x256xf32, #tpu.memory_space<vmem>> -> memref<80x256xf32, #tpu.memory_space<vmem>>
        %parallel_loop3A_556 = arith.index_cast %parallel_loop3A_179 : i32 to index
        %parallel_loop3A_557 = arith.constant 208 : index
        %parallel_loop3A_558 = tpu.vector_load %parallel_loop3A_555[%parallel_loop3A_556, %parallel_loop3A_557] {strides = array<i32>} : memref<80x256xf32, #tpu.memory_space<vmem>>, vector<16xf32>,
        tpu.vector_store %parallel_loop3A_555[%parallel_loop3A_556, %parallel_loop3A_557], %parallel_loop3A_551 {strides = array<i32>} : memref<80x256xf32, #tpu.memory_space<vmem>>, vector<16xf32>,
        %parallel_loop3A_559 = arith.constant 448 : i32
        %parallel_loop3A_560 = vector.broadcast %parallel_loop3A_559 : i32 to vector<16xi32>
        %parallel_loop3A_561 = arith.addi %mul3A_3, %parallel_loop3A_560 : vector<16xi32>
        %parallel_loop3A_562 = arith.constant 0 : i32
        %parallel_loop3A_563 = arith.constant 0 : i32
        %parallel_loop3A_564 = tpu.memref_slice %arg4[%parallel_loop3A_101, %parallel_loop3A_562, %parallel_loop3A_563] : memref<2x80x512xf32, #tpu.memory_space<vmem>> -> memref<1x80x512xf32, #tpu.memory_space<vmem>>
        %parallel_loop3A_565 = tpu.memref_squeeze %parallel_loop3A_564 : memref<1x80x512xf32, #tpu.memory_space<vmem>> -> memref<80x512xf32, #tpu.memory_space<vmem>>
        %parallel_loop3A_566 = tpu.vector_load_idx %parallel_loop3A_565[%parallel_loop3A_180, %parallel_loop3A_561] : memref<80x512xf32, #tpu.memory_space<vmem>>[vector<16xi32>, vector<16xi32>], vector<16xf32>,
        %parallel_loop3A_567 = arith.constant 1 : i32
        %parallel_loop3A_568 = vector.broadcast %parallel_loop3A_567 : i32 to vector<16xi32>
        %parallel_loop3A_569 = arith.addi %parallel_loop3A_561, %parallel_loop3A_568 : vector<16xi32>
        %parallel_loop3A_570 = arith.constant 0 : i32
        %parallel_loop3A_571 = arith.constant 0 : i32
        %parallel_loop3A_572 = tpu.memref_slice %arg4[%parallel_loop3A_101, %parallel_loop3A_570, %parallel_loop3A_571] : memref<2x80x512xf32, #tpu.memory_space<vmem>> -> memref<1x80x512xf32, #tpu.memory_space<vmem>>
        %parallel_loop3A_573 = tpu.memref_squeeze %parallel_loop3A_572 : memref<1x80x512xf32, #tpu.memory_space<vmem>> -> memref<80x512xf32, #tpu.memory_space<vmem>>
        %parallel_loop3A_574 = tpu.vector_load_idx %parallel_loop3A_573[%parallel_loop3A_180, %parallel_loop3A_569] : memref<80x512xf32, #tpu.memory_space<vmem>>[vector<16xi32>, vector<16xi32>], vector<16xf32>,
        %parallel_loop3A_575 = arith.addf %parallel_loop3A_566, %parallel_loop3A_574 : vector<16xf32>
        %parallel_loop3A_576 = arith.constant 5.000000e-01 : f32
        %parallel_loop3A_577 = vector.broadcast %parallel_loop3A_576 : f32 to vector<16xf32>
        %parallel_loop3A_578 = arith.mulf %parallel_loop3A_575, %parallel_loop3A_577 : vector<16xf32>
        %parallel_loop3A_579 = arith.constant 0 : i32
        %parallel_loop3A_580 = arith.constant 0 : i32
        %parallel_loop3A_581 = tpu.memref_slice %arg5[%parallel_loop3A_102, %parallel_loop3A_579, %parallel_loop3A_580] : memref<2x80x256xf32, #tpu.memory_space<vmem>> -> memref<1x80x256xf32, #tpu.memory_space<vmem>>
        %parallel_loop3A_582 = tpu.memref_squeeze %parallel_loop3A_581 : memref<1x80x256xf32, #tpu.memory_space<vmem>> -> memref<80x256xf32, #tpu.memory_space<vmem>>
        %parallel_loop3A_583 = arith.index_cast %parallel_loop3A_179 : i32 to index
        %parallel_loop3A_584 = arith.constant 224 : index
        %parallel_loop3A_585 = tpu.vector_load %parallel_loop3A_582[%parallel_loop3A_583, %parallel_loop3A_584] {strides = array<i32>} : memref<80x256xf32, #tpu.memory_space<vmem>>, vector<16xf32>,
        tpu.vector_store %parallel_loop3A_582[%parallel_loop3A_583, %parallel_loop3A_584], %parallel_loop3A_578 {strides = array<i32>} : memref<80x256xf32, #tpu.memory_space<vmem>>, vector<16xf32>,
        %parallel_loop3A_586 = arith.constant 480 : i32
        %parallel_loop3A_587 = vector.broadcast %parallel_loop3A_586 : i32 to vector<16xi32>
        %parallel_loop3A_588 = arith.addi %mul3A_3, %parallel_loop3A_587 : vector<16xi32>
        %parallel_loop3A_589 = arith.constant 0 : i32
        %parallel_loop3A_590 = arith.constant 0 : i32
        %parallel_loop3A_591 = tpu.memref_slice %arg4[%parallel_loop3A_101, %parallel_loop3A_589, %parallel_loop3A_590] : memref<2x80x512xf32, #tpu.memory_space<vmem>> -> memref<1x80x512xf32, #tpu.memory_space<vmem>>
        %parallel_loop3A_592 = tpu.memref_squeeze %parallel_loop3A_591 : memref<1x80x512xf32, #tpu.memory_space<vmem>> -> memref<80x512xf32, #tpu.memory_space<vmem>>
        %parallel_loop3A_593 = tpu.vector_load_idx %parallel_loop3A_592[%parallel_loop3A_180, %parallel_loop3A_588] : memref<80x512xf32, #tpu.memory_space<vmem>>[vector<16xi32>, vector<16xi32>], vector<16xf32>,
        %parallel_loop3A_594 = arith.constant 1 : i32
        %parallel_loop3A_595 = vector.broadcast %parallel_loop3A_594 : i32 to vector<16xi32>
        %parallel_loop3A_596 = arith.addi %parallel_loop3A_588, %parallel_loop3A_595 : vector<16xi32>
        %parallel_loop3A_597 = arith.constant 0 : i32
        %parallel_loop3A_598 = arith.constant 0 : i32
        %parallel_loop3A_599 = tpu.memref_slice %arg4[%parallel_loop3A_101, %parallel_loop3A_597, %parallel_loop3A_598] : memref<2x80x512xf32, #tpu.memory_space<vmem>> -> memref<1x80x512xf32, #tpu.memory_space<vmem>>
        %parallel_loop3A_600 = tpu.memref_squeeze %parallel_loop3A_599 : memref<1x80x512xf32, #tpu.memory_space<vmem>> -> memref<80x512xf32, #tpu.memory_space<vmem>>
        %parallel_loop3A_601 = tpu.vector_load_idx %parallel_loop3A_600[%parallel_loop3A_180, %parallel_loop3A_596] : memref<80x512xf32, #tpu.memory_space<vmem>>[vector<16xi32>, vector<16xi32>], vector<16xf32>,
        %parallel_loop3A_602 = arith.addf %parallel_loop3A_593, %parallel_loop3A_601 : vector<16xf32>
        %parallel_loop3A_603 = arith.constant 5.000000e-01 : f32
        %parallel_loop3A_604 = vector.broadcast %parallel_loop3A_603 : f32 to vector<16xf32>
        %parallel_loop3A_605 = arith.mulf %parallel_loop3A_602, %parallel_loop3A_604 : vector<16xf32>
        %parallel_loop3A_606 = arith.constant 0 : i32
        %parallel_loop3A_607 = arith.constant 0 : i32
        %parallel_loop3A_608 = tpu.memref_slice %arg5[%parallel_loop3A_102, %parallel_loop3A_606, %parallel_loop3A_607] : memref<2x80x256xf32, #tpu.memory_space<vmem>> -> memref<1x80x256xf32, #tpu.memory_space<vmem>>
        %parallel_loop3A_609 = tpu.memref_squeeze %parallel_loop3A_608 : memref<1x80x256xf32, #tpu.memory_space<vmem>> -> memref<80x256xf32, #tpu.memory_space<vmem>>
        %parallel_loop3A_610 = arith.index_cast %parallel_loop3A_179 : i32 to index
        %parallel_loop3A_611 = arith.constant 240 : index
        %parallel_loop3A_612 = tpu.vector_load %parallel_loop3A_609[%parallel_loop3A_610, %parallel_loop3A_611] {strides = array<i32>} : memref<80x256xf32, #tpu.memory_space<vmem>>, vector<16xf32>,
        tpu.vector_store %parallel_loop3A_609[%parallel_loop3A_610, %parallel_loop3A_611], %parallel_loop3A_605 {strides = array<i32>} : memref<80x256xf32, #tpu.memory_space<vmem>>, vector<16xf32>,
      } {sc.loop_unroll_factor = 2 : i64, sc.parallel_access}
      %mul3A_103 = arith.constant 32 : i32
      %mul3A_104 = arith.muli %mul3A_57, %mul3A_103 : i32
      %add3A_105 = arith.addi %add3A, %mul3A_104 : i32
      %lt3A_106 = arith.constant 1250 : i32
      %lt3A_107 = arith.cmpi slt, %add3A_105, %lt3A_106 : i32
      %select_n3A_108 = arith.select %lt3A_107, %add3A_105, %add3A : i32
      %mul3A_109 = arith.constant 80 : i32
      %mul3A_110 = arith.muli %select_n3A_108, %mul3A_109 : i32
      %multiple_of3A_111 = tpu.assume_multiple %mul3A_110, 8 : i32
      %dma_start3A_112 = arith.constant 0 : i32
      %dma_start3A_113 = arith.constant 0 : i32
      %dma_start3A_114 = arith.constant 0 : i32
      %dma_start3A_115 = tpu.memref_slice %arg5[%dma_start3A_112, %dma_start3A_113, %dma_start3A_114] : memref<2x80x256xf32, #tpu.memory_space<vmem>> -> memref<1x80x256xf32, #tpu.memory_space<vmem>>
      %dma_start3A_116 = tpu.memref_squeeze %dma_start3A_115 : memref<1x80x256xf32, #tpu.memory_space<vmem>> -> memref<80x256xf32, #tpu.memory_space<vmem>>
      %dma_start3A_117 = arith.constant 0 : i32
      %dma_start3A_118 = tpu.memref_slice %arg3[%multiple_of3A_111, %dma_start3A_117] : memref<100000x256xf32, #tpu.memory_space<hbm>> -> memref<80x256xf32, #tpu.memory_space<hbm>>
      %dma_start3A_119 = arith.constant 0 : i32
      %dma_start3A_120 = tpu.memref_slice %arg3[%multiple_of3A_111, %dma_start3A_119] : memref<100000x256xf32, #tpu.memory_space<hbm>> -> memref<80x256xf32, #tpu.memory_space<hbm>>
      %dma_start3A_121 = arith.constant 0 : i32
      %dma_start3A_122 = arith.constant 0 : i32
      %dma_start3A_123 = tpu.memref_slice %arg5[%dma_start3A_112, %dma_start3A_121, %dma_start3A_122] : memref<2x80x256xf32, #tpu.memory_space<vmem>> -> memref<1x80x256xf32, #tpu.memory_space<vmem>>
      %dma_start3A_124 = tpu.memref_squeeze %dma_start3A_123 : memref<1x80x256xf32, #tpu.memory_space<vmem>> -> memref<80x256xf32, #tpu.memory_space<vmem>>
      tpu.enqueue_dma source(%dma_start3A_124 : memref<80x256xf32, #tpu.memory_space<vmem>>) target(%dma_start3A_120 : memref<80x256xf32, #tpu.memory_space<hbm>>) target_semaphore(%arg8 : memref<!tpu.dma_semaphore, #tpu.memory_space<semaphore_mem>>)
      %lt3A_125 = arith.constant 19 : i32
      %lt3A_126 = arith.cmpi slt, %scan3A_55, %lt3A_125 : i32
      %convert_element_type3A_127 = arith.extui %lt3A_126 : i1 to i32
      %cond3A_128 = arith.constant 0 : i32
      %cond3A_129 = arith.cmpi ne, %convert_element_type3A_127, %cond3A_128 : i32
      scf.if %cond3A_129 {
        %add3A_179 = arith.constant 2 : i32
        %add3A_180 = arith.addi %mul3A_57, %add3A_179 : i32
        %mul3A_181 = arith.constant 32 : i32
        %mul3A_182 = arith.muli %add3A_180, %mul3A_181 : i32
        %add3A_183 = arith.addi %add3A, %mul3A_182 : i32
        %lt3A_184 = arith.constant 1250 : i32
        %lt3A_185 = arith.cmpi slt, %add3A_183, %lt3A_184 : i32
        %select_n3A_186 = arith.select %lt3A_185, %add3A_183, %add3A : i32
        %mul3A_187 = arith.constant 80 : i32
        %mul3A_188 = arith.muli %select_n3A_186, %mul3A_187 : i32
        %multiple_of3A_189 = tpu.assume_multiple %mul3A_188, 8 : i32
        %dma_start3A_190 = arith.constant 0 : i32
        %dma_start3A_191 = arith.constant 0 : i32
        %dma_start3A_192 = arith.constant 0 : i32
        %dma_start3A_193 = tpu.memref_slice %arg4[%dma_start3A_190, %dma_start3A_191, %dma_start3A_192] : memref<2x80x512xf32, #tpu.memory_space<vmem>> -> memref<1x80x512xf32, #tpu.memory_space<vmem>>
        %dma_start3A_194 = tpu.memref_squeeze %dma_start3A_193 : memref<1x80x512xf32, #tpu.memory_space<vmem>> -> memref<80x512xf32, #tpu.memory_space<vmem>>
        %dma_start3A_195 = arith.constant 0 : i32
        %dma_start3A_196 = tpu.memref_slice %arg2[%multiple_of3A_189, %dma_start3A_195] : memref<100000x512xf32, #tpu.memory_space<hbm>> -> memref<80x512xf32, #tpu.memory_space<hbm>>
        %dma_start3A_197 = arith.constant 0 : i32
        %dma_start3A_198 = arith.constant 0 : i32
        %dma_start3A_199 = tpu.memref_slice %arg4[%dma_start3A_190, %dma_start3A_197, %dma_start3A_198] : memref<2x80x512xf32, #tpu.memory_space<vmem>> -> memref<1x80x512xf32, #tpu.memory_space<vmem>>
        %dma_start3A_200 = tpu.memref_squeeze %dma_start3A_199 : memref<1x80x512xf32, #tpu.memory_space<vmem>> -> memref<80x512xf32, #tpu.memory_space<vmem>>
        %dma_start3A_201 = arith.constant 0 : i32
        %dma_start3A_202 = tpu.memref_slice %arg2[%multiple_of3A_189, %dma_start3A_201] : memref<100000x512xf32, #tpu.memory_space<hbm>> -> memref<80x512xf32, #tpu.memory_space<hbm>>
        tpu.enqueue_dma source(%dma_start3A_202 : memref<80x512xf32, #tpu.memory_space<hbm>>) target(%dma_start3A_200 : memref<80x512xf32, #tpu.memory_space<vmem>>) target_semaphore(%arg6 : memref<!tpu.dma_semaphore, #tpu.memory_space<semaphore_mem>>)
      } else {
      }
      %dma_wait3A_130 = arith.constant 1 : i32
      %dma_wait3A_131 = arith.constant 0 : i32
      %dma_wait3A_132 = arith.constant 0 : i32
      %dma_wait3A_133 = tpu.memref_slice %arg4[%dma_wait3A_130, %dma_wait3A_131, %dma_wait3A_132] : memref<2x80x512xf32, #tpu.memory_space<vmem>> -> memref<1x80x512xf32, #tpu.memory_space<vmem>>
      %dma_wait3A_134 = tpu.memref_squeeze %dma_wait3A_133 : memref<1x80x512xf32, #tpu.memory_space<vmem>> -> memref<80x512xf32, #tpu.memory_space<vmem>>
      %dma_wait3A_135 = arith.constant 0 : i32
      %dma_wait3A_136 = arith.constant 0 : i32
      %dma_wait3A_137 = tpu.memref_slice %arg2[%dma_wait3A_135, %dma_wait3A_136] : memref<100000x512xf32, #tpu.memory_space<hbm>> -> memref<80x512xf32, #tpu.memory_space<hbm>>
      %dma_wait3A_138 = arith.constant 0 : i32
      %dma_wait3A_139 = arith.constant 0 : i32
      %dma_wait3A_140 = tpu.memref_slice %arg4[%dma_wait3A_130, %dma_wait3A_138, %dma_wait3A_139] : memref<2x80x512xf32, #tpu.memory_space<vmem>> -> memref<1x80x512xf32, #tpu.memory_space<vmem>>
      %dma_wait3A_141 = tpu.memref_squeeze %dma_wait3A_140 : memref<1x80x512xf32, #tpu.memory_space<vmem>> -> memref<80x512xf32, #tpu.memory_space<vmem>>
      %dma_wait3A_142 = arith.constant 0 : i32
      %dma_wait3A_143 = arith.constant 0 : i32
      %dma_wait3A_144 = tpu.memref_slice %arg2[%dma_wait3A_142, %dma_wait3A_143] : memref<100000x512xf32, #tpu.memory_space<hbm>> -> memref<80x512xf32, #tpu.memory_space<hbm>>
      tpu.wait_dma2 semaphore(%arg7 : memref<!tpu.dma_semaphore, #tpu.memory_space<semaphore_mem>>) src(%dma_wait3A_144 : memref<80x512xf32, #tpu.memory_space<hbm>>) dst(%dma_wait3A_141 : memref<80x512xf32, #tpu.memory_space<vmem>>)
      %gt3A_145 = arith.constant 0 : i32
      %gt3A_146 = arith.cmpi sgt, %scan3A_55, %gt3A_145 : i32
      %convert_element_type3A_147 = arith.extui %gt3A_146 : i1 to i32
      %cond3A_148 = arith.constant 0 : i32
      %cond3A_149 = arith.cmpi ne, %convert_element_type3A_147, %cond3A_148 : i32
      scf.if %cond3A_149 {
        %dma_wait3A_179 = arith.constant 1 : i32
        %dma_wait3A_180 = arith.constant 0 : i32
        %dma_wait3A_181 = arith.constant 0 : i32
        %dma_wait3A_182 = tpu.memref_slice %arg5[%dma_wait3A_179, %dma_wait3A_180, %dma_wait3A_181] : memref<2x80x256xf32, #tpu.memory_space<vmem>> -> memref<1x80x256xf32, #tpu.memory_space<vmem>>
        %dma_wait3A_183 = tpu.memref_squeeze %dma_wait3A_182 : memref<1x80x256xf32, #tpu.memory_space<vmem>> -> memref<80x256xf32, #tpu.memory_space<vmem>>
        %dma_wait3A_184 = arith.constant 0 : i32
        %dma_wait3A_185 = arith.constant 0 : i32
        %dma_wait3A_186 = tpu.memref_slice %arg3[%dma_wait3A_184, %dma_wait3A_185] : memref<100000x256xf32, #tpu.memory_space<hbm>> -> memref<80x256xf32, #tpu.memory_space<hbm>>
        %dma_wait3A_187 = arith.constant 0 : i32
        %dma_wait3A_188 = arith.constant 0 : i32
        %dma_wait3A_189 = tpu.memref_slice %arg3[%dma_wait3A_187, %dma_wait3A_188] : memref<100000x256xf32, #tpu.memory_space<hbm>> -> memref<80x256xf32, #tpu.memory_space<hbm>>
        %dma_wait3A_190 = arith.constant 0 : i32
        %dma_wait3A_191 = arith.constant 0 : i32
        %dma_wait3A_192 = tpu.memref_slice %arg5[%dma_wait3A_179, %dma_wait3A_190, %dma_wait3A_191] : memref<2x80x256xf32, #tpu.memory_space<vmem>> -> memref<1x80x256xf32, #tpu.memory_space<vmem>>
        %dma_wait3A_193 = tpu.memref_squeeze %dma_wait3A_192 : memref<1x80x256xf32, #tpu.memory_space<vmem>> -> memref<80x256xf32, #tpu.memory_space<vmem>>
        tpu.wait_dma2 semaphore(%arg9 : memref<!tpu.dma_semaphore, #tpu.memory_space<semaphore_mem>>) src(%dma_wait3A_193 : memref<80x256xf32, #tpu.memory_space<vmem>>) dst(%dma_wait3A_189 : memref<80x256xf32, #tpu.memory_space<hbm>>)
      } else {
      }
      %parallel_loop3A_150 = arith.constant 0 : i32
      %parallel_loop3A_151 = arith.constant 80 : i32
      %parallel_loop3A_152 = arith.constant 1 : i32
      %parallel_loop3A_153 = arith.constant 1 : i32
      %parallel_loop3A_154 = arith.constant 1 : i32
      scf.for %parallel_loop3A_179 = %parallel_loop3A_150 to %parallel_loop3A_151 step %parallel_loop3A_152  : i32 {
        %parallel_loop3A_180 = vector.broadcast %parallel_loop3A_179 : i32 to vector<16xi32>
        %parallel_loop3A_181 = arith.constant 0 : i32
        %parallel_loop3A_182 = vector.broadcast %parallel_loop3A_181 : i32 to vector<16xi32>
        %parallel_loop3A_183 = arith.addi %mul3A_3, %parallel_loop3A_182 : vector<16xi32>
        %parallel_loop3A_184 = arith.constant 0 : i32
        %parallel_loop3A_185 = arith.constant 0 : i32
        %parallel_loop3A_186 = tpu.memref_slice %arg4[%parallel_loop3A_153, %parallel_loop3A_184, %parallel_loop3A_185] : memref<2x80x512xf32, #tpu.memory_space<vmem>> -> memref<1x80x512xf32, #tpu.memory_space<vmem>>
        %parallel_loop3A_187 = tpu.memref_squeeze %parallel_loop3A_186 : memref<1x80x512xf32, #tpu.memory_space<vmem>> -> memref<80x512xf32, #tpu.memory_space<vmem>>
        %parallel_loop3A_188 = tpu.vector_load_idx %parallel_loop3A_187[%parallel_loop3A_180, %parallel_loop3A_183] : memref<80x512xf32, #tpu.memory_space<vmem>>[vector<16xi32>, vector<16xi32>], vector<16xf32>,
        %parallel_loop3A_189 = arith.constant 1 : i32
        %parallel_loop3A_190 = vector.broadcast %parallel_loop3A_189 : i32 to vector<16xi32>
        %parallel_loop3A_191 = arith.addi %parallel_loop3A_183, %parallel_loop3A_190 : vector<16xi32>
        %parallel_loop3A_192 = arith.constant 0 : i32
        %parallel_loop3A_193 = arith.constant 0 : i32
        %parallel_loop3A_194 = tpu.memref_slice %arg4[%parallel_loop3A_153, %parallel_loop3A_192, %parallel_loop3A_193] : memref<2x80x512xf32, #tpu.memory_space<vmem>> -> memref<1x80x512xf32, #tpu.memory_space<vmem>>
        %parallel_loop3A_195 = tpu.memref_squeeze %parallel_loop3A_194 : memref<1x80x512xf32, #tpu.memory_space<vmem>> -> memref<80x512xf32, #tpu.memory_space<vmem>>
        %parallel_loop3A_196 = tpu.vector_load_idx %parallel_loop3A_195[%parallel_loop3A_180, %parallel_loop3A_191] : memref<80x512xf32, #tpu.memory_space<vmem>>[vector<16xi32>, vector<16xi32>], vector<16xf32>,
        %parallel_loop3A_197 = arith.addf %parallel_loop3A_188, %parallel_loop3A_196 : vector<16xf32>
        %parallel_loop3A_198 = arith.constant 5.000000e-01 : f32
        %parallel_loop3A_199 = vector.broadcast %parallel_loop3A_198 : f32 to vector<16xf32>
        %parallel_loop3A_200 = arith.mulf %parallel_loop3A_197, %parallel_loop3A_199 : vector<16xf32>
        %parallel_loop3A_201 = arith.constant 0 : i32
        %parallel_loop3A_202 = arith.constant 0 : i32
        %parallel_loop3A_203 = tpu.memref_slice %arg5[%parallel_loop3A_154, %parallel_loop3A_201, %parallel_loop3A_202] : memref<2x80x256xf32, #tpu.memory_space<vmem>> -> memref<1x80x256xf32, #tpu.memory_space<vmem>>
        %parallel_loop3A_204 = tpu.memref_squeeze %parallel_loop3A_203 : memref<1x80x256xf32, #tpu.memory_space<vmem>> -> memref<80x256xf32, #tpu.memory_space<vmem>>
        %parallel_loop3A_205 = arith.index_cast %parallel_loop3A_179 : i32 to index
        %parallel_loop3A_206 = arith.constant 0 : index
        %parallel_loop3A_207 = tpu.vector_load %parallel_loop3A_204[%parallel_loop3A_205, %parallel_loop3A_206] {strides = array<i32>} : memref<80x256xf32, #tpu.memory_space<vmem>>, vector<16xf32>,
        tpu.vector_store %parallel_loop3A_204[%parallel_loop3A_205, %parallel_loop3A_206], %parallel_loop3A_200 {strides = array<i32>} : memref<80x256xf32, #tpu.memory_space<vmem>>, vector<16xf32>,
        %parallel_loop3A_208 = arith.constant 32 : i32
        %parallel_loop3A_209 = vector.broadcast %parallel_loop3A_208 : i32 to vector<16xi32>
        %parallel_loop3A_210 = arith.addi %mul3A_3, %parallel_loop3A_209 : vector<16xi32>
        %parallel_loop3A_211 = arith.constant 0 : i32
        %parallel_loop3A_212 = arith.constant 0 : i32
        %parallel_loop3A_213 = tpu.memref_slice %arg4[%parallel_loop3A_153, %parallel_loop3A_211, %parallel_loop3A_212] : memref<2x80x512xf32, #tpu.memory_space<vmem>> -> memref<1x80x512xf32, #tpu.memory_space<vmem>>
        %parallel_loop3A_214 = tpu.memref_squeeze %parallel_loop3A_213 : memref<1x80x512xf32, #tpu.memory_space<vmem>> -> memref<80x512xf32, #tpu.memory_space<vmem>>
        %parallel_loop3A_215 = tpu.vector_load_idx %parallel_loop3A_214[%parallel_loop3A_180, %parallel_loop3A_210] : memref<80x512xf32, #tpu.memory_space<vmem>>[vector<16xi32>, vector<16xi32>], vector<16xf32>,
        %parallel_loop3A_216 = arith.constant 1 : i32
        %parallel_loop3A_217 = vector.broadcast %parallel_loop3A_216 : i32 to vector<16xi32>
        %parallel_loop3A_218 = arith.addi %parallel_loop3A_210, %parallel_loop3A_217 : vector<16xi32>
        %parallel_loop3A_219 = arith.constant 0 : i32
        %parallel_loop3A_220 = arith.constant 0 : i32
        %parallel_loop3A_221 = tpu.memref_slice %arg4[%parallel_loop3A_153, %parallel_loop3A_219, %parallel_loop3A_220] : memref<2x80x512xf32, #tpu.memory_space<vmem>> -> memref<1x80x512xf32, #tpu.memory_space<vmem>>
        %parallel_loop3A_222 = tpu.memref_squeeze %parallel_loop3A_221 : memref<1x80x512xf32, #tpu.memory_space<vmem>> -> memref<80x512xf32, #tpu.memory_space<vmem>>
        %parallel_loop3A_223 = tpu.vector_load_idx %parallel_loop3A_222[%parallel_loop3A_180, %parallel_loop3A_218] : memref<80x512xf32, #tpu.memory_space<vmem>>[vector<16xi32>, vector<16xi32>], vector<16xf32>,
        %parallel_loop3A_224 = arith.addf %parallel_loop3A_215, %parallel_loop3A_223 : vector<16xf32>
        %parallel_loop3A_225 = arith.constant 5.000000e-01 : f32
        %parallel_loop3A_226 = vector.broadcast %parallel_loop3A_225 : f32 to vector<16xf32>
        %parallel_loop3A_227 = arith.mulf %parallel_loop3A_224, %parallel_loop3A_226 : vector<16xf32>
        %parallel_loop3A_228 = arith.constant 0 : i32
        %parallel_loop3A_229 = arith.constant 0 : i32
        %parallel_loop3A_230 = tpu.memref_slice %arg5[%parallel_loop3A_154, %parallel_loop3A_228, %parallel_loop3A_229] : memref<2x80x256xf32, #tpu.memory_space<vmem>> -> memref<1x80x256xf32, #tpu.memory_space<vmem>>
        %parallel_loop3A_231 = tpu.memref_squeeze %parallel_loop3A_230 : memref<1x80x256xf32, #tpu.memory_space<vmem>> -> memref<80x256xf32, #tpu.memory_space<vmem>>
        %parallel_loop3A_232 = arith.index_cast %parallel_loop3A_179 : i32 to index
        %parallel_loop3A_233 = arith.constant 16 : index
        %parallel_loop3A_234 = tpu.vector_load %parallel_loop3A_231[%parallel_loop3A_232, %parallel_loop3A_233] {strides = array<i32>} : memref<80x256xf32, #tpu.memory_space<vmem>>, vector<16xf32>,
        tpu.vector_store %parallel_loop3A_231[%parallel_loop3A_232, %parallel_loop3A_233], %parallel_loop3A_227 {strides = array<i32>} : memref<80x256xf32, #tpu.memory_space<vmem>>, vector<16xf32>,
        %parallel_loop3A_235 = arith.constant 64 : i32
        %parallel_loop3A_236 = vector.broadcast %parallel_loop3A_235 : i32 to vector<16xi32>
        %parallel_loop3A_237 = arith.addi %mul3A_3, %parallel_loop3A_236 : vector<16xi32>
        %parallel_loop3A_238 = arith.constant 0 : i32
        %parallel_loop3A_239 = arith.constant 0 : i32
        %parallel_loop3A_240 = tpu.memref_slice %arg4[%parallel_loop3A_153, %parallel_loop3A_238, %parallel_loop3A_239] : memref<2x80x512xf32, #tpu.memory_space<vmem>> -> memref<1x80x512xf32, #tpu.memory_space<vmem>>
        %parallel_loop3A_241 = tpu.memref_squeeze %parallel_loop3A_240 : memref<1x80x512xf32, #tpu.memory_space<vmem>> -> memref<80x512xf32, #tpu.memory_space<vmem>>
        %parallel_loop3A_242 = tpu.vector_load_idx %parallel_loop3A_241[%parallel_loop3A_180, %parallel_loop3A_237] : memref<80x512xf32, #tpu.memory_space<vmem>>[vector<16xi32>, vector<16xi32>], vector<16xf32>,
        %parallel_loop3A_243 = arith.constant 1 : i32
        %parallel_loop3A_244 = vector.broadcast %parallel_loop3A_243 : i32 to vector<16xi32>
        %parallel_loop3A_245 = arith.addi %parallel_loop3A_237, %parallel_loop3A_244 : vector<16xi32>
        %parallel_loop3A_246 = arith.constant 0 : i32
        %parallel_loop3A_247 = arith.constant 0 : i32
        %parallel_loop3A_248 = tpu.memref_slice %arg4[%parallel_loop3A_153, %parallel_loop3A_246, %parallel_loop3A_247] : memref<2x80x512xf32, #tpu.memory_space<vmem>> -> memref<1x80x512xf32, #tpu.memory_space<vmem>>
        %parallel_loop3A_249 = tpu.memref_squeeze %parallel_loop3A_248 : memref<1x80x512xf32, #tpu.memory_space<vmem>> -> memref<80x512xf32, #tpu.memory_space<vmem>>
        %parallel_loop3A_250 = tpu.vector_load_idx %parallel_loop3A_249[%parallel_loop3A_180, %parallel_loop3A_245] : memref<80x512xf32, #tpu.memory_space<vmem>>[vector<16xi32>, vector<16xi32>], vector<16xf32>,
        %parallel_loop3A_251 = arith.addf %parallel_loop3A_242, %parallel_loop3A_250 : vector<16xf32>
        %parallel_loop3A_252 = arith.constant 5.000000e-01 : f32
        %parallel_loop3A_253 = vector.broadcast %parallel_loop3A_252 : f32 to vector<16xf32>
        %parallel_loop3A_254 = arith.mulf %parallel_loop3A_251, %parallel_loop3A_253 : vector<16xf32>
        %parallel_loop3A_255 = arith.constant 0 : i32
        %parallel_loop3A_256 = arith.constant 0 : i32
        %parallel_loop3A_257 = tpu.memref_slice %arg5[%parallel_loop3A_154, %parallel_loop3A_255, %parallel_loop3A_256] : memref<2x80x256xf32, #tpu.memory_space<vmem>> -> memref<1x80x256xf32, #tpu.memory_space<vmem>>
        %parallel_loop3A_258 = tpu.memref_squeeze %parallel_loop3A_257 : memref<1x80x256xf32, #tpu.memory_space<vmem>> -> memref<80x256xf32, #tpu.memory_space<vmem>>
        %parallel_loop3A_259 = arith.index_cast %parallel_loop3A_179 : i32 to index
        %parallel_loop3A_260 = arith.constant 32 : index
        %parallel_loop3A_261 = tpu.vector_load %parallel_loop3A_258[%parallel_loop3A_259, %parallel_loop3A_260] {strides = array<i32>} : memref<80x256xf32, #tpu.memory_space<vmem>>, vector<16xf32>,
        tpu.vector_store %parallel_loop3A_258[%parallel_loop3A_259, %parallel_loop3A_260], %parallel_loop3A_254 {strides = array<i32>} : memref<80x256xf32, #tpu.memory_space<vmem>>, vector<16xf32>,
        %parallel_loop3A_262 = arith.constant 96 : i32
        %parallel_loop3A_263 = vector.broadcast %parallel_loop3A_262 : i32 to vector<16xi32>
        %parallel_loop3A_264 = arith.addi %mul3A_3, %parallel_loop3A_263 : vector<16xi32>
        %parallel_loop3A_265 = arith.constant 0 : i32
        %parallel_loop3A_266 = arith.constant 0 : i32
        %parallel_loop3A_267 = tpu.memref_slice %arg4[%parallel_loop3A_153, %parallel_loop3A_265, %parallel_loop3A_266] : memref<2x80x512xf32, #tpu.memory_space<vmem>> -> memref<1x80x512xf32, #tpu.memory_space<vmem>>
        %parallel_loop3A_268 = tpu.memref_squeeze %parallel_loop3A_267 : memref<1x80x512xf32, #tpu.memory_space<vmem>> -> memref<80x512xf32, #tpu.memory_space<vmem>>
        %parallel_loop3A_269 = tpu.vector_load_idx %parallel_loop3A_268[%parallel_loop3A_180, %parallel_loop3A_264] : memref<80x512xf32, #tpu.memory_space<vmem>>[vector<16xi32>, vector<16xi32>], vector<16xf32>,
        %parallel_loop3A_270 = arith.constant 1 : i32
        %parallel_loop3A_271 = vector.broadcast %parallel_loop3A_270 : i32 to vector<16xi32>
        %parallel_loop3A_272 = arith.addi %parallel_loop3A_264, %parallel_loop3A_271 : vector<16xi32>
        %parallel_loop3A_273 = arith.constant 0 : i32
        %parallel_loop3A_274 = arith.constant 0 : i32
        %parallel_loop3A_275 = tpu.memref_slice %arg4[%parallel_loop3A_153, %parallel_loop3A_273, %parallel_loop3A_274] : memref<2x80x512xf32, #tpu.memory_space<vmem>> -> memref<1x80x512xf32, #tpu.memory_space<vmem>>
        %parallel_loop3A_276 = tpu.memref_squeeze %parallel_loop3A_275 : memref<1x80x512xf32, #tpu.memory_space<vmem>> -> memref<80x512xf32, #tpu.memory_space<vmem>>
        %parallel_loop3A_277 = tpu.vector_load_idx %parallel_loop3A_276[%parallel_loop3A_180, %parallel_loop3A_272] : memref<80x512xf32, #tpu.memory_space<vmem>>[vector<16xi32>, vector<16xi32>], vector<16xf32>,
        %parallel_loop3A_278 = arith.addf %parallel_loop3A_269, %parallel_loop3A_277 : vector<16xf32>
        %parallel_loop3A_279 = arith.constant 5.000000e-01 : f32
        %parallel_loop3A_280 = vector.broadcast %parallel_loop3A_279 : f32 to vector<16xf32>
        %parallel_loop3A_281 = arith.mulf %parallel_loop3A_278, %parallel_loop3A_280 : vector<16xf32>
        %parallel_loop3A_282 = arith.constant 0 : i32
        %parallel_loop3A_283 = arith.constant 0 : i32
        %parallel_loop3A_284 = tpu.memref_slice %arg5[%parallel_loop3A_154, %parallel_loop3A_282, %parallel_loop3A_283] : memref<2x80x256xf32, #tpu.memory_space<vmem>> -> memref<1x80x256xf32, #tpu.memory_space<vmem>>
        %parallel_loop3A_285 = tpu.memref_squeeze %parallel_loop3A_284 : memref<1x80x256xf32, #tpu.memory_space<vmem>> -> memref<80x256xf32, #tpu.memory_space<vmem>>
        %parallel_loop3A_286 = arith.index_cast %parallel_loop3A_179 : i32 to index
        %parallel_loop3A_287 = arith.constant 48 : index
        %parallel_loop3A_288 = tpu.vector_load %parallel_loop3A_285[%parallel_loop3A_286, %parallel_loop3A_287] {strides = array<i32>} : memref<80x256xf32, #tpu.memory_space<vmem>>, vector<16xf32>,
        tpu.vector_store %parallel_loop3A_285[%parallel_loop3A_286, %parallel_loop3A_287], %parallel_loop3A_281 {strides = array<i32>} : memref<80x256xf32, #tpu.memory_space<vmem>>, vector<16xf32>,
        %parallel_loop3A_289 = arith.constant 128 : i32
        %parallel_loop3A_290 = vector.broadcast %parallel_loop3A_289 : i32 to vector<16xi32>
        %parallel_loop3A_291 = arith.addi %mul3A_3, %parallel_loop3A_290 : vector<16xi32>
        %parallel_loop3A_292 = arith.constant 0 : i32
        %parallel_loop3A_293 = arith.constant 0 : i32
        %parallel_loop3A_294 = tpu.memref_slice %arg4[%parallel_loop3A_153, %parallel_loop3A_292, %parallel_loop3A_293] : memref<2x80x512xf32, #tpu.memory_space<vmem>> -> memref<1x80x512xf32, #tpu.memory_space<vmem>>
        %parallel_loop3A_295 = tpu.memref_squeeze %parallel_loop3A_294 : memref<1x80x512xf32, #tpu.memory_space<vmem>> -> memref<80x512xf32, #tpu.memory_space<vmem>>
        %parallel_loop3A_296 = tpu.vector_load_idx %parallel_loop3A_295[%parallel_loop3A_180, %parallel_loop3A_291] : memref<80x512xf32, #tpu.memory_space<vmem>>[vector<16xi32>, vector<16xi32>], vector<16xf32>,
        %parallel_loop3A_297 = arith.constant 1 : i32
        %parallel_loop3A_298 = vector.broadcast %parallel_loop3A_297 : i32 to vector<16xi32>
        %parallel_loop3A_299 = arith.addi %parallel_loop3A_291, %parallel_loop3A_298 : vector<16xi32>
        %parallel_loop3A_300 = arith.constant 0 : i32
        %parallel_loop3A_301 = arith.constant 0 : i32
        %parallel_loop3A_302 = tpu.memref_slice %arg4[%parallel_loop3A_153, %parallel_loop3A_300, %parallel_loop3A_301] : memref<2x80x512xf32, #tpu.memory_space<vmem>> -> memref<1x80x512xf32, #tpu.memory_space<vmem>>
        %parallel_loop3A_303 = tpu.memref_squeeze %parallel_loop3A_302 : memref<1x80x512xf32, #tpu.memory_space<vmem>> -> memref<80x512xf32, #tpu.memory_space<vmem>>
        %parallel_loop3A_304 = tpu.vector_load_idx %parallel_loop3A_303[%parallel_loop3A_180, %parallel_loop3A_299] : memref<80x512xf32, #tpu.memory_space<vmem>>[vector<16xi32>, vector<16xi32>], vector<16xf32>,
        %parallel_loop3A_305 = arith.addf %parallel_loop3A_296, %parallel_loop3A_304 : vector<16xf32>
        %parallel_loop3A_306 = arith.constant 5.000000e-01 : f32
        %parallel_loop3A_307 = vector.broadcast %parallel_loop3A_306 : f32 to vector<16xf32>
        %parallel_loop3A_308 = arith.mulf %parallel_loop3A_305, %parallel_loop3A_307 : vector<16xf32>
        %parallel_loop3A_309 = arith.constant 0 : i32
        %parallel_loop3A_310 = arith.constant 0 : i32
        %parallel_loop3A_311 = tpu.memref_slice %arg5[%parallel_loop3A_154, %parallel_loop3A_309, %parallel_loop3A_310] : memref<2x80x256xf32, #tpu.memory_space<vmem>> -> memref<1x80x256xf32, #tpu.memory_space<vmem>>
        %parallel_loop3A_312 = tpu.memref_squeeze %parallel_loop3A_311 : memref<1x80x256xf32, #tpu.memory_space<vmem>> -> memref<80x256xf32, #tpu.memory_space<vmem>>
        %parallel_loop3A_313 = arith.index_cast %parallel_loop3A_179 : i32 to index
        %parallel_loop3A_314 = arith.constant 64 : index
        %parallel_loop3A_315 = tpu.vector_load %parallel_loop3A_312[%parallel_loop3A_313, %parallel_loop3A_314] {strides = array<i32>} : memref<80x256xf32, #tpu.memory_space<vmem>>, vector<16xf32>,
        tpu.vector_store %parallel_loop3A_312[%parallel_loop3A_313, %parallel_loop3A_314], %parallel_loop3A_308 {strides = array<i32>} : memref<80x256xf32, #tpu.memory_space<vmem>>, vector<16xf32>,
        %parallel_loop3A_316 = arith.constant 160 : i32
        %parallel_loop3A_317 = vector.broadcast %parallel_loop3A_316 : i32 to vector<16xi32>
        %parallel_loop3A_318 = arith.addi %mul3A_3, %parallel_loop3A_317 : vector<16xi32>
        %parallel_loop3A_319 = arith.constant 0 : i32
        %parallel_loop3A_320 = arith.constant 0 : i32
        %parallel_loop3A_321 = tpu.memref_slice %arg4[%parallel_loop3A_153, %parallel_loop3A_319, %parallel_loop3A_320] : memref<2x80x512xf32, #tpu.memory_space<vmem>> -> memref<1x80x512xf32, #tpu.memory_space<vmem>>
        %parallel_loop3A_322 = tpu.memref_squeeze %parallel_loop3A_321 : memref<1x80x512xf32, #tpu.memory_space<vmem>> -> memref<80x512xf32, #tpu.memory_space<vmem>>
        %parallel_loop3A_323 = tpu.vector_load_idx %parallel_loop3A_322[%parallel_loop3A_180, %parallel_loop3A_318] : memref<80x512xf32, #tpu.memory_space<vmem>>[vector<16xi32>, vector<16xi32>], vector<16xf32>,
        %parallel_loop3A_324 = arith.constant 1 : i32
        %parallel_loop3A_325 = vector.broadcast %parallel_loop3A_324 : i32 to vector<16xi32>
        %parallel_loop3A_326 = arith.addi %parallel_loop3A_318, %parallel_loop3A_325 : vector<16xi32>
        %parallel_loop3A_327 = arith.constant 0 : i32
        %parallel_loop3A_328 = arith.constant 0 : i32
        %parallel_loop3A_329 = tpu.memref_slice %arg4[%parallel_loop3A_153, %parallel_loop3A_327, %parallel_loop3A_328] : memref<2x80x512xf32, #tpu.memory_space<vmem>> -> memref<1x80x512xf32, #tpu.memory_space<vmem>>
        %parallel_loop3A_330 = tpu.memref_squeeze %parallel_loop3A_329 : memref<1x80x512xf32, #tpu.memory_space<vmem>> -> memref<80x512xf32, #tpu.memory_space<vmem>>
        %parallel_loop3A_331 = tpu.vector_load_idx %parallel_loop3A_330[%parallel_loop3A_180, %parallel_loop3A_326] : memref<80x512xf32, #tpu.memory_space<vmem>>[vector<16xi32>, vector<16xi32>], vector<16xf32>,
        %parallel_loop3A_332 = arith.addf %parallel_loop3A_323, %parallel_loop3A_331 : vector<16xf32>
        %parallel_loop3A_333 = arith.constant 5.000000e-01 : f32
        %parallel_loop3A_334 = vector.broadcast %parallel_loop3A_333 : f32 to vector<16xf32>
        %parallel_loop3A_335 = arith.mulf %parallel_loop3A_332, %parallel_loop3A_334 : vector<16xf32>
        %parallel_loop3A_336 = arith.constant 0 : i32
        %parallel_loop3A_337 = arith.constant 0 : i32
        %parallel_loop3A_338 = tpu.memref_slice %arg5[%parallel_loop3A_154, %parallel_loop3A_336, %parallel_loop3A_337] : memref<2x80x256xf32, #tpu.memory_space<vmem>> -> memref<1x80x256xf32, #tpu.memory_space<vmem>>
        %parallel_loop3A_339 = tpu.memref_squeeze %parallel_loop3A_338 : memref<1x80x256xf32, #tpu.memory_space<vmem>> -> memref<80x256xf32, #tpu.memory_space<vmem>>
        %parallel_loop3A_340 = arith.index_cast %parallel_loop3A_179 : i32 to index
        %parallel_loop3A_341 = arith.constant 80 : index
        %parallel_loop3A_342 = tpu.vector_load %parallel_loop3A_339[%parallel_loop3A_340, %parallel_loop3A_341] {strides = array<i32>} : memref<80x256xf32, #tpu.memory_space<vmem>>, vector<16xf32>,
        tpu.vector_store %parallel_loop3A_339[%parallel_loop3A_340, %parallel_loop3A_341], %parallel_loop3A_335 {strides = array<i32>} : memref<80x256xf32, #tpu.memory_space<vmem>>, vector<16xf32>,
        %parallel_loop3A_343 = arith.constant 192 : i32
        %parallel_loop3A_344 = vector.broadcast %parallel_loop3A_343 : i32 to vector<16xi32>
        %parallel_loop3A_345 = arith.addi %mul3A_3, %parallel_loop3A_344 : vector<16xi32>
        %parallel_loop3A_346 = arith.constant 0 : i32
        %parallel_loop3A_347 = arith.constant 0 : i32
        %parallel_loop3A_348 = tpu.memref_slice %arg4[%parallel_loop3A_153, %parallel_loop3A_346, %parallel_loop3A_347] : memref<2x80x512xf32, #tpu.memory_space<vmem>> -> memref<1x80x512xf32, #tpu.memory_space<vmem>>
        %parallel_loop3A_349 = tpu.memref_squeeze %parallel_loop3A_348 : memref<1x80x512xf32, #tpu.memory_space<vmem>> -> memref<80x512xf32, #tpu.memory_space<vmem>>
        %parallel_loop3A_350 = tpu.vector_load_idx %parallel_loop3A_349[%parallel_loop3A_180, %parallel_loop3A_345] : memref<80x512xf32, #tpu.memory_space<vmem>>[vector<16xi32>, vector<16xi32>], vector<16xf32>,
        %parallel_loop3A_351 = arith.constant 1 : i32
        %parallel_loop3A_352 = vector.broadcast %parallel_loop3A_351 : i32 to vector<16xi32>
        %parallel_loop3A_353 = arith.addi %parallel_loop3A_345, %parallel_loop3A_352 : vector<16xi32>
        %parallel_loop3A_354 = arith.constant 0 : i32
        %parallel_loop3A_355 = arith.constant 0 : i32
        %parallel_loop3A_356 = tpu.memref_slice %arg4[%parallel_loop3A_153, %parallel_loop3A_354, %parallel_loop3A_355] : memref<2x80x512xf32, #tpu.memory_space<vmem>> -> memref<1x80x512xf32, #tpu.memory_space<vmem>>
        %parallel_loop3A_357 = tpu.memref_squeeze %parallel_loop3A_356 : memref<1x80x512xf32, #tpu.memory_space<vmem>> -> memref<80x512xf32, #tpu.memory_space<vmem>>
        %parallel_loop3A_358 = tpu.vector_load_idx %parallel_loop3A_357[%parallel_loop3A_180, %parallel_loop3A_353] : memref<80x512xf32, #tpu.memory_space<vmem>>[vector<16xi32>, vector<16xi32>], vector<16xf32>,
        %parallel_loop3A_359 = arith.addf %parallel_loop3A_350, %parallel_loop3A_358 : vector<16xf32>
        %parallel_loop3A_360 = arith.constant 5.000000e-01 : f32
        %parallel_loop3A_361 = vector.broadcast %parallel_loop3A_360 : f32 to vector<16xf32>
        %parallel_loop3A_362 = arith.mulf %parallel_loop3A_359, %parallel_loop3A_361 : vector<16xf32>
        %parallel_loop3A_363 = arith.constant 0 : i32
        %parallel_loop3A_364 = arith.constant 0 : i32
        %parallel_loop3A_365 = tpu.memref_slice %arg5[%parallel_loop3A_154, %parallel_loop3A_363, %parallel_loop3A_364] : memref<2x80x256xf32, #tpu.memory_space<vmem>> -> memref<1x80x256xf32, #tpu.memory_space<vmem>>
        %parallel_loop3A_366 = tpu.memref_squeeze %parallel_loop3A_365 : memref<1x80x256xf32, #tpu.memory_space<vmem>> -> memref<80x256xf32, #tpu.memory_space<vmem>>
        %parallel_loop3A_367 = arith.index_cast %parallel_loop3A_179 : i32 to index
        %parallel_loop3A_368 = arith.constant 96 : index
        %parallel_loop3A_369 = tpu.vector_load %parallel_loop3A_366[%parallel_loop3A_367, %parallel_loop3A_368] {strides = array<i32>} : memref<80x256xf32, #tpu.memory_space<vmem>>, vector<16xf32>,
        tpu.vector_store %parallel_loop3A_366[%parallel_loop3A_367, %parallel_loop3A_368], %parallel_loop3A_362 {strides = array<i32>} : memref<80x256xf32, #tpu.memory_space<vmem>>, vector<16xf32>,
        %parallel_loop3A_370 = arith.constant 224 : i32
        %parallel_loop3A_371 = vector.broadcast %parallel_loop3A_370 : i32 to vector<16xi32>
        %parallel_loop3A_372 = arith.addi %mul3A_3, %parallel_loop3A_371 : vector<16xi32>
        %parallel_loop3A_373 = arith.constant 0 : i32
        %parallel_loop3A_374 = arith.constant 0 : i32
        %parallel_loop3A_375 = tpu.memref_slice %arg4[%parallel_loop3A_153, %parallel_loop3A_373, %parallel_loop3A_374] : memref<2x80x512xf32, #tpu.memory_space<vmem>> -> memref<1x80x512xf32, #tpu.memory_space<vmem>>
        %parallel_loop3A_376 = tpu.memref_squeeze %parallel_loop3A_375 : memref<1x80x512xf32, #tpu.memory_space<vmem>> -> memref<80x512xf32, #tpu.memory_space<vmem>>
        %parallel_loop3A_377 = tpu.vector_load_idx %parallel_loop3A_376[%parallel_loop3A_180, %parallel_loop3A_372] : memref<80x512xf32, #tpu.memory_space<vmem>>[vector<16xi32>, vector<16xi32>], vector<16xf32>,
        %parallel_loop3A_378 = arith.constant 1 : i32
        %parallel_loop3A_379 = vector.broadcast %parallel_loop3A_378 : i32 to vector<16xi32>
        %parallel_loop3A_380 = arith.addi %parallel_loop3A_372, %parallel_loop3A_379 : vector<16xi32>
        %parallel_loop3A_381 = arith.constant 0 : i32
        %parallel_loop3A_382 = arith.constant 0 : i32
        %parallel_loop3A_383 = tpu.memref_slice %arg4[%parallel_loop3A_153, %parallel_loop3A_381, %parallel_loop3A_382] : memref<2x80x512xf32, #tpu.memory_space<vmem>> -> memref<1x80x512xf32, #tpu.memory_space<vmem>>
        %parallel_loop3A_384 = tpu.memref_squeeze %parallel_loop3A_383 : memref<1x80x512xf32, #tpu.memory_space<vmem>> -> memref<80x512xf32, #tpu.memory_space<vmem>>
        %parallel_loop3A_385 = tpu.vector_load_idx %parallel_loop3A_384[%parallel_loop3A_180, %parallel_loop3A_380] : memref<80x512xf32, #tpu.memory_space<vmem>>[vector<16xi32>, vector<16xi32>], vector<16xf32>,
        %parallel_loop3A_386 = arith.addf %parallel_loop3A_377, %parallel_loop3A_385 : vector<16xf32>
        %parallel_loop3A_387 = arith.constant 5.000000e-01 : f32
        %parallel_loop3A_388 = vector.broadcast %parallel_loop3A_387 : f32 to vector<16xf32>
        %parallel_loop3A_389 = arith.mulf %parallel_loop3A_386, %parallel_loop3A_388 : vector<16xf32>
        %parallel_loop3A_390 = arith.constant 0 : i32
        %parallel_loop3A_391 = arith.constant 0 : i32
        %parallel_loop3A_392 = tpu.memref_slice %arg5[%parallel_loop3A_154, %parallel_loop3A_390, %parallel_loop3A_391] : memref<2x80x256xf32, #tpu.memory_space<vmem>> -> memref<1x80x256xf32, #tpu.memory_space<vmem>>
        %parallel_loop3A_393 = tpu.memref_squeeze %parallel_loop3A_392 : memref<1x80x256xf32, #tpu.memory_space<vmem>> -> memref<80x256xf32, #tpu.memory_space<vmem>>
        %parallel_loop3A_394 = arith.index_cast %parallel_loop3A_179 : i32 to index
        %parallel_loop3A_395 = arith.constant 112 : index
        %parallel_loop3A_396 = tpu.vector_load %parallel_loop3A_393[%parallel_loop3A_394, %parallel_loop3A_395] {strides = array<i32>} : memref<80x256xf32, #tpu.memory_space<vmem>>, vector<16xf32>,
        tpu.vector_store %parallel_loop3A_393[%parallel_loop3A_394, %parallel_loop3A_395], %parallel_loop3A_389 {strides = array<i32>} : memref<80x256xf32, #tpu.memory_space<vmem>>, vector<16xf32>,
        %parallel_loop3A_397 = arith.constant 256 : i32
        %parallel_loop3A_398 = vector.broadcast %parallel_loop3A_397 : i32 to vector<16xi32>
        %parallel_loop3A_399 = arith.addi %mul3A_3, %parallel_loop3A_398 : vector<16xi32>
        %parallel_loop3A_400 = arith.constant 0 : i32
        %parallel_loop3A_401 = arith.constant 0 : i32
        %parallel_loop3A_402 = tpu.memref_slice %arg4[%parallel_loop3A_153, %parallel_loop3A_400, %parallel_loop3A_401] : memref<2x80x512xf32, #tpu.memory_space<vmem>> -> memref<1x80x512xf32, #tpu.memory_space<vmem>>
        %parallel_loop3A_403 = tpu.memref_squeeze %parallel_loop3A_402 : memref<1x80x512xf32, #tpu.memory_space<vmem>> -> memref<80x512xf32, #tpu.memory_space<vmem>>
        %parallel_loop3A_404 = tpu.vector_load_idx %parallel_loop3A_403[%parallel_loop3A_180, %parallel_loop3A_399] : memref<80x512xf32, #tpu.memory_space<vmem>>[vector<16xi32>, vector<16xi32>], vector<16xf32>,
        %parallel_loop3A_405 = arith.constant 1 : i32
        %parallel_loop3A_406 = vector.broadcast %parallel_loop3A_405 : i32 to vector<16xi32>
        %parallel_loop3A_407 = arith.addi %parallel_loop3A_399, %parallel_loop3A_406 : vector<16xi32>
        %parallel_loop3A_408 = arith.constant 0 : i32
        %parallel_loop3A_409 = arith.constant 0 : i32
        %parallel_loop3A_410 = tpu.memref_slice %arg4[%parallel_loop3A_153, %parallel_loop3A_408, %parallel_loop3A_409] : memref<2x80x512xf32, #tpu.memory_space<vmem>> -> memref<1x80x512xf32, #tpu.memory_space<vmem>>
        %parallel_loop3A_411 = tpu.memref_squeeze %parallel_loop3A_410 : memref<1x80x512xf32, #tpu.memory_space<vmem>> -> memref<80x512xf32, #tpu.memory_space<vmem>>
        %parallel_loop3A_412 = tpu.vector_load_idx %parallel_loop3A_411[%parallel_loop3A_180, %parallel_loop3A_407] : memref<80x512xf32, #tpu.memory_space<vmem>>[vector<16xi32>, vector<16xi32>], vector<16xf32>,
        %parallel_loop3A_413 = arith.addf %parallel_loop3A_404, %parallel_loop3A_412 : vector<16xf32>
        %parallel_loop3A_414 = arith.constant 5.000000e-01 : f32
        %parallel_loop3A_415 = vector.broadcast %parallel_loop3A_414 : f32 to vector<16xf32>
        %parallel_loop3A_416 = arith.mulf %parallel_loop3A_413, %parallel_loop3A_415 : vector<16xf32>
        %parallel_loop3A_417 = arith.constant 0 : i32
        %parallel_loop3A_418 = arith.constant 0 : i32
        %parallel_loop3A_419 = tpu.memref_slice %arg5[%parallel_loop3A_154, %parallel_loop3A_417, %parallel_loop3A_418] : memref<2x80x256xf32, #tpu.memory_space<vmem>> -> memref<1x80x256xf32, #tpu.memory_space<vmem>>
        %parallel_loop3A_420 = tpu.memref_squeeze %parallel_loop3A_419 : memref<1x80x256xf32, #tpu.memory_space<vmem>> -> memref<80x256xf32, #tpu.memory_space<vmem>>
        %parallel_loop3A_421 = arith.index_cast %parallel_loop3A_179 : i32 to index
        %parallel_loop3A_422 = arith.constant 128 : index
        %parallel_loop3A_423 = tpu.vector_load %parallel_loop3A_420[%parallel_loop3A_421, %parallel_loop3A_422] {strides = array<i32>} : memref<80x256xf32, #tpu.memory_space<vmem>>, vector<16xf32>,
        tpu.vector_store %parallel_loop3A_420[%parallel_loop3A_421, %parallel_loop3A_422], %parallel_loop3A_416 {strides = array<i32>} : memref<80x256xf32, #tpu.memory_space<vmem>>, vector<16xf32>,
        %parallel_loop3A_424 = arith.constant 288 : i32
        %parallel_loop3A_425 = vector.broadcast %parallel_loop3A_424 : i32 to vector<16xi32>
        %parallel_loop3A_426 = arith.addi %mul3A_3, %parallel_loop3A_425 : vector<16xi32>
        %parallel_loop3A_427 = arith.constant 0 : i32
        %parallel_loop3A_428 = arith.constant 0 : i32
        %parallel_loop3A_429 = tpu.memref_slice %arg4[%parallel_loop3A_153, %parallel_loop3A_427, %parallel_loop3A_428] : memref<2x80x512xf32, #tpu.memory_space<vmem>> -> memref<1x80x512xf32, #tpu.memory_space<vmem>>
        %parallel_loop3A_430 = tpu.memref_squeeze %parallel_loop3A_429 : memref<1x80x512xf32, #tpu.memory_space<vmem>> -> memref<80x512xf32, #tpu.memory_space<vmem>>
        %parallel_loop3A_431 = tpu.vector_load_idx %parallel_loop3A_430[%parallel_loop3A_180, %parallel_loop3A_426] : memref<80x512xf32, #tpu.memory_space<vmem>>[vector<16xi32>, vector<16xi32>], vector<16xf32>,
        %parallel_loop3A_432 = arith.constant 1 : i32
        %parallel_loop3A_433 = vector.broadcast %parallel_loop3A_432 : i32 to vector<16xi32>
        %parallel_loop3A_434 = arith.addi %parallel_loop3A_426, %parallel_loop3A_433 : vector<16xi32>
        %parallel_loop3A_435 = arith.constant 0 : i32
        %parallel_loop3A_436 = arith.constant 0 : i32
        %parallel_loop3A_437 = tpu.memref_slice %arg4[%parallel_loop3A_153, %parallel_loop3A_435, %parallel_loop3A_436] : memref<2x80x512xf32, #tpu.memory_space<vmem>> -> memref<1x80x512xf32, #tpu.memory_space<vmem>>
        %parallel_loop3A_438 = tpu.memref_squeeze %parallel_loop3A_437 : memref<1x80x512xf32, #tpu.memory_space<vmem>> -> memref<80x512xf32, #tpu.memory_space<vmem>>
        %parallel_loop3A_439 = tpu.vector_load_idx %parallel_loop3A_438[%parallel_loop3A_180, %parallel_loop3A_434] : memref<80x512xf32, #tpu.memory_space<vmem>>[vector<16xi32>, vector<16xi32>], vector<16xf32>,
        %parallel_loop3A_440 = arith.addf %parallel_loop3A_431, %parallel_loop3A_439 : vector<16xf32>
        %parallel_loop3A_441 = arith.constant 5.000000e-01 : f32
        %parallel_loop3A_442 = vector.broadcast %parallel_loop3A_441 : f32 to vector<16xf32>
        %parallel_loop3A_443 = arith.mulf %parallel_loop3A_440, %parallel_loop3A_442 : vector<16xf32>
        %parallel_loop3A_444 = arith.constant 0 : i32
        %parallel_loop3A_445 = arith.constant 0 : i32
        %parallel_loop3A_446 = tpu.memref_slice %arg5[%parallel_loop3A_154, %parallel_loop3A_444, %parallel_loop3A_445] : memref<2x80x256xf32, #tpu.memory_space<vmem>> -> memref<1x80x256xf32, #tpu.memory_space<vmem>>
        %parallel_loop3A_447 = tpu.memref_squeeze %parallel_loop3A_446 : memref<1x80x256xf32, #tpu.memory_space<vmem>> -> memref<80x256xf32, #tpu.memory_space<vmem>>
        %parallel_loop3A_448 = arith.index_cast %parallel_loop3A_179 : i32 to index
        %parallel_loop3A_449 = arith.constant 144 : index
        %parallel_loop3A_450 = tpu.vector_load %parallel_loop3A_447[%parallel_loop3A_448, %parallel_loop3A_449] {strides = array<i32>} : memref<80x256xf32, #tpu.memory_space<vmem>>, vector<16xf32>,
        tpu.vector_store %parallel_loop3A_447[%parallel_loop3A_448, %parallel_loop3A_449], %parallel_loop3A_443 {strides = array<i32>} : memref<80x256xf32, #tpu.memory_space<vmem>>, vector<16xf32>,
        %parallel_loop3A_451 = arith.constant 320 : i32
        %parallel_loop3A_452 = vector.broadcast %parallel_loop3A_451 : i32 to vector<16xi32>
        %parallel_loop3A_453 = arith.addi %mul3A_3, %parallel_loop3A_452 : vector<16xi32>
        %parallel_loop3A_454 = arith.constant 0 : i32
        %parallel_loop3A_455 = arith.constant 0 : i32
        %parallel_loop3A_456 = tpu.memref_slice %arg4[%parallel_loop3A_153, %parallel_loop3A_454, %parallel_loop3A_455] : memref<2x80x512xf32, #tpu.memory_space<vmem>> -> memref<1x80x512xf32, #tpu.memory_space<vmem>>
        %parallel_loop3A_457 = tpu.memref_squeeze %parallel_loop3A_456 : memref<1x80x512xf32, #tpu.memory_space<vmem>> -> memref<80x512xf32, #tpu.memory_space<vmem>>
        %parallel_loop3A_458 = tpu.vector_load_idx %parallel_loop3A_457[%parallel_loop3A_180, %parallel_loop3A_453] : memref<80x512xf32, #tpu.memory_space<vmem>>[vector<16xi32>, vector<16xi32>], vector<16xf32>,
        %parallel_loop3A_459 = arith.constant 1 : i32
        %parallel_loop3A_460 = vector.broadcast %parallel_loop3A_459 : i32 to vector<16xi32>
        %parallel_loop3A_461 = arith.addi %parallel_loop3A_453, %parallel_loop3A_460 : vector<16xi32>
        %parallel_loop3A_462 = arith.constant 0 : i32
        %parallel_loop3A_463 = arith.constant 0 : i32
        %parallel_loop3A_464 = tpu.memref_slice %arg4[%parallel_loop3A_153, %parallel_loop3A_462, %parallel_loop3A_463] : memref<2x80x512xf32, #tpu.memory_space<vmem>> -> memref<1x80x512xf32, #tpu.memory_space<vmem>>
        %parallel_loop3A_465 = tpu.memref_squeeze %parallel_loop3A_464 : memref<1x80x512xf32, #tpu.memory_space<vmem>> -> memref<80x512xf32, #tpu.memory_space<vmem>>
        %parallel_loop3A_466 = tpu.vector_load_idx %parallel_loop3A_465[%parallel_loop3A_180, %parallel_loop3A_461] : memref<80x512xf32, #tpu.memory_space<vmem>>[vector<16xi32>, vector<16xi32>], vector<16xf32>,
        %parallel_loop3A_467 = arith.addf %parallel_loop3A_458, %parallel_loop3A_466 : vector<16xf32>
        %parallel_loop3A_468 = arith.constant 5.000000e-01 : f32
        %parallel_loop3A_469 = vector.broadcast %parallel_loop3A_468 : f32 to vector<16xf32>
        %parallel_loop3A_470 = arith.mulf %parallel_loop3A_467, %parallel_loop3A_469 : vector<16xf32>
        %parallel_loop3A_471 = arith.constant 0 : i32
        %parallel_loop3A_472 = arith.constant 0 : i32
        %parallel_loop3A_473 = tpu.memref_slice %arg5[%parallel_loop3A_154, %parallel_loop3A_471, %parallel_loop3A_472] : memref<2x80x256xf32, #tpu.memory_space<vmem>> -> memref<1x80x256xf32, #tpu.memory_space<vmem>>
        %parallel_loop3A_474 = tpu.memref_squeeze %parallel_loop3A_473 : memref<1x80x256xf32, #tpu.memory_space<vmem>> -> memref<80x256xf32, #tpu.memory_space<vmem>>
        %parallel_loop3A_475 = arith.index_cast %parallel_loop3A_179 : i32 to index
        %parallel_loop3A_476 = arith.constant 160 : index
        %parallel_loop3A_477 = tpu.vector_load %parallel_loop3A_474[%parallel_loop3A_475, %parallel_loop3A_476] {strides = array<i32>} : memref<80x256xf32, #tpu.memory_space<vmem>>, vector<16xf32>,
        tpu.vector_store %parallel_loop3A_474[%parallel_loop3A_475, %parallel_loop3A_476], %parallel_loop3A_470 {strides = array<i32>} : memref<80x256xf32, #tpu.memory_space<vmem>>, vector<16xf32>,
        %parallel_loop3A_478 = arith.constant 352 : i32
        %parallel_loop3A_479 = vector.broadcast %parallel_loop3A_478 : i32 to vector<16xi32>
        %parallel_loop3A_480 = arith.addi %mul3A_3, %parallel_loop3A_479 : vector<16xi32>
        %parallel_loop3A_481 = arith.constant 0 : i32
        %parallel_loop3A_482 = arith.constant 0 : i32
        %parallel_loop3A_483 = tpu.memref_slice %arg4[%parallel_loop3A_153, %parallel_loop3A_481, %parallel_loop3A_482] : memref<2x80x512xf32, #tpu.memory_space<vmem>> -> memref<1x80x512xf32, #tpu.memory_space<vmem>>
        %parallel_loop3A_484 = tpu.memref_squeeze %parallel_loop3A_483 : memref<1x80x512xf32, #tpu.memory_space<vmem>> -> memref<80x512xf32, #tpu.memory_space<vmem>>
        %parallel_loop3A_485 = tpu.vector_load_idx %parallel_loop3A_484[%parallel_loop3A_180, %parallel_loop3A_480] : memref<80x512xf32, #tpu.memory_space<vmem>>[vector<16xi32>, vector<16xi32>], vector<16xf32>,
        %parallel_loop3A_486 = arith.constant 1 : i32
        %parallel_loop3A_487 = vector.broadcast %parallel_loop3A_486 : i32 to vector<16xi32>
        %parallel_loop3A_488 = arith.addi %parallel_loop3A_480, %parallel_loop3A_487 : vector<16xi32>
        %parallel_loop3A_489 = arith.constant 0 : i32
        %parallel_loop3A_490 = arith.constant 0 : i32
        %parallel_loop3A_491 = tpu.memref_slice %arg4[%parallel_loop3A_153, %parallel_loop3A_489, %parallel_loop3A_490] : memref<2x80x512xf32, #tpu.memory_space<vmem>> -> memref<1x80x512xf32, #tpu.memory_space<vmem>>
        %parallel_loop3A_492 = tpu.memref_squeeze %parallel_loop3A_491 : memref<1x80x512xf32, #tpu.memory_space<vmem>> -> memref<80x512xf32, #tpu.memory_space<vmem>>
        %parallel_loop3A_493 = tpu.vector_load_idx %parallel_loop3A_492[%parallel_loop3A_180, %parallel_loop3A_488] : memref<80x512xf32, #tpu.memory_space<vmem>>[vector<16xi32>, vector<16xi32>], vector<16xf32>,
        %parallel_loop3A_494 = arith.addf %parallel_loop3A_485, %parallel_loop3A_493 : vector<16xf32>
        %parallel_loop3A_495 = arith.constant 5.000000e-01 : f32
        %parallel_loop3A_496 = vector.broadcast %parallel_loop3A_495 : f32 to vector<16xf32>
        %parallel_loop3A_497 = arith.mulf %parallel_loop3A_494, %parallel_loop3A_496 : vector<16xf32>
        %parallel_loop3A_498 = arith.constant 0 : i32
        %parallel_loop3A_499 = arith.constant 0 : i32
        %parallel_loop3A_500 = tpu.memref_slice %arg5[%parallel_loop3A_154, %parallel_loop3A_498, %parallel_loop3A_499] : memref<2x80x256xf32, #tpu.memory_space<vmem>> -> memref<1x80x256xf32, #tpu.memory_space<vmem>>
        %parallel_loop3A_501 = tpu.memref_squeeze %parallel_loop3A_500 : memref<1x80x256xf32, #tpu.memory_space<vmem>> -> memref<80x256xf32, #tpu.memory_space<vmem>>
        %parallel_loop3A_502 = arith.index_cast %parallel_loop3A_179 : i32 to index
        %parallel_loop3A_503 = arith.constant 176 : index
        %parallel_loop3A_504 = tpu.vector_load %parallel_loop3A_501[%parallel_loop3A_502, %parallel_loop3A_503] {strides = array<i32>} : memref<80x256xf32, #tpu.memory_space<vmem>>, vector<16xf32>,
        tpu.vector_store %parallel_loop3A_501[%parallel_loop3A_502, %parallel_loop3A_503], %parallel_loop3A_497 {strides = array<i32>} : memref<80x256xf32, #tpu.memory_space<vmem>>, vector<16xf32>,
        %parallel_loop3A_505 = arith.constant 384 : i32
        %parallel_loop3A_506 = vector.broadcast %parallel_loop3A_505 : i32 to vector<16xi32>
        %parallel_loop3A_507 = arith.addi %mul3A_3, %parallel_loop3A_506 : vector<16xi32>
        %parallel_loop3A_508 = arith.constant 0 : i32
        %parallel_loop3A_509 = arith.constant 0 : i32
        %parallel_loop3A_510 = tpu.memref_slice %arg4[%parallel_loop3A_153, %parallel_loop3A_508, %parallel_loop3A_509] : memref<2x80x512xf32, #tpu.memory_space<vmem>> -> memref<1x80x512xf32, #tpu.memory_space<vmem>>
        %parallel_loop3A_511 = tpu.memref_squeeze %parallel_loop3A_510 : memref<1x80x512xf32, #tpu.memory_space<vmem>> -> memref<80x512xf32, #tpu.memory_space<vmem>>
        %parallel_loop3A_512 = tpu.vector_load_idx %parallel_loop3A_511[%parallel_loop3A_180, %parallel_loop3A_507] : memref<80x512xf32, #tpu.memory_space<vmem>>[vector<16xi32>, vector<16xi32>], vector<16xf32>,
        %parallel_loop3A_513 = arith.constant 1 : i32
        %parallel_loop3A_514 = vector.broadcast %parallel_loop3A_513 : i32 to vector<16xi32>
        %parallel_loop3A_515 = arith.addi %parallel_loop3A_507, %parallel_loop3A_514 : vector<16xi32>
        %parallel_loop3A_516 = arith.constant 0 : i32
        %parallel_loop3A_517 = arith.constant 0 : i32
        %parallel_loop3A_518 = tpu.memref_slice %arg4[%parallel_loop3A_153, %parallel_loop3A_516, %parallel_loop3A_517] : memref<2x80x512xf32, #tpu.memory_space<vmem>> -> memref<1x80x512xf32, #tpu.memory_space<vmem>>
        %parallel_loop3A_519 = tpu.memref_squeeze %parallel_loop3A_518 : memref<1x80x512xf32, #tpu.memory_space<vmem>> -> memref<80x512xf32, #tpu.memory_space<vmem>>
        %parallel_loop3A_520 = tpu.vector_load_idx %parallel_loop3A_519[%parallel_loop3A_180, %parallel_loop3A_515] : memref<80x512xf32, #tpu.memory_space<vmem>>[vector<16xi32>, vector<16xi32>], vector<16xf32>,
        %parallel_loop3A_521 = arith.addf %parallel_loop3A_512, %parallel_loop3A_520 : vector<16xf32>
        %parallel_loop3A_522 = arith.constant 5.000000e-01 : f32
        %parallel_loop3A_523 = vector.broadcast %parallel_loop3A_522 : f32 to vector<16xf32>
        %parallel_loop3A_524 = arith.mulf %parallel_loop3A_521, %parallel_loop3A_523 : vector<16xf32>
        %parallel_loop3A_525 = arith.constant 0 : i32
        %parallel_loop3A_526 = arith.constant 0 : i32
        %parallel_loop3A_527 = tpu.memref_slice %arg5[%parallel_loop3A_154, %parallel_loop3A_525, %parallel_loop3A_526] : memref<2x80x256xf32, #tpu.memory_space<vmem>> -> memref<1x80x256xf32, #tpu.memory_space<vmem>>
        %parallel_loop3A_528 = tpu.memref_squeeze %parallel_loop3A_527 : memref<1x80x256xf32, #tpu.memory_space<vmem>> -> memref<80x256xf32, #tpu.memory_space<vmem>>
        %parallel_loop3A_529 = arith.index_cast %parallel_loop3A_179 : i32 to index
        %parallel_loop3A_530 = arith.constant 192 : index
        %parallel_loop3A_531 = tpu.vector_load %parallel_loop3A_528[%parallel_loop3A_529, %parallel_loop3A_530] {strides = array<i32>} : memref<80x256xf32, #tpu.memory_space<vmem>>, vector<16xf32>,
        tpu.vector_store %parallel_loop3A_528[%parallel_loop3A_529, %parallel_loop3A_530], %parallel_loop3A_524 {strides = array<i32>} : memref<80x256xf32, #tpu.memory_space<vmem>>, vector<16xf32>,
        %parallel_loop3A_532 = arith.constant 416 : i32
        %parallel_loop3A_533 = vector.broadcast %parallel_loop3A_532 : i32 to vector<16xi32>
        %parallel_loop3A_534 = arith.addi %mul3A_3, %parallel_loop3A_533 : vector<16xi32>
        %parallel_loop3A_535 = arith.constant 0 : i32
        %parallel_loop3A_536 = arith.constant 0 : i32
        %parallel_loop3A_537 = tpu.memref_slice %arg4[%parallel_loop3A_153, %parallel_loop3A_535, %parallel_loop3A_536] : memref<2x80x512xf32, #tpu.memory_space<vmem>> -> memref<1x80x512xf32, #tpu.memory_space<vmem>>
        %parallel_loop3A_538 = tpu.memref_squeeze %parallel_loop3A_537 : memref<1x80x512xf32, #tpu.memory_space<vmem>> -> memref<80x512xf32, #tpu.memory_space<vmem>>
        %parallel_loop3A_539 = tpu.vector_load_idx %parallel_loop3A_538[%parallel_loop3A_180, %parallel_loop3A_534] : memref<80x512xf32, #tpu.memory_space<vmem>>[vector<16xi32>, vector<16xi32>], vector<16xf32>,
        %parallel_loop3A_540 = arith.constant 1 : i32
        %parallel_loop3A_541 = vector.broadcast %parallel_loop3A_540 : i32 to vector<16xi32>
        %parallel_loop3A_542 = arith.addi %parallel_loop3A_534, %parallel_loop3A_541 : vector<16xi32>
        %parallel_loop3A_543 = arith.constant 0 : i32
        %parallel_loop3A_544 = arith.constant 0 : i32
        %parallel_loop3A_545 = tpu.memref_slice %arg4[%parallel_loop3A_153, %parallel_loop3A_543, %parallel_loop3A_544] : memref<2x80x512xf32, #tpu.memory_space<vmem>> -> memref<1x80x512xf32, #tpu.memory_space<vmem>>
        %parallel_loop3A_546 = tpu.memref_squeeze %parallel_loop3A_545 : memref<1x80x512xf32, #tpu.memory_space<vmem>> -> memref<80x512xf32, #tpu.memory_space<vmem>>
        %parallel_loop3A_547 = tpu.vector_load_idx %parallel_loop3A_546[%parallel_loop3A_180, %parallel_loop3A_542] : memref<80x512xf32, #tpu.memory_space<vmem>>[vector<16xi32>, vector<16xi32>], vector<16xf32>,
        %parallel_loop3A_548 = arith.addf %parallel_loop3A_539, %parallel_loop3A_547 : vector<16xf32>
        %parallel_loop3A_549 = arith.constant 5.000000e-01 : f32
        %parallel_loop3A_550 = vector.broadcast %parallel_loop3A_549 : f32 to vector<16xf32>
        %parallel_loop3A_551 = arith.mulf %parallel_loop3A_548, %parallel_loop3A_550 : vector<16xf32>
        %parallel_loop3A_552 = arith.constant 0 : i32
        %parallel_loop3A_553 = arith.constant 0 : i32
        %parallel_loop3A_554 = tpu.memref_slice %arg5[%parallel_loop3A_154, %parallel_loop3A_552, %parallel_loop3A_553] : memref<2x80x256xf32, #tpu.memory_space<vmem>> -> memref<1x80x256xf32, #tpu.memory_space<vmem>>
        %parallel_loop3A_555 = tpu.memref_squeeze %parallel_loop3A_554 : memref<1x80x256xf32, #tpu.memory_space<vmem>> -> memref<80x256xf32, #tpu.memory_space<vmem>>
        %parallel_loop3A_556 = arith.index_cast %parallel_loop3A_179 : i32 to index
        %parallel_loop3A_557 = arith.constant 208 : index
        %parallel_loop3A_558 = tpu.vector_load %parallel_loop3A_555[%parallel_loop3A_556, %parallel_loop3A_557] {strides = array<i32>} : memref<80x256xf32, #tpu.memory_space<vmem>>, vector<16xf32>,
        tpu.vector_store %parallel_loop3A_555[%parallel_loop3A_556, %parallel_loop3A_557], %parallel_loop3A_551 {strides = array<i32>} : memref<80x256xf32, #tpu.memory_space<vmem>>, vector<16xf32>,
        %parallel_loop3A_559 = arith.constant 448 : i32
        %parallel_loop3A_560 = vector.broadcast %parallel_loop3A_559 : i32 to vector<16xi32>
        %parallel_loop3A_561 = arith.addi %mul3A_3, %parallel_loop3A_560 : vector<16xi32>
        %parallel_loop3A_562 = arith.constant 0 : i32
        %parallel_loop3A_563 = arith.constant 0 : i32
        %parallel_loop3A_564 = tpu.memref_slice %arg4[%parallel_loop3A_153, %parallel_loop3A_562, %parallel_loop3A_563] : memref<2x80x512xf32, #tpu.memory_space<vmem>> -> memref<1x80x512xf32, #tpu.memory_space<vmem>>
        %parallel_loop3A_565 = tpu.memref_squeeze %parallel_loop3A_564 : memref<1x80x512xf32, #tpu.memory_space<vmem>> -> memref<80x512xf32, #tpu.memory_space<vmem>>
        %parallel_loop3A_566 = tpu.vector_load_idx %parallel_loop3A_565[%parallel_loop3A_180, %parallel_loop3A_561] : memref<80x512xf32, #tpu.memory_space<vmem>>[vector<16xi32>, vector<16xi32>], vector<16xf32>,
        %parallel_loop3A_567 = arith.constant 1 : i32
        %parallel_loop3A_568 = vector.broadcast %parallel_loop3A_567 : i32 to vector<16xi32>
        %parallel_loop3A_569 = arith.addi %parallel_loop3A_561, %parallel_loop3A_568 : vector<16xi32>
        %parallel_loop3A_570 = arith.constant 0 : i32
        %parallel_loop3A_571 = arith.constant 0 : i32
        %parallel_loop3A_572 = tpu.memref_slice %arg4[%parallel_loop3A_153, %parallel_loop3A_570, %parallel_loop3A_571] : memref<2x80x512xf32, #tpu.memory_space<vmem>> -> memref<1x80x512xf32, #tpu.memory_space<vmem>>
        %parallel_loop3A_573 = tpu.memref_squeeze %parallel_loop3A_572 : memref<1x80x512xf32, #tpu.memory_space<vmem>> -> memref<80x512xf32, #tpu.memory_space<vmem>>
        %parallel_loop3A_574 = tpu.vector_load_idx %parallel_loop3A_573[%parallel_loop3A_180, %parallel_loop3A_569] : memref<80x512xf32, #tpu.memory_space<vmem>>[vector<16xi32>, vector<16xi32>], vector<16xf32>,
        %parallel_loop3A_575 = arith.addf %parallel_loop3A_566, %parallel_loop3A_574 : vector<16xf32>
        %parallel_loop3A_576 = arith.constant 5.000000e-01 : f32
        %parallel_loop3A_577 = vector.broadcast %parallel_loop3A_576 : f32 to vector<16xf32>
        %parallel_loop3A_578 = arith.mulf %parallel_loop3A_575, %parallel_loop3A_577 : vector<16xf32>
        %parallel_loop3A_579 = arith.constant 0 : i32
        %parallel_loop3A_580 = arith.constant 0 : i32
        %parallel_loop3A_581 = tpu.memref_slice %arg5[%parallel_loop3A_154, %parallel_loop3A_579, %parallel_loop3A_580] : memref<2x80x256xf32, #tpu.memory_space<vmem>> -> memref<1x80x256xf32, #tpu.memory_space<vmem>>
        %parallel_loop3A_582 = tpu.memref_squeeze %parallel_loop3A_581 : memref<1x80x256xf32, #tpu.memory_space<vmem>> -> memref<80x256xf32, #tpu.memory_space<vmem>>
        %parallel_loop3A_583 = arith.index_cast %parallel_loop3A_179 : i32 to index
        %parallel_loop3A_584 = arith.constant 224 : index
        %parallel_loop3A_585 = tpu.vector_load %parallel_loop3A_582[%parallel_loop3A_583, %parallel_loop3A_584] {strides = array<i32>} : memref<80x256xf32, #tpu.memory_space<vmem>>, vector<16xf32>,
        tpu.vector_store %parallel_loop3A_582[%parallel_loop3A_583, %parallel_loop3A_584], %parallel_loop3A_578 {strides = array<i32>} : memref<80x256xf32, #tpu.memory_space<vmem>>, vector<16xf32>,
        %parallel_loop3A_586 = arith.constant 480 : i32
        %parallel_loop3A_587 = vector.broadcast %parallel_loop3A_586 : i32 to vector<16xi32>
        %parallel_loop3A_588 = arith.addi %mul3A_3, %parallel_loop3A_587 : vector<16xi32>
        %parallel_loop3A_589 = arith.constant 0 : i32
        %parallel_loop3A_590 = arith.constant 0 : i32
        %parallel_loop3A_591 = tpu.memref_slice %arg4[%parallel_loop3A_153, %parallel_loop3A_589, %parallel_loop3A_590] : memref<2x80x512xf32, #tpu.memory_space<vmem>> -> memref<1x80x512xf32, #tpu.memory_space<vmem>>
        %parallel_loop3A_592 = tpu.memref_squeeze %parallel_loop3A_591 : memref<1x80x512xf32, #tpu.memory_space<vmem>> -> memref<80x512xf32, #tpu.memory_space<vmem>>
        %parallel_loop3A_593 = tpu.vector_load_idx %parallel_loop3A_592[%parallel_loop3A_180, %parallel_loop3A_588] : memref<80x512xf32, #tpu.memory_space<vmem>>[vector<16xi32>, vector<16xi32>], vector<16xf32>,
        %parallel_loop3A_594 = arith.constant 1 : i32
        %parallel_loop3A_595 = vector.broadcast %parallel_loop3A_594 : i32 to vector<16xi32>
        %parallel_loop3A_596 = arith.addi %parallel_loop3A_588, %parallel_loop3A_595 : vector<16xi32>
        %parallel_loop3A_597 = arith.constant 0 : i32
        %parallel_loop3A_598 = arith.constant 0 : i32
        %parallel_loop3A_599 = tpu.memref_slice %arg4[%parallel_loop3A_153, %parallel_loop3A_597, %parallel_loop3A_598] : memref<2x80x512xf32, #tpu.memory_space<vmem>> -> memref<1x80x512xf32, #tpu.memory_space<vmem>>
        %parallel_loop3A_600 = tpu.memref_squeeze %parallel_loop3A_599 : memref<1x80x512xf32, #tpu.memory_space<vmem>> -> memref<80x512xf32, #tpu.memory_space<vmem>>
        %parallel_loop3A_601 = tpu.vector_load_idx %parallel_loop3A_600[%parallel_loop3A_180, %parallel_loop3A_596] : memref<80x512xf32, #tpu.memory_space<vmem>>[vector<16xi32>, vector<16xi32>], vector<16xf32>,
        %parallel_loop3A_602 = arith.addf %parallel_loop3A_593, %parallel_loop3A_601 : vector<16xf32>
        %parallel_loop3A_603 = arith.constant 5.000000e-01 : f32
        %parallel_loop3A_604 = vector.broadcast %parallel_loop3A_603 : f32 to vector<16xf32>
        %parallel_loop3A_605 = arith.mulf %parallel_loop3A_602, %parallel_loop3A_604 : vector<16xf32>
        %parallel_loop3A_606 = arith.constant 0 : i32
        %parallel_loop3A_607 = arith.constant 0 : i32
        %parallel_loop3A_608 = tpu.memref_slice %arg5[%parallel_loop3A_154, %parallel_loop3A_606, %parallel_loop3A_607] : memref<2x80x256xf32, #tpu.memory_space<vmem>> -> memref<1x80x256xf32, #tpu.memory_space<vmem>>
        %parallel_loop3A_609 = tpu.memref_squeeze %parallel_loop3A_608 : memref<1x80x256xf32, #tpu.memory_space<vmem>> -> memref<80x256xf32, #tpu.memory_space<vmem>>
        %parallel_loop3A_610 = arith.index_cast %parallel_loop3A_179 : i32 to index
        %parallel_loop3A_611 = arith.constant 240 : index
        %parallel_loop3A_612 = tpu.vector_load %parallel_loop3A_609[%parallel_loop3A_610, %parallel_loop3A_611] {strides = array<i32>} : memref<80x256xf32, #tpu.memory_space<vmem>>, vector<16xf32>,
        tpu.vector_store %parallel_loop3A_609[%parallel_loop3A_610, %parallel_loop3A_611], %parallel_loop3A_605 {strides = array<i32>} : memref<80x256xf32, #tpu.memory_space<vmem>>, vector<16xf32>,
      } {sc.loop_unroll_factor = 2 : i64, sc.parallel_access}
      %add3A_155 = arith.constant 1 : i32
      %add3A_156 = arith.addi %mul3A_57, %add3A_155 : i32
      %mul3A_157 = arith.constant 32 : i32
      %mul3A_158 = arith.muli %add3A_156, %mul3A_157 : i32
      %add3A_159 = arith.addi %add3A, %mul3A_158 : i32
      %lt3A_160 = arith.constant 1250 : i32
      %lt3A_161 = arith.cmpi slt, %add3A_159, %lt3A_160 : i32
      %select_n3A_162 = arith.select %lt3A_161, %add3A_159, %add3A : i32
      %mul3A_163 = arith.constant 80 : i32
      %mul3A_164 = arith.muli %select_n3A_162, %mul3A_163 : i32
      %multiple_of3A_165 = tpu.assume_multiple %mul3A_164, 8 : i32
      %dma_start3A_166 = arith.constant 1 : i32
      %dma_start3A_167 = arith.constant 0 : i32
      %dma_start3A_168 = arith.constant 0 : i32
      %dma_start3A_169 = tpu.memref_slice %arg5[%dma_start3A_166, %dma_start3A_167, %dma_start3A_168] : memref<2x80x256xf32, #tpu.memory_space<vmem>> -> memref<1x80x256xf32, #tpu.memory_space<vmem>>
      %dma_start3A_170 = tpu.memref_squeeze %dma_start3A_169 : memref<1x80x256xf32, #tpu.memory_space<vmem>> -> memref<80x256xf32, #tpu.memory_space<vmem>>
      %dma_start3A_171 = arith.constant 0 : i32
      %dma_start3A_172 = tpu.memref_slice %arg3[%multiple_of3A_165, %dma_start3A_171] : memref<100000x256xf32, #tpu.memory_space<hbm>> -> memref<80x256xf32, #tpu.memory_space<hbm>>
      %dma_start3A_173 = arith.constant 0 : i32
      %dma_start3A_174 = tpu.memref_slice %arg3[%multiple_of3A_165, %dma_start3A_173] : memref<100000x256xf32, #tpu.memory_space<hbm>> -> memref<80x256xf32, #tpu.memory_space<hbm>>
      %dma_start3A_175 = arith.constant 0 : i32
      %dma_start3A_176 = arith.constant 0 : i32
      %dma_start3A_177 = tpu.memref_slice %arg5[%dma_start3A_166, %dma_start3A_175, %dma_start3A_176] : memref<2x80x256xf32, #tpu.memory_space<vmem>> -> memref<1x80x256xf32, #tpu.memory_space<vmem>>
      %dma_start3A_178 = tpu.memref_squeeze %dma_start3A_177 : memref<1x80x256xf32, #tpu.memory_space<vmem>> -> memref<80x256xf32, #tpu.memory_space<vmem>>
      tpu.enqueue_dma source(%dma_start3A_178 : memref<80x256xf32, #tpu.memory_space<vmem>>) target(%dma_start3A_174 : memref<80x256xf32, #tpu.memory_space<hbm>>) target_semaphore(%arg9 : memref<!tpu.dma_semaphore, #tpu.memory_space<semaphore_mem>>)
    }
    %scan3A_25 = arith.constant 20 : i32
    %dma_wait3A = arith.constant 0 : i32
    %dma_wait3A_26 = arith.constant 0 : i32
    %dma_wait3A_27 = arith.constant 0 : i32
    %dma_wait3A_28 = tpu.memref_slice %arg5[%dma_wait3A, %dma_wait3A_26, %dma_wait3A_27] : memref<2x80x256xf32, #tpu.memory_space<vmem>> -> memref<1x80x256xf32, #tpu.memory_space<vmem>>
    %dma_wait3A_29 = tpu.memref_squeeze %dma_wait3A_28 : memref<1x80x256xf32, #tpu.memory_space<vmem>> -> memref<80x256xf32, #tpu.memory_space<vmem>>
    %dma_wait3A_30 = arith.constant 0 : i32
    %dma_wait3A_31 = arith.constant 0 : i32
    %dma_wait3A_32 = tpu.memref_slice %arg3[%dma_wait3A_30, %dma_wait3A_31] : memref<100000x256xf32, #tpu.memory_space<hbm>> -> memref<80x256xf32, #tpu.memory_space<hbm>>
    %dma_wait3A_33 = arith.constant 0 : i32
    %dma_wait3A_34 = arith.constant 0 : i32
    %dma_wait3A_35 = tpu.memref_slice %arg3[%dma_wait3A_33, %dma_wait3A_34] : memref<100000x256xf32, #tpu.memory_space<hbm>> -> memref<80x256xf32, #tpu.memory_space<hbm>>
    %dma_wait3A_36 = arith.constant 0 : i32
    %dma_wait3A_37 = arith.constant 0 : i32
    %dma_wait3A_38 = tpu.memref_slice %arg5[%dma_wait3A, %dma_wait3A_36, %dma_wait3A_37] : memref<2x80x256xf32, #tpu.memory_space<vmem>> -> memref<1x80x256xf32, #tpu.memory_space<vmem>>
    %dma_wait3A_39 = tpu.memref_squeeze %dma_wait3A_38 : memref<1x80x256xf32, #tpu.memory_space<vmem>> -> memref<80x256xf32, #tpu.memory_space<vmem>>
    tpu.wait_dma2 semaphore(%arg8 : memref<!tpu.dma_semaphore, #tpu.memory_space<semaphore_mem>>) src(%dma_wait3A_39 : memref<80x256xf32, #tpu.memory_space<vmem>>) dst(%dma_wait3A_35 : memref<80x256xf32, #tpu.memory_space<hbm>>)
    %dma_wait3A_40 = arith.constant 1 : i32
    %dma_wait3A_41 = arith.constant 0 : i32
    %dma_wait3A_42 = arith.constant 0 : i32
    %dma_wait3A_43 = tpu.memref_slice %arg5[%dma_wait3A_40, %dma_wait3A_41, %dma_wait3A_42] : memref<2x80x256xf32, #tpu.memory_space<vmem>> -> memref<1x80x256xf32, #tpu.memory_space<vmem>>
    %dma_wait3A_44 = tpu.memref_squeeze %dma_wait3A_43 : memref<1x80x256xf32, #tpu.memory_space<vmem>> -> memref<80x256xf32, #tpu.memory_space<vmem>>
    %dma_wait3A_45 = arith.constant 0 : i32
    %dma_wait3A_46 = arith.constant 0 : i32
    %dma_wait3A_47 = tpu.memref_slice %arg3[%dma_wait3A_45, %dma_wait3A_46] : memref<100000x256xf32, #tpu.memory_space<hbm>> -> memref<80x256xf32, #tpu.memory_space<hbm>>
    %dma_wait3A_48 = arith.constant 0 : i32
    %dma_wait3A_49 = arith.constant 0 : i32
    %dma_wait3A_50 = tpu.memref_slice %arg3[%dma_wait3A_48, %dma_wait3A_49] : memref<100000x256xf32, #tpu.memory_space<hbm>> -> memref<80x256xf32, #tpu.memory_space<hbm>>
    %dma_wait3A_51 = arith.constant 0 : i32
    %dma_wait3A_52 = arith.constant 0 : i32
    %dma_wait3A_53 = tpu.memref_slice %arg5[%dma_wait3A_40, %dma_wait3A_51, %dma_wait3A_52] : memref<2x80x256xf32, #tpu.memory_space<vmem>> -> memref<1x80x256xf32, #tpu.memory_space<vmem>>
    %dma_wait3A_54 = tpu.memref_squeeze %dma_wait3A_53 : memref<1x80x256xf32, #tpu.memory_space<vmem>> -> memref<80x256xf32, #tpu.memory_space<vmem>>
    tpu.wait_dma2 semaphore(%arg9 : memref<!tpu.dma_semaphore, #tpu.memory_space<semaphore_mem>>) src(%dma_wait3A_54 : memref<80x256xf32, #tpu.memory_space<vmem>>) dst(%dma_wait3A_50 : memref<80x256xf32, #tpu.memory_space<hbm>>)
    return
  }
}

</mosaic_0001>

<sc_bundles>
// kernel: kernel.3.cloned.1.call-start
scs
__scs_entry_jumppad:
0x0: {  	(pc) =	sbr.rel $0x88, $3  }
0x1: {  	(tag) =	ssettag $0x0;
	lr =	simm.s32 $0x1  }
0x2: {  	[smem:$0x3FA0] =	sst lr;
	_ =	strace $0xD0000000  }
0x3: {  	_ = 	snop  }
0x4: {  	_ = 	snop  }
0x5: {  	_ = 	snop  }
0x6: {  	_ = 	snop  }
0x7: {  	_ = 	snop  }
__scs_overlays_trampoline_lowered:
0x8: {  	[smem:$0x3FAF] =	sst s0  }
0x9: {  	[smem:$0x3FB0] =	sst s1  }
0xa: {  	[smem:$0x3FB1] =	sst s2  }
0xb: {  	[smem:$0x3FB2] =	sst s3  }
0xc: {  	[smem:$0x3FB3] =	sst s4  }
0xd: {  	[smem:$0x3FB4] =	sst s5  }
0xe: {  	[smem:$0x3FB5] =	sst s6  }
0xf: {  	[smem:$0x3FB6] =	sst s7  }
0x10: {  	[smem:$0x3FB7] =	sst s8  }
0x11: {  	[smem:$0x3FB8] =	sst s9;
	s0 =	simm.s32 @!p0 $0x0  }
0x12: {  	s1 =	sld [smem:$0x3F9E];
	s0 =	simm.s32 @p0 $0x1  }
0x13: {  	[smem:$0x3FB9] =	sst s0;
	s0 =	simm.s32 @!p1 $0x0  }
0x14: {  	s2 =	sld [smem:$0x3F9D];
	s0 =	simm.s32 @p1 $0x1  }
0x15: {  	[smem:$0x3FBA] =	sst s0;
	s0 =	simm.s32 @!p2 $0x0  }
0x16: {  	s3 =	sld [smem:$0x3FDB];
	s0 =	simm.s32 @p2 $0x1  }
0x17: {  	s4 =	simm.s32 $0x1BF5;
	[smem:$0x3FBC] =	sst s0  }
0x18: {  	s0 =	sld [smem:$0x3F9F];
	_ =	swait.ge [sflag:s4], $0x0  }
0x19: {  	s7 =	sld [smem:$0x3FA0]  }
0x1a: {  	s8 =	sadd.s32 $0xFFFFE003, lr  }
0x1b: {  	s9 =	sadd.s32 $0xFFFFFEF7, lr;
	s5 =	simm.s32 $0xFFFFFFFF;
	p2 =	slt.u32 s8, $0xFFFFF086  }
0x1c: {  	p1 =	slt.u32 s9, $0xF7A;
	s5 =	simm.s32 @!p2 $0x0  }
0x1d: {  	s5 =	simm.s32 @p1 $0x1;
	p0 =	seq.s32 s7, s2  }
0x1e: {  	s7 =	smul.u32 @!p0 $0xF7A, s2;
	p2 =	seq.s32 @!p0 s5, $0x0  }
0x1f: {  	s9 =	smul.u32 $0xF7A, s1;
	s8 =	simm.s32 @!p0 $0x1BF5;
	p2 =	por !p2, p0  }
0x20: {  	[sflag:s8] =	ssyncset.s32 @!p0 $0xFFFFF086;
	s6 =	sadd.s32 @!p0 s3, s7;
	s7 =	simm.s32 @!p0 $0x108  }
0x21: {  	s3 =	sadd.s32 s3, s9;
	s6 =	sadd.s32 @!p0 $0x88, s6;
	s7 =	simm.s32 @p2 $0x1082  }
0x22: {  	[simem:s7], [sflag:s8] =	dma.local @!p0 [hbm:s6], $0xF7A  }
0x23: {  	s9 =	sor.u32 $0xD0000000, s2;
	s6 =	simm.s32 $0x108;
	_ =	swait.ge @!p0 [sflag:s8], $0x0  }
0x24: {  	s3 =	sadd.s32 $0x88, s3;
	s6 =	simm.s32 @!p1 $0x1082;
	[sflag:s4] =	ssyncset.s32 $0xFFFFF086  }
0x25: {  	[simem:s6], [sflag:s4] =	dma.local [hbm:s3], $0xF7A  }
0x26: {  	[smem:$0x3FA0] =	sst s1;
	(tag) =	ssettag s2;
	_ =	strace s9  }
0x27: {  	s1 =	sld [smem:$0x3FB0]  }
0x28: {  	s2 =	sld [smem:$0x3FB1]  }
0x29: {  	s4 =	sld [smem:$0x3FB3]  }
0x2a: {  	p0 =	seq.s32 s5, $0x0;
	s5 =	sld [smem:$0x3FB4]  }
0x2b: {  	s6 =	sld [smem:$0x3FB5]  }
0x2c: {  	s7 =	sld [smem:$0x3FB6]  }
0x2d: {  	s3 =	simm.s32 $0x108;
	s8 =	sld [smem:$0x3FB7]  }
0x2e: {  	s3 =	simm.s32 @!p0 $0x1082;
	s9 =	sld [smem:$0x3FB8]  }
0x2f: {  	lr =	sadd.s32 s0, s3;
	s0 =	sld [smem:$0x3FAF]  }
0x30: {  	s3 =	sld [smem:$0x3FB2]  }
0x31: {  	[smem:$0x3FBB] =	sst s10  }
0x32: {  	s10 =	sld [smem:$0x3FB9];
	_ =	sdelay $0x3  }
0x33: {  	p0 =	seq.s32 s10, $0x1;
	s10 =	sld [smem:$0x3FBB];
	_ =	sdelay $0x3  }
0x34: {  	[smem:$0x3FBB] =	sst s10  }
0x35: {  	s10 =	sld [smem:$0x3FBA];
	_ =	sdelay $0x3  }
0x36: {  	p1 =	seq.s32 s10, $0x1;
	s10 =	sld [smem:$0x3FBB];
	_ =	sdelay $0x3  }
0x37: {  	[smem:$0x3FBB] =	sst s10  }
0x38: {  	s10 =	sld [smem:$0x3FBC]  }
0x39: {  	_ = 	snop;
	(pc) =	sbr.ind lr, $3  }
0x3a: {  	_ = 	snop  }
0x3b: {  	_ = 	snop  }
0x3c: {  	p2 =	seq.s32 s10, $0x1;
	s10 =	sld [smem:$0x3FBB]  }
0x3d: {  	_ =	shalt  }
0x3e: {  	_ =	shalt  }
0x3f: {  	_ =	shalt  }
0x40: {  	_ =	shalt  }
0x41: {  	_ =	shalt  }
0x42: {  	_ =	shalt  }
0x43: {  	_ =	shalt  }
0x44: {  	_ =	shalt  }
0x45: {  	_ =	shalt  }
0x46: {  	_ =	shalt  }
0x47: {  	_ =	shalt  }
0x48: {  	_ =	shalt  }
0x49: {  	_ =	shalt  }
0x4a: {  	_ =	shalt  }
0x4b: {  	_ =	shalt  }
0x4c: {  	_ =	shalt  }
0x4d: {  	_ =	shalt  }
0x4e: {  	_ =	shalt  }
0x4f: {  	_ =	shalt  }
0x50: {  	_ =	shalt  }
0x51: {  	_ =	shalt  }
0x52: {  	_ =	shalt  }
0x53: {  	_ =	shalt  }
0x54: {  	_ =	shalt  }
0x55: {  	_ =	shalt  }
0x56: {  	_ =	shalt  }
0x57: {  	_ =	shalt  }
0x58: {  	_ =	shalt  }
0x59: {  	_ =	shalt  }
0x5a: {  	_ =	shalt  }
0x5b: {  	_ =	shalt  }
0x5c: {  	_ =	shalt  }
0x5d: {  	_ =	shalt  }
0x5e: {  	_ =	shalt  }
0x5f: {  	_ =	shalt  }
0x60: {  	_ =	shalt  }
0x61: {  	_ =	shalt  }
0x62: {  	_ =	shalt  }
0x63: {  	_ =	shalt  }
0x64: {  	_ =	shalt  }
0x65: {  	_ =	shalt  }
0x66: {  	_ =	shalt  }
0x67: {  	_ =	shalt  }
0x68: {  	_ =	shalt  }
0x69: {  	_ =	shalt  }
0x6a: {  	_ =	shalt  }
0x6b: {  	_ =	shalt  }
0x6c: {  	_ =	shalt  }
0x6d: {  	_ =	shalt  }
0x6e: {  	_ =	shalt  }
0x6f: {  	_ =	shalt  }
0x70: {  	_ =	shalt  }
0x71: {  	_ =	shalt  }
0x72: {  	_ =	shalt  }
0x73: {  	_ =	shalt  }
0x74: {  	_ =	shalt  }
0x75: {  	_ =	shalt  }
0x76: {  	_ =	shalt  }
0x77: {  	_ =	shalt  }
0x78: {  	_ =	shalt  }
0x79: {  	_ =	shalt  }
0x7a: {  	_ =	shalt  }
0x7b: {  	_ =	shalt  }
0x7c: {  	_ =	shalt  }
0x7d: {  	_ =	shalt  }
0x7e: {  	_ =	shalt  }
0x7f: {  	_ =	shalt  }
0x80: {  	_ =	shalt  }
0x81: {  	_ =	shalt  }
0x82: {  	_ =	shalt  }
0x83: {  	_ =	shalt  }
0x84: {  	_ =	shalt  }
0x85: {  	_ =	shalt  }
0x86: {  	_ =	shalt  }
0x87: {  	_ =	shalt  }
.Lfunc_end0:
.L_simem_size_0:
called_computation_lowered:
.L_overlay_start_0:
0x88: {  	s2 =	sld [smem:$0x3FD9]  }
0x89: {  	s3 =	sld [smem:$0x3FFE];
	_ =	sdelay $0x1  }
0x8a: {  	s1 =	srdreg.scid  }
0x8b: {  	s0 =	sand.u32 $0x1, s1  }
0x8c: {  	s18 =	sshll.u32 s0, $0xA;
	s2 =	sadd.s32 s3, s2  }
0x8d: {  	s2 =	sadd.s32 s2, s18  }
0x8e: {  	[smem:$0x3FC7] =	sst s2  }
0x8f: {  	_ = 	snop  }
0x90: {  	s2 =	sld [smem:$0x3FC9]  }
0x91: {  	s19 =	sld [smem:$0x3FD0];
	(tm) =	ssettm $0x1  }
0x92: {  	s4 =	sld [smem:$0x3FFB];
	_ =	sdelay $0x3  }
0x93: {  	_ =	strace s4  }
0x94: {  	s4 =	sld [smem:$0x3FFC];
	_ =	sdelay $0x3  }
0x95: {  	_ =	strace s4  }
0x96: {  	s4 =	sld [smem:$0x3FFD];
	_ =	sdelay $0x3  }
0x97: {  	_ =	strace s4  }
0x98: {  	_ =	strace $0x8FFFFFFF  }
0x99: {  	s20 =	sld [smem:$0x3FDB];
	_ =	sdelay $0x1  }
0x9a: {  	s5 =	simm.s32 $_scs_section_size  }
0x9b: {  	s6 =	simm.s32 $_size__tile_overlayer_lowered;
	s7 =	simm.s32 $_tile_overlayer_lowered  }
0x9c: {  	s23 =	simm.s32 $0x1BFF;
	s22 =	sshll.u32 s7, $0x1;
	s4 =	sadd.s32 s5, s20  }
0x9d: {  	s8 =	simm.s32 $0x0;
	s21 =	sshll.u32 s6, $0x1;
	s6 =	sadd.s32 s22, s4  }
0x9e: {  	[timem:s8], [sflag:s23] =	dma.local [hbm:s6], s21  }
0x9f: {  	_ =	swait.ge [sflag:s23], s21  }
0xa0: {  	s5 =	ssub.s32 $0x0, s21;
	[sflag:s23] =	ssyncset.done $0x0  }
0xa1: {  	[sflag:s23] =	ssyncadd.s32 s5;
	_ =	sdelay $0x1  }
0xa2: {  	s24 =	simm.s32 $0x1B8B  }
0xa3: {  	_ =	swait.ge [sflag:s24], $0x1  }
0xa4: {  	[sflag:s24] =	ssyncset.done $0x0  }
0xa5: {  	s25 =	simm.s32 $0x1B8E;
	[sflag:s24] =	ssyncadd.s32 $0xFFFFFFFF  }
0xa6: {  	s26 =	simm.s32 $execute0_lowered;
	[smem:$0x3FD2] =	sst s25  }
0xa7: {  	s5 =	sshll.u32 s26, $0x1;
	_ =	strace $0x80000046;
	[dreg:$0x1] =	wrdreg $0xFFFFFFFF  }
0xa8: {  	s28 =	simm.s32 $_size_execute0_lowered;
	s4 =	sadd.s32 s4, s5;
	[dreg:$0x0] =	wrdreg $0x0  }
0xa9: {  	s5 =	sshll.u32 s28, $0x1;
	[dreg:$0x2] =	wrdreg s4  }
0xaa: {  	[dreg:$0x3] =	wrdreg s5  }
0xab: {  	[dreg:$0x4] =	wrdreg $0xC0  }
0xac: {  	_ =	task [dreg:s8], $0x5FFFF  }
0xad: {  	[dreg:$0x1] =	wrdreg $0xFFFFFFFF  }
0xae: {  	[dreg:$0x0] =	wrdreg $0x60  }
0xaf: {  	[dreg:$0x2] =	wrdreg s2  }
0xb0: {  	[dreg:$0x3] =	wrdreg s19  }
0xb1: {  	[dreg:$0x4] =	wrdreg $0x9  }
0xb2: {  	_ =	task.clear_ibuf [dreg:s8], $0x5FFFF;
	_ =	strace $0x90000046  }
0xb3: {  	s29 =	simm.s32 $0x9;
	_ =	strace $0x80000048  }
0xb4: {  	_ =	swait.ge [sflag:s29], $0x1  }
0xb5: {  	[sflag:s29] =	ssyncadd.s32 $0xFFFFFFFF  }
0xb6: {  	_ =	strace $0x90000048  }
0xb7: {  	_ =	sfence  }
0xb8: {  	s30 =	sld [smem:$0x0];
	_ =	sdelay $0x2  }
0xb9: {  	s31 =	sshll.u32 s1, $0xD;
	s1 =	sshrl.u32 s1, $0x2  }
0xba: {  	s3 =	sand.u32 $0x4000, s31;
	s1 =	sadd.s32 s1, s30  }
0xbb: {  	s0 =	sor.u32 s3, s0;
	s1 =	sshll.u32 s1, $0x11  }
0xbc: {  	s0 =	sor.u32 s1, s0  }
0xbd: {  	s0 =	sadd.s32 $0x8F2B, s0  }
0xbe: {  	[sflag:s0] =	ssyncadd.remote.s32 $0x1  }
0xbf: {  	_ =	sfence.sel $0xFFFF  }
0xc0: {  	[dreg:$0x0] =	wrdreg $0xFFFFFFFF;
	(pc) =	sbr.abs _section_cstart, $3  }
0xc1: {  	[dreg:$0x1] =	wrdreg $0xFFFFFFFF  }
0xc2: {  	_ =	task.clear_ibuf [dreg:s8], $0x2FFFF;
	_ =	strace $0x9FFFFFFF  }
0xc3: {  	(tm) =	ssettm $0x7FFFFFFF  }
tec
execute0_lowered:
.L_overlay_start_1:
0x0: {  	(tag) =	ssettag $0x1  }
0x1: {  	v0 =	vlaneseq.u32  }
0x2: {  	v0 =	vmul.u32 $0x2, v0;
	_ =	sdelay $0x1  }
0x3: {  	v1 =	vor.u32 $0x1, v0  }
0x4: {  	v2 =	vor.u32 $0x20, v0;
	v3 =	vor.u32 $0x21, v0;
	v4 =	vor.u32 $0x40, v0  }
0x5: {  	s0 =	rddreg [dreg:$0x0];
	s2 =	srdreg.scid;
	v5 =	vor.u32 $0x41, v0;
	v6 =	vor.u32 $0x60, v0;
	v7 =	vor.u32 $0x61, v0  }
0x6: {  	s1 =	stileid.u32;
	s3 =	rddreg [dreg:$0x1];
	v8 =	vor.u32 $0x400, v0;
	v9 =	vor.u32 $0x401, v0;
	v10 =	vor.u32 $0x420, v0  }
0x7: {  	s4 =	simm.s32 $0x0;
	s9 =	simm.s32 $0xA000;
	s10 =	simm.s32 $0x1;
	v11 =	vor.u32 $0x421, v0;
	v12 =	vor.u32 $0x440, v0;
	v13 =	vor.u32 $0x441, v0  }
0x8: {  	s11 =	simm.s32 $0x14000;
	s12 =	simm.s32 $0x2;
	s13 =	simm.s32 $0x4;
	v14 =	vor.u32 $0x460, v0;
	v15 =	vor.u32 $0x461, v0;
	v16 =	vor.u32 $0x800, v0  }
0x9: {  	s14 =	simm.s32 $0x19000;
	s6 =	sand.u32 $0x1, s2;
	s5 =	sshll.u32 s1, $0x1;
	v17 =	vor.u32 $0x801, v0;
	v18 =	vor.u32 $0x820, v0;
	v19 =	vor.u32 $0x821, v0  }
0xa: {  	s15 =	simm.s32 $0x3;
	s5 =	sor.u32 s6, s5;
	s6 =	ssub.s32 $0x2, s6;
	v20 =	vor.u32 $0x840, v0;
	v21 =	vor.u32 $0x841, v0;
	v22 =	vor.u32 $0x860, v0  }
0xb: {  	[smem:$0x7FF] =	sst s4;
	s7 =	smul.u32 $0x1400, s5;
	s8 =	sshrl.u32 s6, $0x1;
	v23 =	vor.u32 $0x861, v0;
	v24 =	vor.u32 $0xC00, v0;
	v25 =	vor.u32 $0xC01, v0  }
0xc: {  	s16 =	simm.s32 $0x0;
	_ =	strace $0x80000047;
	v26 =	vor.u32 $0xC20, v0;
	v27 =	vor.u32 $0xC21, v0;
	v28 =	vor.u32 $0xC40, v0;
	s8 =	ssub.s32 s6, s8  }
0xd: {  	v29 =	vor.u32 $0xC41, v0;
	v30 =	vor.u32 $0xC60, v0;
	v31 =	vor.u32 $0xC61, v0;
	s6 =	sadd.s32 s0, s7;
	s7 =	sor.u32 $0x40, s5;
	s8 =	smax.u32 s8, $0x1  }
.LBB2_1:
0xe: {  	[tilespmem:s4], [sflag:$0x1] =	stream.linear.gather [hbm4b:s6+s4], $0xA000, $0x38;
	[tilespmem:$0x1E000] =	vst v63  }
0xf: {  	s17 =	simm.s32 $0x0  }
.LBB2_2:
0x10: {  	s19 =	sshll.u32 s17, $0x6  }
0x11: {  	s20 =	sor.u32 s19, s5  }
0x12: {  	s21 =	sor.u32 $0x20, s20  }
0x13: {  	s18 =	smov.u32 s5;
	p0 =	slt.u32 s21, $0x4E2  }
0x14: {  	s18 =	smov.u32 @p0 s21  }
0x15: {  	s22 =	simm.s32 $0x1;
	s21 =	smul.u32 $0x1400, s18  }
0x16: {  	v32 =	vmov s22  }
0x17: {  	v33 =	vshll.u32 v32, $0x9;
	v32 =	vshll.u32 v32, $0x7;
	s21 =	sadd.s32 s0, s21  }
0x18: {  	v33 =	vand.u32 $0xF000, v33;
	v32 =	vand.u32 $0x380, v32;
	[tilespmem:s9], [sflag:$0x2] =	stream.linear.gather [hbm4b:s21+s4], $0xA000, $0x38;
	[tilespmem:$0x1E000] =	vst v63  }
0x19: {  	v41 =	vor.u32 v32, v33;
	_ =	swait.ge [sflag:s10], $0xA000  }
0x1a: {  	p0 =	seq.s32 s17, $0x0;
	v32 =	vor.u32 v0, v41;
	[sflag:s10] =	ssyncset.done $0x0  }
0x1b: {  	v33 =	vor.u32 v1, v41;
	s21 =	simm.s32 @!p0 $0x3;
	[sflag:s10] =	ssyncadd.s32 $0xFFFF6000  }
0x1c: {  	_ =	swait.ge @!p0 [sflag:s21], $0x5000  }
0x1d: {  	[sflag:s21] =	ssyncset.done @!p0 $0x0  }
0x1e: {  	[sflag:s21] =	ssyncadd.s32 @!p0 $0xFFFFB000  }
0x1f: {  	v32 =	vld.idx.msk [tilespmem:v32+s4+$0x0], $0xffff  }
0x20: {  	v33 =	vld.idx.msk [tilespmem:v33+s4+$0x0], $0xffff  }
0x21: {  	s22 =	simm.s32 $0x0  }
0x22: {  	v34 =	vmov s22  }
0x23: {  	v40 =	vshll.u32 v34, $0x9  }
0x24: {  	v34 =	vshll.u32 v34, $0x7;
	v35 =	vand.u32 $0xF000, v40  }
0x25: {  	v42 =	vand.u32 $0x300, v34;
	v55 =	vor.u32 v2, v41;
	v32 =	vadd.f32 v33, v32  }
0x26: {  	s23 =	simm.s32 $0x80;
	v43 =	vor.u32 v42, v35;
	v36 =	vor.u32 v3, v41;
	s21 =	sand.u32 $0x7800, s22  }
0x27: {  	v54 =	vor.u32 v0, v43;
	s22 =	sand.u32 $0x380, s23;
	s21 =	sadd.s32 $0x14000, s21;
	v32 =	vmul.f32 $5.000000000e-01, v32  }
0x28: {  	v35 =	vor.u32 v1, v43;
	s29 =	sor.u32 s22, s21  }
0x29: {  	[tilespmem:s29+$0x0] =	vst v32  }
0x2a: {  	v32 =	vld.idx.msk [tilespmem:v55+s4+$0x0], $0xffff  }
0x2b: {  	v56 =	vld.idx.msk [tilespmem:v36+s4+$0x0], $0xffff  }
0x2c: {  	v34 =	vld.idx.msk [tilespmem:v54+s4+$0x0], $0xffff  }
0x2d: {  	v35 =	vld.idx.msk [tilespmem:v35+s4+$0x0], $0xffff;
	_ =	sdelay $0x2  }
0x2e: {  	v59 =	vor.u32 v4, v41;
	v32 =	vadd.f32 v56, v32  }
0x2f: {  	v37 =	vor.u32 v5, v41  }
0x30: {  	v57 =	vor.u32 v2, v43;
	v34 =	vadd.f32 v35, v34;
	v32 =	vmul.f32 $5.000000000e-01, v32  }
0x31: {  	s24 =	simm.s32 $0x0;
	v58 =	vor.u32 v3, v43  }
0x32: {  	s22 =	sand.u32 $0x300, s24;
	v34 =	vmul.f32 $5.000000000e-01, v34;
	[tilespmem:s29+$0x10] =	vst v32  }
0x33: {  	s21 =	sor.u32 s22, s21;
	v32 =	vld.idx.msk [tilespmem:v59+s4+$0x0], $0xffff  }
0x34: {  	[tilespmem:s21+$0x0] =	vst v34;
	v61 =	vld.idx.msk [tilespmem:v37+s4+$0x0], $0xffff  }
0x35: {  	v34 =	vld.idx.msk [tilespmem:v57+s4+$0x0], $0xffff  }
0x36: {  	v60 =	vld.idx.msk [tilespmem:v58+s4+$0x0], $0xffff;
	_ =	sdelay $0x2  }
0x37: {  	v44 =	vor.u32 v6, v41;
	v32 =	vadd.f32 v61, v32  }
0x38: {  	v45 =	vor.u32 v7, v41  }
0x39: {  	v62 =	vor.u32 v4, v43;
	v34 =	vadd.f32 v60, v34;
	v32 =	vmul.f32 $5.000000000e-01, v32  }
0x3a: {  	v63 =	vor.u32 v5, v43  }
0x3b: {  	v34 =	vmul.f32 $5.000000000e-01, v34;
	[tilespmem:s29+$0x20] =	vst v32  }
0x3c: {  	v32 =	vld.idx.msk [tilespmem:v44+s4+$0x0], $0xffff  }
0x3d: {  	[tilespmem:s21+$0x10] =	vst v34;
	v47 =	vld.idx.msk [tilespmem:v45+s4+$0x0], $0xffff  }
0x3e: {  	v34 =	vld.idx.msk [tilespmem:v62+s4+$0x0], $0xffff  }
0x3f: {  	v46 =	vld.idx.msk [tilespmem:v63+s4+$0x0], $0xffff;
	_ =	sdelay $0x2  }
0x40: {  	v50 =	vor.u32 v8, v41;
	v32 =	vadd.f32 v47, v32  }
0x41: {  	v51 =	vor.u32 v9, v41  }
0x42: {  	v48 =	vor.u32 v6, v43;
	v34 =	vadd.f32 v46, v34;
	v32 =	vmul.f32 $5.000000000e-01, v32  }
0x43: {  	v49 =	vor.u32 v7, v43  }
0x44: {  	v34 =	vmul.f32 $5.000000000e-01, v34;
	[tilespmem:s29+$0x30] =	vst v32  }
0x45: {  	v32 =	vld.idx.msk [tilespmem:v50+s4+$0x0], $0xffff  }
0x46: {  	[tilespmem:s21+$0x20] =	vst v34;
	v53 =	vld.idx.msk [tilespmem:v51+s4+$0x0], $0xffff  }
0x47: {  	v34 =	vld.idx.msk [tilespmem:v48+s4+$0x0], $0xffff  }
0x48: {  	v52 =	vld.idx.msk [tilespmem:v49+s4+$0x0], $0xffff;
	_ =	sdelay $0x1  }
0x49: {  	s25 =	simm.s32 $0x3  }
0x4a: {  	v54 =	vor.u32 v10, v41;
	v56 =	vmov s25;
	v32 =	vadd.f32 v53, v32  }
0x4b: {  	v55 =	vor.u32 v8, v43;
	v57 =	vor.u32 v11, v41;
	v38 =	vshll.u32 v56, $0x9  }
0x4c: {  	v35 =	vshll.u32 v56, $0x7;
	v34 =	vadd.f32 v52, v34;
	v39 =	vmul.f32 $5.000000000e-01, v32  }
0x4d: {  	v58 =	vand.u32 $0xF000, v38;
	v35 =	vand.u32 $0x380, v35;
	v44 =	vor.u32 v9, v43  }
0x4e: {  	s26 =	simm.s32 $0x2;
	v34 =	vmul.f32 $5.000000000e-01, v34;
	v32 =	vor.u32 v35, v58;
	[tilespmem:s29+$0x40] =	vst v39  }
0x4f: {  	v59 =	vmov s26;
	v60 =	vor.u32 v0, v32;
	v39 =	vld.idx.msk [tilespmem:v54+s4+$0x0], $0xffff  }
0x50: {  	v33 =	vshll.u32 v59, $0x9;
	[tilespmem:s21+$0x30] =	vst v34;
	v35 =	vshll.u32 v59, $0x7;
	v61 =	vor.u32 v1, v32;
	v37 =	vld.idx.msk [tilespmem:v57+s4+$0x0], $0xffff  }
0x51: {  	v45 =	vand.u32 $0xF000, v33;
	v46 =	vld.idx.msk [tilespmem:v55+s4+$0x0], $0xffff;
	v35 =	vand.u32 $0x300, v35  }
0x52: {  	v44 =	vld.idx.msk [tilespmem:v44+s4+$0x0], $0xffff;
	v36 =	vor.u32 v35, v45  }
0x53: {  	v45 =	vor.u32 v0, v36  }
0x54: {  	v47 =	vor.u32 v1, v36;
	v38 =	vld.idx.msk [tilespmem:v60+s4+$0x0], $0xffff  }
0x55: {  	v62 =	vor.u32 v12, v41;
	v34 =	vld.idx.msk [tilespmem:v61+s4+$0x0], $0xffff;
	v37 =	vadd.f32 v37, v39  }
0x56: {  	v48 =	vor.u32 v13, v41  }
0x57: {  	v49 =	vor.u32 v10, v43;
	v44 =	vadd.f32 v44, v46;
	v37 =	vmul.f32 $5.000000000e-01, v37  }
0x58: {  	v63 =	vor.u32 v11, v43;
	v45 =	vld.idx.msk [tilespmem:v45+s4+$0x0], $0xffff  }
0x59: {  	v44 =	vmul.f32 $5.000000000e-01, v44;
	v47 =	vld.idx.msk [tilespmem:v47+s4+$0x0], $0xffff;
	[tilespmem:s29+$0x50] =	vst v37  }
0x5a: {  	s30 =	simm.s32 $0x200;
	v52 =	vor.u32 v2, v32;
	v34 =	vadd.f32 v34, v38;
	v53 =	vld.idx.msk [tilespmem:v62+s4+$0x0], $0xffff  }
0x5b: {  	s23 =	simm.s32 $0x180;
	s22 =	sand.u32 $0x7800, s30;
	[tilespmem:s21+$0x40] =	vst v44;
	v54 =	vor.u32 v3, v32;
	v55 =	vld.idx.msk [tilespmem:v48+s4+$0x0], $0xffff  }
0x5c: {  	s31 =	sand.u32 $0x380, s23;
	s24 =	sadd.s32 $0x14000, s22;
	v56 =	vld.idx.msk [tilespmem:v49+s4+$0x0], $0xffff;
	v34 =	vmul.f32 $5.000000000e-01, v34  }
0x5d: {  	s22 =	sor.u32 s31, s24;
	v46 =	vld.idx.msk [tilespmem:v63+s4+$0x0], $0xffff  }
0x5e: {  	v57 =	vor.u32 v2, v36;
	v45 =	vadd.f32 v47, v45;
	[tilespmem:s22+$0x0] =	vst v34  }
0x5f: {  	s2 =	simm.s32 $0x100;
	v58 =	vor.u32 v3, v36;
	v37 =	vld.idx.msk [tilespmem:v52+s4+$0x0], $0xffff  }
0x60: {  	s23 =	sand.u32 $0x300, s2;
	v59 =	vor.u32 v14, v41;
	v45 =	vmul.f32 $5.000000000e-01, v45;
	v39 =	vld.idx.msk [tilespmem:v54+s4+$0x0], $0xffff;
	v38 =	vadd.f32 v55, v53  }
0x61: {  	s23 =	sor.u32 s23, s24;
	v60 =	vor.u32 v15, v41  }
0x62: {  	v61 =	vor.u32 v12, v43;
	v46 =	vadd.f32 v46, v56;
	[tilespmem:s23+$0x0] =	vst v45;
	v38 =	vmul.f32 $5.000000000e-01, v38  }
0x63: {  	v62 =	vor.u32 v13, v43;
	v47 =	vld.idx.msk [tilespmem:v57+s4+$0x0], $0xffff  }
0x64: {  	v46 =	vmul.f32 $5.000000000e-01, v46;
	v34 =	vld.idx.msk [tilespmem:v58+s4+$0x0], $0xffff;
	[tilespmem:s29+$0x60] =	vst v38  }
0x65: {  	v63 =	vor.u32 v4, v32;
	v37 =	vadd.f32 v39, v37;
	v52 =	vld.idx.msk [tilespmem:v59+s4+$0x0], $0xffff  }
0x66: {  	[tilespmem:s21+$0x50] =	vst v46;
	v53 =	vor.u32 v5, v32;
	v54 =	vld.idx.msk [tilespmem:v60+s4+$0x0], $0xffff  }
0x67: {  	v45 =	vld.idx.msk [tilespmem:v61+s4+$0x0], $0xffff;
	v37 =	vmul.f32 $5.000000000e-01, v37  }
0x68: {  	v48 =	vld.idx.msk [tilespmem:v62+s4+$0x0], $0xffff  }
0x69: {  	v55 =	vor.u32 v4, v36;
	v34 =	vadd.f32 v34, v47;
	[tilespmem:s22+$0x10] =	vst v37  }
0x6a: {  	v56 =	vor.u32 v5, v36;
	v38 =	vld.idx.msk [tilespmem:v63+s4+$0x0], $0xffff  }
0x6b: {  	v57 =	vor.u32 v16, v41;
	v34 =	vmul.f32 $5.000000000e-01, v34;
	v44 =	vld.idx.msk [tilespmem:v53+s4+$0x0], $0xffff;
	v39 =	vadd.f32 v54, v52  }
0x6c: {  	v58 =	vor.u32 v17, v41  }
0x6d: {  	v59 =	vadd.f32 v48, v45;
	v60 =	vor.u32 v14, v43;
	[tilespmem:s23+$0x10] =	vst v34;
	v39 =	vmul.f32 $5.000000000e-01, v39  }
0x6e: {  	v61 =	vor.u32 v15, v43;
	v47 =	vld.idx.msk [tilespmem:v55+s4+$0x0], $0xffff  }
0x6f: {  	v34 =	vmul.f32 $5.000000000e-01, v59;
	v37 =	vld.idx.msk [tilespmem:v56+s4+$0x0], $0xffff;
	[tilespmem:s29+$0x70] =	vst v39  }
0x70: {  	v62 =	vor.u32 v6, v32;
	v38 =	vadd.f32 v44, v38;
	v63 =	vld.idx.msk [tilespmem:v57+s4+$0x0], $0xffff  }
0x71: {  	v52 =	vor.u32 v7, v32;
	[tilespmem:s21+$0x60] =	vst v34;
	v53 =	vld.idx.msk [tilespmem:v58+s4+$0x0], $0xffff  }
0x72: {  	v45 =	vld.idx.msk [tilespmem:v60+s4+$0x0], $0xffff;
	v38 =	vmul.f32 $5.000000000e-01, v38  }
0x73: {  	v48 =	vld.idx.msk [tilespmem:v61+s4+$0x0], $0xffff  }
0x74: {  	v54 =	vor.u32 v6, v36;
	v37 =	vadd.f32 v37, v47;
	[tilespmem:s22+$0x20] =	vst v38  }
0x75: {  	v55 =	vor.u32 v7, v36;
	v39 =	vld.idx.msk [tilespmem:v62+s4+$0x0], $0xffff  }
0x76: {  	v56 =	vor.u32 v18, v41;
	v37 =	vmul.f32 $5.000000000e-01, v37;
	v34 =	vld.idx.msk [tilespmem:v52+s4+$0x0], $0xffff;
	v44 =	vadd.f32 v53, v63  }
0x77: {  	v57 =	vor.u32 v19, v41  }
0x78: {  	v59 =	vor.u32 v16, v43;
	v58 =	vadd.f32 v48, v45;
	[tilespmem:s23+$0x20] =	vst v37;
	v44 =	vmul.f32 $5.000000000e-01, v44  }
0x79: {  	v60 =	vor.u32 v17, v43;
	v47 =	vld.idx.msk [tilespmem:v54+s4+$0x0], $0xffff  }
0x7a: {  	v37 =	vmul.f32 $5.000000000e-01, v58;
	v38 =	vld.idx.msk [tilespmem:v55+s4+$0x0], $0xffff;
	[tilespmem:s29+$0x400] =	vst v44  }
0x7b: {  	v61 =	vor.u32 v8, v32;
	v34 =	vadd.f32 v34, v39;
	v44 =	vld.idx.msk [tilespmem:v56+s4+$0x0], $0xffff  }
0x7c: {  	v62 =	vor.u32 v9, v32;
	[tilespmem:s21+$0x70] =	vst v37;
	v49 =	vld.idx.msk [tilespmem:v57+s4+$0x0], $0xffff  }
0x7d: {  	v45 =	vld.idx.msk [tilespmem:v59+s4+$0x0], $0xffff;
	v34 =	vmul.f32 $5.000000000e-01, v34  }
0x7e: {  	s25 =	simm.s32 $0x4;
	v48 =	vld.idx.msk [tilespmem:v60+s4+$0x0], $0xffff  }
0x7f: {  	v50 =	vmov s25;
	[tilespmem:s22+$0x30] =	vst v34  }
0x80: {  	v52 =	vor.u32 v21, v41;
	v63 =	vshll.u32 v50, $0x7;
	v56 =	vld.idx.msk [tilespmem:v61+s4+$0x0], $0xffff  }
0x81: {  	v37 =	vshll.u32 v50, $0x9;
	v59 =	vor.u32 v20, v41;
	v46 =	vld.idx.msk [tilespmem:v62+s4+$0x0], $0xffff;
	v44 =	vadd.f32 v49, v44  }
0x82: {  	v53 =	vor.u32 v19, v43;
	v54 =	vor.u32 v11, v32;
	v51 =	vand.u32 $0xF000, v37  }
0x83: {  	v58 =	vadd.f32 v38, v47;
	v60 =	vadd.f32 v48, v45;
	v44 =	vmul.f32 $5.000000000e-01, v44  }
0x84: {  	s26 =	simm.s32 $0x5;
	v38 =	vand.u32 $0x300, v63;
	v63 =	vor.u32 v18, v43;
	v61 =	vor.u32 v9, v36  }
0x85: {  	v57 =	vmov s26;
	v34 =	vmul.f32 $5.000000000e-01, v60;
	v49 =	vor.u32 v8, v36;
	[tilespmem:s29+$0x410] =	vst v44  }
0x86: {  	v62 =	vmul.f32 $5.000000000e-01, v58;
	v58 =	vor.u32 v10, v32;
	v46 =	vadd.f32 v46, v56;
	v47 =	vld.idx.msk [tilespmem:v59+s4+$0x0], $0xffff  }
0x87: {  	v39 =	vor.u32 v38, v51;
	[tilespmem:s21+$0x400] =	vst v34;
	v44 =	vshll.u32 v57, $0x7;
	v59 =	vshll.u32 v57, $0x9;
	v52 =	vld.idx.msk [tilespmem:v52+s4+$0x0], $0xffff  }
0x88: {  	[tilespmem:s23+$0x30] =	vst v62;
	v53 =	vld.idx.msk [tilespmem:v53+s4+$0x0], $0xffff;
	v46 =	vmul.f32 $5.000000000e-01, v46;
	v44 =	vand.u32 $0x380, v44;
	v48 =	vand.u32 $0xF000, v59  }
0x89: {  	v55 =	vor.u32 v0, v39;
	v45 =	vld.idx.msk [tilespmem:v61+s4+$0x0], $0xffff;
	v34 =	vor.u32 v44, v48  }
0x8a: {  	v49 =	vld.idx.msk [tilespmem:v49+s4+$0x0], $0xffff;
	[tilespmem:s22+$0x40] =	vst v46;
	v46 =	vor.u32 v0, v34  }
0x8b: {  	v48 =	vld.idx.msk [tilespmem:v58+s4+$0x0], $0xffff;
	v60 =	vor.u32 v1, v34  }
0x8c: {  	v62 =	vor.u32 v22, v41;
	v61 =	vld.idx.msk [tilespmem:v54+s4+$0x0], $0xffff;
	v47 =	vadd.f32 v52, v47  }
0x8d: {  	v44 =	vld.idx.msk [tilespmem:v63+s4+$0x0], $0xffff;
	v63 =	vor.u32 v23, v41  }
0x8e: {  	v55 =	vld.idx.msk [tilespmem:v55+s4+$0x0], $0xffff;
	v56 =	vor.u32 v1, v39;
	v47 =	vmul.f32 $5.000000000e-01, v47  }
0x8f: {  	v57 =	vor.u32 v10, v36;
	v45 =	vadd.f32 v45, v49;
	v46 =	vld.idx.msk [tilespmem:v46+s4+$0x0], $0xffff  }
0x90: {  	v49 =	vor.u32 v11, v36;
	v50 =	vld.idx.msk [tilespmem:v60+s4+$0x0], $0xffff;
	[tilespmem:s29+$0x420] =	vst v47  }
0x91: {  	v45 =	vmul.f32 $5.000000000e-01, v45;
	v60 =	vadd.f32 v61, v48;
	v61 =	vor.u32 v12, v32;
	v51 =	vld.idx.msk [tilespmem:v62+s4+$0x0], $0xffff  }
0x92: {  	v62 =	vor.u32 v13, v32;
	v54 =	vld.idx.msk [tilespmem:v63+s4+$0x0], $0xffff  }
0x93: {  	v56 =	vld.idx.msk [tilespmem:v56+s4+$0x0], $0xffff;
	v44 =	vadd.f32 v53, v44;
	[tilespmem:s23+$0x40] =	vst v45;
	v45 =	vor.u32 v20, v43;
	v47 =	vmul.f32 $5.000000000e-01, v60  }
0x94: {  	v53 =	vld.idx.msk [tilespmem:v57+s4+$0x0], $0xffff;
	v63 =	vor.u32 v21, v43  }
0x95: {  	s26 =	simm.s32 $0x400;
	v44 =	vmul.f32 $5.000000000e-01, v44;
	v49 =	vld.idx.msk [tilespmem:v49+s4+$0x0], $0xffff;
	[tilespmem:s22+$0x50] =	vst v47;
	v47 =	vor.u32 v2, v34;
	v46 =	vadd.f32 v50, v46  }
0x96: {  	s28 =	simm.s32 $0x280;
	s30 =	sand.u32 $0x7800, s26;
	v60 =	vor.u32 v3, v34;
	v48 =	vld.idx.msk [tilespmem:v61+s4+$0x0], $0xffff  }
0x97: {  	s31 =	sand.u32 $0x380, s28;
	s25 =	sadd.s32 $0x14000, s30;
	[tilespmem:s21+$0x410] =	vst v44;
	v61 =	vld.idx.msk [tilespmem:v62+s4+$0x0], $0xffff;
	v46 =	vmul.f32 $5.000000000e-01, v46;
	v51 =	vadd.f32 v54, v51;
	v62 =	vor.u32 v24, v41  }
0x98: {  	s24 =	sor.u32 s31, s25;
	v45 =	vld.idx.msk [tilespmem:v45+s4+$0x0], $0xffff;
	v54 =	vor.u32 v25, v41  }
0x99: {  	v55 =	vadd.f32 v56, v55;
	v57 =	vld.idx.msk [tilespmem:v63+s4+$0x0], $0xffff;
	v63 =	vor.u32 v2, v39;
	[tilespmem:s24+$0x0] =	vst v46;
	v59 =	vmul.f32 $5.000000000e-01, v51  }
0x9a: {  	s30 =	simm.s32 $0x200;
	v51 =	vor.u32 v3, v39;
	v47 =	vld.idx.msk [tilespmem:v47+s4+$0x0], $0xffff  }
0x9b: {  	s30 =	sand.u32 $0x300, s30;
	v55 =	vmul.f32 $5.000000000e-01, v55;
	v49 =	vadd.f32 v49, v53;
	v50 =	vld.idx.msk [tilespmem:v60+s4+$0x0], $0xffff;
	v60 =	vor.u32 v12, v36;
	[tilespmem:s29+$0x430] =	vst v59  }
0x9c: {  	s25 =	sor.u32 s30, s25;
	v44 =	vadd.f32 v61, v48;
	v61 =	vor.u32 v14, v32;
	v48 =	vld.idx.msk [tilespmem:v62+s4+$0x0], $0xffff  }
0x9d: {  	[tilespmem:s25+$0x0] =	vst v55;
	v49 =	vmul.f32 $5.000000000e-01, v49;
	v62 =	vor.u32 v15, v32;
	v54 =	vld.idx.msk [tilespmem:v54+s4+$0x0], $0xffff  }
0x9e: {  	v55 =	vld.idx.msk [tilespmem:v63+s4+$0x0], $0xffff;
	v63 =	vor.u32 v13, v36;
	v44 =	vmul.f32 $5.000000000e-01, v44  }
0x9f: {  	[tilespmem:s23+$0x50] =	vst v49;
	v45 =	vadd.f32 v57, v45;
	v57 =	vor.u32 v22, v43;
	v49 =	vld.idx.msk [tilespmem:v51+s4+$0x0], $0xffff  }
0xa0: {  	v43 =	vor.u32 v23, v43;
	v53 =	vld.idx.msk [tilespmem:v60+s4+$0x0], $0xffff;
	[tilespmem:s22+$0x60] =	vst v44  }
0xa1: {  	v58 =	vmul.f32 $5.000000000e-01, v45;
	v59 =	vadd.f32 v50, v47;
	v47 =	vor.u32 v4, v34;
	v46 =	vld.idx.msk [tilespmem:v61+s4+$0x0], $0xffff  }
0xa2: {  	v60 =	vor.u32 v5, v34;
	v52 =	vld.idx.msk [tilespmem:v62+s4+$0x0], $0xffff  }
0xa3: {  	[tilespmem:s21+$0x420] =	vst v58;
	v61 =	vmul.f32 $5.000000000e-01, v59;
	v45 =	vld.idx.msk [tilespmem:v63+s4+$0x0], $0xffff;
	v48 =	vadd.f32 v54, v48;
	v62 =	vor.u32 v26, v41  }
0xa4: {  	v51 =	vld.idx.msk [tilespmem:v57+s4+$0x0], $0xffff;
	v63 =	vor.u32 v27, v41  }
0xa5: {  	v43 =	vld.idx.msk [tilespmem:v43+s4+$0x0], $0xffff;
	v49 =	vadd.f32 v49, v55;
	v55 =	vor.u32 v4, v39;
	[tilespmem:s24+$0x10] =	vst v61;
	v58 =	vmul.f32 $5.000000000e-01, v48  }
0xa6: {  	v59 =	vor.u32 v5, v39;
	v47 =	vld.idx.msk [tilespmem:v47+s4+$0x0], $0xffff  }
0xa7: {  	v61 =	vor.u32 v16, v32;
	v50 =	vld.idx.msk [tilespmem:v60+s4+$0x0], $0xffff;
	v49 =	vmul.f32 $5.000000000e-01, v49;
	[tilespmem:s29+$0x440] =	vst v58;
	v60 =	vadd.f32 v52, v46  }
0xa8: {  	v52 =	vld.idx.msk [tilespmem:v62+s4+$0x0], $0xffff;
	v62 =	vor.u32 v17, v32  }
0xa9: {  	v57 =	vor.u32 v14, v36;
	v45 =	vadd.f32 v45, v53;
	v63 =	vld.idx.msk [tilespmem:v63+s4+$0x0], $0xffff;
	[tilespmem:s25+$0x10] =	vst v49;
	v44 =	vmul.f32 $5.000000000e-01, v60  }
0xaa: {  	v40 =	vor.u32 v42, v40;
	v58 =	vor.u32 v15, v36;
	v55 =	vld.idx.msk [tilespmem:v55+s4+$0x0], $0xffff  }
0xab: {  	v43 =	vadd.f32 v43, v51;
	v48 =	vld.idx.msk [tilespmem:v59+s4+$0x0], $0xffff;
	v45 =	vmul.f32 $5.000000000e-01, v45;
	v59 =	vor.u32 v24, v40;
	[tilespmem:s22+$0x70] =	vst v44  }
0xac: {  	v47 =	vadd.f32 v50, v47;
	v50 =	vor.u32 v6, v34;
	v46 =	vld.idx.msk [tilespmem:v61+s4+$0x0], $0xffff  }
0xad: {  	v43 =	vmul.f32 $5.000000000e-01, v43;
	v60 =	vor.u32 v7, v34;
	[tilespmem:s23+$0x60] =	vst v45;
	v61 =	vld.idx.msk [tilespmem:v62+s4+$0x0], $0xffff  }
0xae: {  	v47 =	vmul.f32 $5.000000000e-01, v47;
	v53 =	vld.idx.msk [tilespmem:v57+s4+$0x0], $0xffff;
	v49 =	vadd.f32 v63, v52;
	v62 =	vor.u32 v28, v41  }
0xaf: {  	[tilespmem:s21+$0x430] =	vst v43;
	v42 =	vld.idx.msk [tilespmem:v58+s4+$0x0], $0xffff;
	v63 =	vor.u32 v29, v41  }
0xb0: {  	v57 =	vor.u32 v6, v39;
	v48 =	vadd.f32 v48, v55;
	[tilespmem:s24+$0x20] =	vst v47;
	v44 =	vld.idx.msk [tilespmem:v59+s4+$0x0], $0xffff;
	v58 =	vmul.f32 $5.000000000e-01, v49  }
0xb1: {  	v59 =	vor.u32 v7, v39;
	v50 =	vld.idx.msk [tilespmem:v50+s4+$0x0], $0xffff  }
0xb2: {  	v45 =	vld.idx.msk [tilespmem:v60+s4+$0x0], $0xffff;
	v60 =	vor.u32 v25, v40;
	v48 =	vmul.f32 $5.000000000e-01, v48;
	[tilespmem:s29+$0x450] =	vst v58  }
0xb3: {  	v46 =	vadd.f32 v61, v46;
	v61 =	vor.u32 v18, v32;
	v51 =	vld.idx.msk [tilespmem:v62+s4+$0x0], $0xffff  }
0xb4: {  	v62 =	vor.u32 v19, v32;
	v43 =	vld.idx.msk [tilespmem:v63+s4+$0x0], $0xffff;
	[tilespmem:s25+$0x20] =	vst v48  }
0xb5: {  	v58 =	vor.u32 v17, v36;
	v42 =	vadd.f32 v42, v53;
	v63 =	vld.idx.msk [tilespmem:v57+s4+$0x0], $0xffff;
	v46 =	vmul.f32 $5.000000000e-01, v46  }
0xb6: {  	v57 =	vor.u32 v16, v36;
	v49 =	vld.idx.msk [tilespmem:v59+s4+$0x0], $0xffff  }
0xb7: {  	v42 =	vmul.f32 $5.000000000e-01, v42;
	v59 =	vor.u32 v8, v34;
	v45 =	vadd.f32 v45, v50;
	[tilespmem:s22+$0x400] =	vst v46;
	v46 =	vld.idx.msk [tilespmem:v60+s4+$0x0], $0xffff  }
0xb8: {  	v60 =	vor.u32 v9, v34;
	v47 =	vld.idx.msk [tilespmem:v61+s4+$0x0], $0xffff  }
0xb9: {  	[tilespmem:s23+$0x70] =	vst v42;
	v48 =	vld.idx.msk [tilespmem:v62+s4+$0x0], $0xffff;
	v61 =	vmul.f32 $5.000000000e-01, v45;
	v43 =	vadd.f32 v43, v51;
	v45 =	vor.u32 v30, v41  }
0xba: {  	v41 =	vor.u32 v31, v41;
	v62 =	vld.idx.msk [tilespmem:v58+s4+$0x0], $0xffff  }
0xbb: {  	v51 =	vld.idx.msk [tilespmem:v57+s4+$0x0], $0xffff;
	v49 =	vadd.f32 v49, v63;
	v63 =	vor.u32 v8, v39;
	[tilespmem:s24+$0x30] =	vst v61;
	v57 =	vmul.f32 $5.000000000e-01, v43  }
0xbc: {  	v56 =	vor.u32 v19, v36;
	v54 =	vor.u32 v9, v39;
	v50 =	vld.idx.msk [tilespmem:v59+s4+$0x0], $0xffff  }
0xbd: {  	v44 =	vadd.f32 v46, v44;
	v59 =	vmul.f32 $5.000000000e-01, v49;
	v49 =	vld.idx.msk [tilespmem:v60+s4+$0x0], $0xffff;
	v60 =	vor.u32 v26, v40;
	[tilespmem:s29+$0x460] =	vst v57  }
0xbe: {  	s2 =	simm.s32 $0x6;
	v53 =	vor.u32 v27, v40;
	v61 =	vor.u32 v20, v32;
	v47 =	vadd.f32 v48, v47;
	v45 =	vld.idx.msk [tilespmem:v45+s4+$0x0], $0xffff  }
0xbf: {  	v58 =	vmov s2;
	v46 =	vor.u32 v21, v32;
	v57 =	vld.idx.msk [tilespmem:v41+s4+$0x0], $0xffff;
	v44 =	vmul.f32 $5.000000000e-01, v44;
	[tilespmem:s25+$0x30] =	vst v59  }
0xc0: {  	v52 =	vld.idx.msk [tilespmem:v63+s4+$0x0], $0xffff;
	v62 =	vadd.f32 v62, v51;
	v51 =	vor.u32 v18, v36;
	v47 =	vmul.f32 $5.000000000e-01, v47  }
0xc1: {  	v42 =	vshll.u32 v58, $0x9;
	v43 =	vshll.u32 v58, $0x7;
	v58 =	vor.u32 v10, v39;
	v54 =	vld.idx.msk [tilespmem:v54+s4+$0x0], $0xffff;
	[tilespmem:s21+$0x440] =	vst v44  }
0xc2: {  	v43 =	vand.u32 $0x300, v43;
	v63 =	vand.u32 $0xF000, v42;
	v41 =	vmul.f32 $5.000000000e-01, v62;
	[tilespmem:s22+$0x410] =	vst v47;
	v47 =	vld.idx.msk [tilespmem:v60+s4+$0x0], $0xffff  }
0xc3: {  	s31 =	simm.s32 $0x7;
	v44 =	vor.u32 v43, v63;
	v49 =	vadd.f32 v49, v50;
	v50 =	vor.u32 v10, v34;
	v48 =	vld.idx.msk [tilespmem:v61+s4+$0x0], $0xffff  }
0xc4: {  	v59 =	vmov s31;
	v55 =	vor.u32 v0, v44;
	v60 =	vor.u32 v11, v34;
	v46 =	vld.idx.msk [tilespmem:v46+s4+$0x0], $0xffff;
	[tilespmem:s23+$0x400] =	vst v41  }
0xc5: {  	v41 =	vshll.u32 v59, $0x9;
	v59 =	vshll.u32 v59, $0x7;
	v49 =	vmul.f32 $5.000000000e-01, v49;
	v61 =	vld.idx.msk [tilespmem:v51+s4+$0x0], $0xffff  }
0xc6: {  	v51 =	vor.u32 v1, v44;
	v41 =	vand.u32 $0xF000, v41;
	v59 =	vand.u32 $0x380, v59;
	v62 =	vld.idx.msk [tilespmem:v56+s4+$0x0], $0xffff  }
0xc7: {  	v52 =	vadd.f32 v54, v52;
	v41 =	vor.u32 v59, v41;
	[tilespmem:s24+$0x40] =	vst v49;
	v49 =	vld.idx.msk [tilespmem:v53+s4+$0x0], $0xffff  }
0xc8: {  	v50 =	vld.idx.msk [tilespmem:v50+s4+$0x0], $0xffff;
	v54 =	vor.u32 v1, v41  }
0xc9: {  	v53 =	vor.u32 v0, v41;
	v52 =	vmul.f32 $5.000000000e-01, v52;
	v59 =	vld.idx.msk [tilespmem:v60+s4+$0x0], $0xffff  }
0xca: {  	v55 =	vld.idx.msk [tilespmem:v55+s4+$0x0], $0xffff;
	v46 =	vadd.f32 v46, v48;
	v48 =	vor.u32 v22, v32  }
0xcb: {  	[tilespmem:s25+$0x40] =	vst v52;
	v52 =	vor.u32 v23, v32;
	v56 =	vld.idx.msk [tilespmem:v51+s4+$0x0], $0xffff;
	v61 =	vadd.f32 v62, v61  }
0xcc: {  	v60 =	vor.u32 v11, v39;
	v51 =	vld.idx.msk [tilespmem:v58+s4+$0x0], $0xffff;
	v46 =	vmul.f32 $5.000000000e-01, v46  }
0xcd: {  	v45 =	vadd.f32 v57, v45;
	v62 =	vor.u32 v20, v36;
	v58 =	vld.idx.msk [tilespmem:v54+s4+$0x0], $0xffff;
	v54 =	vmul.f32 $5.000000000e-01, v61  }
0xce: {  	v63 =	vor.u32 v21, v36;
	v49 =	vadd.f32 v49, v47;
	v57 =	vld.idx.msk [tilespmem:v53+s4+$0x0], $0xffff;
	[tilespmem:s22+$0x420] =	vst v46  }
0xcf: {  	v45 =	vmul.f32 $5.000000000e-01, v45;
	v50 =	vadd.f32 v59, v50;
	v47 =	vld.idx.msk [tilespmem:v48+s4+$0x0], $0xffff;
	[tilespmem:s23+$0x410] =	vst v54;
	v54 =	vor.u32 v12, v34  }
0xd0: {  	v53 =	vor.u32 v13, v34;
	v59 =	vmul.f32 $5.000000000e-01, v49;
	v49 =	vld.idx.msk [tilespmem:v52+s4+$0x0], $0xffff  }
0xd1: {  	[tilespmem:s29+$0x470] =	vst v45;
	v52 =	vld.idx.msk [tilespmem:v60+s4+$0x0], $0xffff;
	v61 =	vmul.f32 $5.000000000e-01, v50;
	v50 =	vor.u32 v28, v40  }
0xd2: {  	v48 =	vor.u32 v29, v40;
	[tilespmem:s21+$0x450] =	vst v59;
	v45 =	vld.idx.msk [tilespmem:v62+s4+$0x0], $0xffff  }
0xd3: {  	s29 =	simm.s32 $0x8;
	v46 =	vld.idx.msk [tilespmem:v63+s4+$0x0], $0xffff;
	[tilespmem:s24+$0x50] =	vst v61  }
.LBB2_3:
0xd4: {  	p1 =	slt.u32 s29, $0x4E;
	v57 =	vadd.f32 v58, v57;
	v58 =	vor.u32 v2, v41;
	v54 =	vld.idx.msk [tilespmem:v54+s4+$0x0], $0xffff;
	s26 =	sadd.s32 $0x200, s26  }
0xd5: {  	v55 =	vadd.f32 v56, v55;
	v56 =	vor.u32 v3, v41;
	s28 =	sadd.s32 $0x100, s28;
	s30 =	sand.u32 $0x7800, s26;
	v53 =	vld.idx.msk [tilespmem:v53+s4+$0x0], $0xffff  }
0xd6: {  	s31 =	sadd.s32 $0xFFFFFF80, s28;
	v47 =	vadd.f32 v49, v47;
	v49 =	vor.u32 v24, v32;
	s2 =	sadd.s32 $0x14000, s30;
	v57 =	vmul.f32 $5.000000000e-01, v57;
	s30 =	sand.u32 $0x380, s28;
	v50 =	vld.idx.msk [tilespmem:v50+s4+$0x0], $0xffff  }
0xd7: {  	v55 =	vmul.f32 $5.000000000e-01, v55;
	s31 =	sand.u32 $0x300, s31;
	v51 =	vadd.f32 v52, v51;
	v52 =	vor.u32 v25, v32;
	s30 =	sor.u32 s30, s2;
	v48 =	vld.idx.msk [tilespmem:v48+s4+$0x0], $0xffff  }
0xd8: {  	v59 =	vor.u32 v2, v44;
	s31 =	sor.u32 s31, s2;
	v47 =	vmul.f32 $5.000000000e-01, v47;
	[tilespmem:s30+$0x0] =	vst v57  }
0xd9: {  	v51 =	vmul.f32 $5.000000000e-01, v51;
	v45 =	vadd.f32 v46, v45;
	[tilespmem:s31+$0x0] =	vst v55;
	v55 =	vor.u32 v3, v44;
	v57 =	vld.idx.msk [tilespmem:v58+s4+$0x0], $0xffff  }
0xda: {  	v46 =	vld.idx.msk [tilespmem:v56+s4+$0x0], $0xffff;
	v56 =	vor.u32 v12, v39;
	[tilespmem:s22+$0x430] =	vst v47  }
0xdb: {  	v47 =	vadd.f32 v53, v54;
	v45 =	vmul.f32 $5.000000000e-01, v45;
	[tilespmem:s25+$0x50] =	vst v51;
	v51 =	vor.u32 v14, v34;
	v49 =	vld.idx.msk [tilespmem:v49+s4+$0x0], $0xffff  }
0xdc: {  	v53 =	vor.u32 v15, v34;
	v52 =	vld.idx.msk [tilespmem:v52+s4+$0x0], $0xffff  }
0xdd: {  	v58 =	vor.u32 v13, v39;
	v47 =	vmul.f32 $5.000000000e-01, v47;
	v54 =	vld.idx.msk [tilespmem:v59+s4+$0x0], $0xffff;
	[tilespmem:s23+$0x420] =	vst v45;
	v45 =	vadd.f32 v48, v50  }
0xde: {  	v50 =	vor.u32 v22, v36;
	v48 =	vld.idx.msk [tilespmem:v55+s4+$0x0], $0xffff  }
0xdf: {  	v55 =	vld.idx.msk [tilespmem:v56+s4+$0x0], $0xffff;
	[tilespmem:s24+$0x60] =	vst v47;
	v47 =	vor.u32 v23, v36;
	v45 =	vmul.f32 $5.000000000e-01, v45;
	v36 =	vmovc v39;
	v39 =	vmov v44  }
0xe0: {  	v44 =	vadd.f32 v46, v57;
	v46 =	vor.u32 v4, v41;
	v51 =	vld.idx.msk [tilespmem:v51+s4+$0x0], $0xffff  }
0xe1: {  	v56 =	vor.u32 v5, v41;
	v53 =	vld.idx.msk [tilespmem:v53+s4+$0x0], $0xffff;
	[tilespmem:s21+$0x460] =	vst v45  }
0xe2: {  	v44 =	vmul.f32 $5.000000000e-01, v44;
	v49 =	vadd.f32 v52, v49;
	v52 =	vor.u32 v26, v32;
	v45 =	vld.idx.msk [tilespmem:v58+s4+$0x0], $0xffff  }
0xe3: {  	v57 =	vor.u32 v27, v32;
	v50 =	vld.idx.msk [tilespmem:v50+s4+$0x0], $0xffff  }
0xe4: {  	v48 =	vadd.f32 v48, v54;
	v54 =	vor.u32 v4, v39;
	[tilespmem:s30+$0x10] =	vst v44;
	v44 =	vld.idx.msk [tilespmem:v47+s4+$0x0], $0xffff;
	v47 =	vmul.f32 $5.000000000e-01, v49  }
0xe5: {  	v49 =	vor.u32 v5, v39;
	v46 =	vld.idx.msk [tilespmem:v46+s4+$0x0], $0xffff  }
0xe6: {  	v48 =	vmul.f32 $5.000000000e-01, v48;
	v56 =	vld.idx.msk [tilespmem:v56+s4+$0x0], $0xffff;
	[tilespmem:s22+$0x440] =	vst v47;
	v47 =	vor.u32 v30, v40  }
0xe7: {  	v51 =	vadd.f32 v53, v51;
	v53 =	vor.u32 v16, v34;
	v52 =	vld.idx.msk [tilespmem:v52+s4+$0x0], $0xffff  }
0xe8: {  	v45 =	vadd.f32 v45, v55;
	[tilespmem:s31+$0x10] =	vst v48;
	v48 =	vor.u32 v17, v34;
	v55 =	vld.idx.msk [tilespmem:v57+s4+$0x0], $0xffff  }
0xe9: {  	v58 =	vor.u32 v35, v33;
	v33 =	vmovc v37;
	v57 =	vor.u32 v14, v36;
	v51 =	vmul.f32 $5.000000000e-01, v51;
	v54 =	vld.idx.msk [tilespmem:v54+s4+$0x0], $0xffff  }
0xea: {  	v59 =	vor.u32 v15, v36;
	v37 =	vmovc v42;
	v45 =	vmul.f32 $5.000000000e-01, v45;
	v44 =	vadd.f32 v44, v50;
	v49 =	vld.idx.msk [tilespmem:v49+s4+$0x0], $0xffff  }
0xeb: {  	v35 =	vmov v38;
	v38 =	vmov v43;
	v42 =	vor.u32 v24, v58;
	[tilespmem:s24+$0x70] =	vst v51;
	v47 =	vld.idx.msk [tilespmem:v47+s4+$0x0], $0xffff  }
0xec: {  	v43 =	vadd.f32 v56, v46;
	v46 =	vor.u32 v6, v41;
	v44 =	vmul.f32 $5.000000000e-01, v44;
	[tilespmem:s25+$0x60] =	vst v45;
	v45 =	vld.idx.msk [tilespmem:v53+s4+$0x0], $0xffff  }
0xed: {  	v50 =	vor.u32 v7, v41;
	v48 =	vld.idx.msk [tilespmem:v48+s4+$0x0], $0xffff  }
0xee: {  	v43 =	vmul.f32 $5.000000000e-01, v43;
	v51 =	vld.idx.msk [tilespmem:v57+s4+$0x0], $0xffff;
	[tilespmem:s23+$0x430] =	vst v44;
	v44 =	vadd.f32 v55, v52;
	v52 =	vor.u32 v28, v32  }
0xef: {  	v55 =	vor.u32 v29, v32;
	v53 =	vld.idx.msk [tilespmem:v59+s4+$0x0], $0xffff  }
0xf0: {  	v49 =	vadd.f32 v49, v54;
	v54 =	vor.u32 v6, v39;
	[tilespmem:s30+$0x20] =	vst v43;
	v43 =	vld.idx.msk [tilespmem:v42+s4+$0x0], $0xffff;
	v42 =	vmul.f32 $5.000000000e-01, v44  }
0xf1: {  	v44 =	vor.u32 v7, v39;
	v46 =	vld.idx.msk [tilespmem:v46+s4+$0x0], $0xffff  }
0xf2: {  	v56 =	vor.u32 v25, v58;
	v49 =	vmul.f32 $5.000000000e-01, v49;
	v50 =	vld.idx.msk [tilespmem:v50+s4+$0x0], $0xffff;
	[tilespmem:s22+$0x450] =	vst v42  }
0xf3: {  	v42 =	vadd.f32 v48, v45;
	v45 =	vor.u32 v18, v34;
	v48 =	vld.idx.msk [tilespmem:v52+s4+$0x0], $0xffff  }
0xf4: {  	[tilespmem:s31+$0x20] =	vst v49;
	v49 =	vor.u32 v19, v34;
	v52 =	vld.idx.msk [tilespmem:v55+s4+$0x0], $0xffff  }
0xf5: {  	v51 =	vadd.f32 v53, v51;
	v53 =	vor.u32 v16, v36;
	v42 =	vmul.f32 $5.000000000e-01, v42;
	v54 =	vld.idx.msk [tilespmem:v54+s4+$0x0], $0xffff  }
0xf6: {  	v55 =	vor.u32 v17, v36;
	v44 =	vld.idx.msk [tilespmem:v44+s4+$0x0], $0xffff  }
0xf7: {  	v57 =	vor.u32 v31, v40;
	v40 =	vmov v58;
	v51 =	vmul.f32 $5.000000000e-01, v51;
	[tilespmem:s24+$0x400] =	vst v42;
	v56 =	vld.idx.msk [tilespmem:v56+s4+$0x0], $0xffff  }
0xf8: {  	v42 =	vadd.f32 v50, v46;
	v46 =	vor.u32 v8, v41;
	v45 =	vld.idx.msk [tilespmem:v45+s4+$0x0], $0xffff  }
0xf9: {  	v58 =	vor.u32 v9, v41;
	v50 =	vmov s29;
	[tilespmem:s25+$0x70] =	vst v51;
	v49 =	vld.idx.msk [tilespmem:v49+s4+$0x0], $0xffff  }
0xfa: {  	v51 =	vmul.f32 $5.000000000e-01, v42;
	v48 =	vadd.f32 v52, v48;
	v52 =	vor.u32 v30, v32;
	v53 =	vld.idx.msk [tilespmem:v53+s4+$0x0], $0xffff  }
0xfb: {  	v59 =	vor.u32 v31, v32;
	v42 =	vshll.u32 v50, $0x9;
	v50 =	vshll.u32 v50, $0x7;
	v32 =	vmovc v34;
	v34 =	vmovc v41;
	v55 =	vld.idx.msk [tilespmem:v55+s4+$0x0], $0xffff  }
0xfc: {  	v41 =	vadd.f32 v44, v54;
	v54 =	vor.u32 v8, v39;
	v44 =	vmul.f32 $5.000000000e-01, v48;
	[tilespmem:s30+$0x30] =	vst v51;
	v48 =	vld.idx.msk [tilespmem:v57+s4+$0x0], $0xffff  }
0xfd: {  	v51 =	vand.u32 $0xF000, v42;
	v57 =	vor.u32 v9, v39;
	v56 =	vadd.f32 v56, v43;
	v46 =	vld.idx.msk [tilespmem:v46+s4+$0x0], $0xffff  }
0xfe: {  	v43 =	vand.u32 $0x300, v50;
	v41 =	vmul.f32 $5.000000000e-01, v41;
	v50 =	vld.idx.msk [tilespmem:v58+s4+$0x0], $0xffff;
	v58 =	vor.u32 v26, v40;
	[tilespmem:s22+$0x460] =	vst v44  }
0xff: {  	v45 =	vadd.f32 v49, v45;
	v49 =	vor.u32 v20, v32;
	v56 =	vmul.f32 $5.000000000e-01, v56;
	v52 =	vld.idx.msk [tilespmem:v52+s4+$0x0], $0xffff  }
0x100: {  	v44 =	vor.u32 v43, v51;
	[tilespmem:s31+$0x30] =	vst v41;
	v41 =	vor.u32 v21, v32;
	v51 =	vld.idx.msk [tilespmem:v59+s4+$0x0], $0xffff  }
0x101: {  	v53 =	vadd.f32 v55, v53;
	v55 =	vor.u32 v18, v36;
	v45 =	vmul.f32 $5.000000000e-01, v45;
	v54 =	vld.idx.msk [tilespmem:v54+s4+$0x0], $0xffff;
	[tilespmem:s23+$0x440] =	vst v56  }
0x102: {  	v59 =	vor.u32 v27, v40;
	v47 =	vadd.f32 v48, v47;
	v56 =	vld.idx.msk [tilespmem:v57+s4+$0x0], $0xffff;
	v57 =	vor.u32 v19, v36  }
0x103: {  	s2 =	sadd.s32 $0x1, s29;
	v60 =	vor.u32 v10, v39;
	v48 =	vor.u32 v0, v44;
	v53 =	vmul.f32 $5.000000000e-01, v53;
	[tilespmem:s24+$0x410] =	vst v45;
	v45 =	vld.idx.msk [tilespmem:v58+s4+$0x0], $0xffff  }
0x104: {  	v58 =	vmov s2;
	v46 =	vadd.f32 v50, v46;
	v50 =	vor.u32 v10, v34;
	v49 =	vld.idx.msk [tilespmem:v49+s4+$0x0], $0xffff  }
0x105: {  	v62 =	vor.u32 v11, v34;
	v61 =	vshll.u32 v58, $0x9;
	[tilespmem:s25+$0x400] =	vst v53;
	v53 =	vld.idx.msk [tilespmem:v41+s4+$0x0], $0xffff;
	v41 =	vmul.f32 $5.000000000e-01, v47  }
0x106: {  	v47 =	vshll.u32 v58, $0x7;
	v46 =	vmul.f32 $5.000000000e-01, v46;
	v51 =	vadd.f32 v51, v52;
	v58 =	vld.idx.msk [tilespmem:v55+s4+$0x0], $0xffff  }
0x107: {  	v52 =	vor.u32 v1, v44;
	v55 =	vand.u32 $0xF000, v61;
	v47 =	vand.u32 $0x380, v47;
	v57 =	vld.idx.msk [tilespmem:v57+s4+$0x0], $0xffff;
	[tilespmem:s21+$0x470] =	vst v41;
	s21 =	smov.u32 s23;
	s23 =	smov.u32 s25;
	s25 =	smov.u32 s31  }
0x108: {  	v41 =	vor.u32 v47, v55;
	v47 =	vadd.f32 v56, v54;
	v51 =	vmul.f32 $5.000000000e-01, v51;
	[tilespmem:s30+$0x40] =	vst v46;
	v46 =	vld.idx.msk [tilespmem:v59+s4+$0x0], $0xffff  }
0x109: {  	v54 =	vor.u32 v0, v41;
	v50 =	vld.idx.msk [tilespmem:v50+s4+$0x0], $0xffff  }
0x10a: {  	v59 =	vor.u32 v1, v41;
	v47 =	vmul.f32 $5.000000000e-01, v47;
	v61 =	vld.idx.msk [tilespmem:v62+s4+$0x0], $0xffff;
	[tilespmem:s22+$0x470] =	vst v51;
	s22 =	smov.u32 s24;
	s24 =	smov.u32 s30  }
0x10b: {  	v55 =	vld.idx.msk [tilespmem:v48+s4+$0x0], $0xffff;
	v48 =	vadd.f32 v53, v49;
	v49 =	vor.u32 v22, v32  }
0x10c: {  	v56 =	vld.idx.msk [tilespmem:v52+s4+$0x0], $0xffff;
	[tilespmem:s25+$0x40] =	vst v47;
	v52 =	vor.u32 v23, v32  }
0x10d: {  	v47 =	vadd.f32 v57, v58;
	v51 =	vld.idx.msk [tilespmem:v60+s4+$0x0], $0xffff;
	v60 =	vor.u32 v11, v39;
	v48 =	vmul.f32 $5.000000000e-01, v48  }
0x10e: {  	v62 =	vor.u32 v20, v36;
	v45 =	vadd.f32 v46, v45;
	v57 =	vld.idx.msk [tilespmem:v54+s4+$0x0], $0xffff  }
0x10f: {  	v46 =	vmul.f32 $5.000000000e-01, v47;
	v58 =	vld.idx.msk [tilespmem:v59+s4+$0x0], $0xffff;
	v59 =	vor.u32 v21, v36;
	[tilespmem:s22+$0x420] =	vst v48  }
.Ltmp0:
0x110: {  	v54 =	vor.u32 v12, v34;
	v48 =	vadd.f32 v61, v50;
	v45 =	vmul.f32 $5.000000000e-01, v45;
	v47 =	vld.idx.msk [tilespmem:v49+s4+$0x0], $0xffff;
	(pc) =	sbr.rel @p1 .LBB2_3-.Ltmp0, $4  }
0x111: {  	v53 =	vor.u32 v13, v34;
	[tilespmem:s23+$0x410] =	vst v46;
	v49 =	vld.idx.msk [tilespmem:v52+s4+$0x0], $0xffff  }
0x112: {  	v50 =	vor.u32 v28, v40;
	v46 =	vmul.f32 $5.000000000e-01, v48;
	v52 =	vld.idx.msk [tilespmem:v60+s4+$0x0], $0xffff;
	[tilespmem:s21+$0x450] =	vst v45  }
0x113: {  	v48 =	vor.u32 v29, v40;
	v45 =	vld.idx.msk [tilespmem:v62+s4+$0x0], $0xffff  }
0x114: {  	s29 =	sadd.s32 $0x2, s29;
	[tilespmem:s24+$0x50] =	vst v46;
	v46 =	vld.idx.msk [tilespmem:v59+s4+$0x0], $0xffff  }
0x115: {  	v57 =	vadd.f32 v58, v57;
	v58 =	vor.u32 v2, v41;
	s2 =	sadd.s32 $0x200, s26  }
0x116: {  	v59 =	vor.u32 v3, v41;
	s29 =	sadd.s32 $0x100, s28;
	s2 =	sand.u32 $0x7800, s2  }
0x117: {  	v55 =	vadd.f32 v56, v55;
	v60 =	vor.u32 v3, v44;
	s28 =	sand.u32 $0x380, s29;
	s2 =	sadd.s32 $0x14000, s2;
	v56 =	vmul.f32 $5.000000000e-01, v57  }
0x118: {  	s29 =	sadd.s32 $0xFFFFFF80, s29;
	v57 =	vor.u32 v2, v44;
	s26 =	sor.u32 s28, s2  }
0x119: {  	v55 =	vmul.f32 $5.000000000e-01, v55;
	s30 =	sand.u32 $0x300, s29;
	[tilespmem:s26+$0x0] =	vst v56  }
0x11a: {  	s28 =	sor.u32 s30, s2;
	v56 =	vld.idx.msk [tilespmem:v58+s4+$0x0], $0xffff  }
0x11b: {  	[tilespmem:s28+$0x0] =	vst v55;
	v63 =	vld.idx.msk [tilespmem:v59+s4+$0x0], $0xffff  }
0x11c: {  	v61 =	vld.idx.msk [tilespmem:v60+s4+$0x0], $0xffff  }
0x11d: {  	v57 =	vld.idx.msk [tilespmem:v57+s4+$0x0], $0xffff;
	_ =	sdelay $0x2  }
0x11e: {  	v55 =	vadd.f32 v63, v56;
	v56 =	vor.u32 v4, v41  }
0x11f: {  	v59 =	vor.u32 v5, v41  }
0x120: {  	v58 =	vor.u32 v4, v44;
	v55 =	vmul.f32 $5.000000000e-01, v55;
	v57 =	vadd.f32 v61, v57  }
0x121: {  	v60 =	vor.u32 v5, v44  }
0x122: {  	[tilespmem:s26+$0x10] =	vst v55;
	v62 =	vmul.f32 $5.000000000e-01, v57  }
0x123: {  	v56 =	vld.idx.msk [tilespmem:v56+s4+$0x0], $0xffff  }
0x124: {  	v63 =	vld.idx.msk [tilespmem:v59+s4+$0x0], $0xffff;
	[tilespmem:s28+$0x10] =	vst v62  }
0x125: {  	v55 =	vld.idx.msk [tilespmem:v58+s4+$0x0], $0xffff  }
0x126: {  	v60 =	vld.idx.msk [tilespmem:v60+s4+$0x0], $0xffff;
	_ =	sdelay $0x2  }
0x127: {  	v57 =	vor.u32 v6, v41;
	v56 =	vadd.f32 v63, v56  }
0x128: {  	v59 =	vor.u32 v7, v41  }
0x129: {  	v58 =	vor.u32 v6, v44;
	v56 =	vmul.f32 $5.000000000e-01, v56;
	v55 =	vadd.f32 v60, v55  }
0x12a: {  	v60 =	vor.u32 v7, v44  }
0x12b: {  	[tilespmem:s26+$0x20] =	vst v56;
	v55 =	vmul.f32 $5.000000000e-01, v55  }
0x12c: {  	v56 =	vld.idx.msk [tilespmem:v57+s4+$0x0], $0xffff  }
0x12d: {  	v61 =	vld.idx.msk [tilespmem:v59+s4+$0x0], $0xffff;
	[tilespmem:s28+$0x20] =	vst v55  }
0x12e: {  	v55 =	vld.idx.msk [tilespmem:v58+s4+$0x0], $0xffff  }
0x12f: {  	v62 =	vld.idx.msk [tilespmem:v60+s4+$0x0], $0xffff;
	_ =	sdelay $0x2  }
0x130: {  	v57 =	vor.u32 v8, v41;
	v56 =	vadd.f32 v61, v56  }
0x131: {  	v59 =	vor.u32 v9, v41  }
0x132: {  	v58 =	vor.u32 v8, v44;
	v56 =	vmul.f32 $5.000000000e-01, v56;
	v55 =	vadd.f32 v62, v55  }
0x133: {  	v60 =	vor.u32 v9, v44  }
0x134: {  	[tilespmem:s26+$0x30] =	vst v56;
	v55 =	vmul.f32 $5.000000000e-01, v55  }
0x135: {  	v56 =	vld.idx.msk [tilespmem:v57+s4+$0x0], $0xffff  }
0x136: {  	v63 =	vld.idx.msk [tilespmem:v59+s4+$0x0], $0xffff;
	[tilespmem:s28+$0x30] =	vst v55  }
0x137: {  	v55 =	vld.idx.msk [tilespmem:v58+s4+$0x0], $0xffff  }
0x138: {  	v58 =	vld.idx.msk [tilespmem:v60+s4+$0x0], $0xffff;
	_ =	sdelay $0x2  }
0x139: {  	v57 =	vor.u32 v10, v41;
	v56 =	vadd.f32 v63, v56  }
0x13a: {  	v59 =	vor.u32 v11, v41  }
0x13b: {  	v60 =	vor.u32 v10, v44;
	v56 =	vmul.f32 $5.000000000e-01, v56;
	v55 =	vadd.f32 v58, v55  }
0x13c: {  	v61 =	vor.u32 v11, v44  }
0x13d: {  	[tilespmem:s26+$0x40] =	vst v56;
	v55 =	vmul.f32 $5.000000000e-01, v55  }
0x13e: {  	v56 =	vld.idx.msk [tilespmem:v57+s4+$0x0], $0xffff  }
0x13f: {  	v62 =	vld.idx.msk [tilespmem:v59+s4+$0x0], $0xffff;
	[tilespmem:s28+$0x40] =	vst v55  }
0x140: {  	v55 =	vld.idx.msk [tilespmem:v60+s4+$0x0], $0xffff  }
0x141: {  	v58 =	vld.idx.msk [tilespmem:v61+s4+$0x0], $0xffff  }
0x142: {  	v51 =	vadd.f32 v52, v51;
	v52 =	vor.u32 v12, v39  }
0x143: {  	v59 =	vor.u32 v13, v39  }
0x144: {  	v51 =	vmul.f32 $5.000000000e-01, v51;
	v57 =	vor.u32 v12, v41;
	v56 =	vadd.f32 v62, v56  }
0x145: {  	v54 =	vld.idx.msk [tilespmem:v54+s4+$0x0], $0xffff;
	v60 =	vor.u32 v13, v41  }
0x146: {  	v53 =	vld.idx.msk [tilespmem:v53+s4+$0x0], $0xffff;
	[tilespmem:s25+$0x50] =	vst v51;
	v61 =	vor.u32 v12, v44;
	v63 =	vmul.f32 $5.000000000e-01, v56;
	v55 =	vadd.f32 v58, v55  }
0x147: {  	v52 =	vld.idx.msk [tilespmem:v52+s4+$0x0], $0xffff;
	v62 =	vor.u32 v13, v44  }
0x148: {  	v59 =	vld.idx.msk [tilespmem:v59+s4+$0x0], $0xffff;
	[tilespmem:s26+$0x50] =	vst v63;
	v63 =	vmul.f32 $5.000000000e-01, v55  }
0x149: {  	v55 =	vld.idx.msk [tilespmem:v57+s4+$0x0], $0xffff  }
0x14a: {  	v57 =	vld.idx.msk [tilespmem:v60+s4+$0x0], $0xffff;
	[tilespmem:s28+$0x50] =	vst v63  }
0x14b: {  	v60 =	vadd.f32 v53, v54;
	v53 =	vor.u32 v14, v34;
	v54 =	vld.idx.msk [tilespmem:v61+s4+$0x0], $0xffff  }
0x14c: {  	v56 =	vor.u32 v15, v34;
	v58 =	vld.idx.msk [tilespmem:v62+s4+$0x0], $0xffff  }
0x14d: {  	v52 =	vadd.f32 v59, v52;
	v59 =	vor.u32 v14, v39;
	v51 =	vmul.f32 $5.000000000e-01, v60  }
0x14e: {  	v60 =	vor.u32 v15, v39  }
0x14f: {  	v61 =	vmul.f32 $5.000000000e-01, v52;
	[tilespmem:s24+$0x60] =	vst v51;
	v62 =	vadd.f32 v57, v55;
	v55 =	vor.u32 v14, v41  }
0x150: {  	v53 =	vld.idx.msk [tilespmem:v53+s4+$0x0], $0xffff;
	v57 =	vor.u32 v15, v41  }
0x151: {  	[tilespmem:s25+$0x60] =	vst v61;
	v56 =	vld.idx.msk [tilespmem:v56+s4+$0x0], $0xffff;
	v51 =	vmul.f32 $5.000000000e-01, v62;
	v52 =	vadd.f32 v58, v54;
	v54 =	vor.u32 v14, v44  }
0x152: {  	v58 =	vld.idx.msk [tilespmem:v59+s4+$0x0], $0xffff;
	v59 =	vor.u32 v15, v44  }
0x153: {  	v60 =	vld.idx.msk [tilespmem:v60+s4+$0x0], $0xffff;
	[tilespmem:s26+$0x60] =	vst v51;
	v63 =	vmul.f32 $5.000000000e-01, v52  }
0x154: {  	v52 =	vld.idx.msk [tilespmem:v55+s4+$0x0], $0xffff  }
0x155: {  	v55 =	vld.idx.msk [tilespmem:v57+s4+$0x0], $0xffff;
	[tilespmem:s28+$0x60] =	vst v63  }
0x156: {  	v61 =	vadd.f32 v56, v53;
	v53 =	vor.u32 v16, v34;
	v54 =	vld.idx.msk [tilespmem:v54+s4+$0x0], $0xffff  }
0x157: {  	v56 =	vor.u32 v17, v34;
	v57 =	vld.idx.msk [tilespmem:v59+s4+$0x0], $0xffff  }
0x158: {  	v51 =	vmul.f32 $5.000000000e-01, v61;
	v58 =	vadd.f32 v60, v58;
	v59 =	vor.u32 v16, v39  }
0x159: {  	v60 =	vor.u32 v17, v39  }
0x15a: {  	v50 =	vld.idx.msk [tilespmem:v50+s4+$0x0], $0xffff;
	[tilespmem:s24+$0x70] =	vst v51;
	v62 =	vmul.f32 $5.000000000e-01, v58;
	v52 =	vadd.f32 v55, v52;
	v55 =	vor.u32 v16, v41  }
0x15b: {  	v58 =	vor.u32 v17, v41;
	v53 =	vld.idx.msk [tilespmem:v53+s4+$0x0], $0xffff  }
0x15c: {  	v56 =	vld.idx.msk [tilespmem:v56+s4+$0x0], $0xffff;
	[tilespmem:s25+$0x70] =	vst v62;
	v51 =	vmul.f32 $5.000000000e-01, v52;
	v52 =	vadd.f32 v57, v54;
	v54 =	vor.u32 v16, v44  }
0x15d: {  	v57 =	vld.idx.msk [tilespmem:v59+s4+$0x0], $0xffff;
	v59 =	vor.u32 v17, v44  }
0x15e: {  	v60 =	vld.idx.msk [tilespmem:v60+s4+$0x0], $0xffff;
	[tilespmem:s26+$0x70] =	vst v51;
	v63 =	vmul.f32 $5.000000000e-01, v52  }
0x15f: {  	v47 =	vadd.f32 v49, v47;
	v61 =	vor.u32 v24, v32;
	v52 =	vld.idx.msk [tilespmem:v55+s4+$0x0], $0xffff  }
0x160: {  	v55 =	vor.u32 v25, v32;
	v58 =	vld.idx.msk [tilespmem:v58+s4+$0x0], $0xffff;
	[tilespmem:s28+$0x70] =	vst v63  }
0x161: {  	v47 =	vmul.f32 $5.000000000e-01, v47;
	v62 =	vadd.f32 v56, v53;
	v53 =	vor.u32 v18, v34;
	v54 =	vld.idx.msk [tilespmem:v54+s4+$0x0], $0xffff  }
0x162: {  	v56 =	vor.u32 v19, v34;
	v59 =	vld.idx.msk [tilespmem:v59+s4+$0x0], $0xffff  }
0x163: {  	v48 =	vld.idx.msk [tilespmem:v48+s4+$0x0], $0xffff;
	[tilespmem:s22+$0x430] =	vst v47;
	v47 =	vmul.f32 $5.000000000e-01, v62;
	v51 =	vadd.f32 v60, v57;
	v57 =	vor.u32 v18, v39  }
0x164: {  	v49 =	vld.idx.msk [tilespmem:v61+s4+$0x0], $0xffff;
	v60 =	vor.u32 v19, v39  }
0x165: {  	[tilespmem:s24+$0x400] =	vst v47;
	v63 =	vmul.f32 $5.000000000e-01, v51;
	v55 =	vld.idx.msk [tilespmem:v55+s4+$0x0], $0xffff;
	v61 =	vadd.f32 v58, v52;
	v52 =	vor.u32 v18, v41  }
0x166: {  	v53 =	vld.idx.msk [tilespmem:v53+s4+$0x0], $0xffff;
	v58 =	vor.u32 v19, v41  }
0x167: {  	v56 =	vld.idx.msk [tilespmem:v56+s4+$0x0], $0xffff;
	[tilespmem:s25+$0x400] =	vst v63;
	v63 =	vor.u32 v18, v44;
	v47 =	vmul.f32 $5.000000000e-01, v61;
	v62 =	vadd.f32 v59, v54  }
0x168: {  	v57 =	vld.idx.msk [tilespmem:v57+s4+$0x0], $0xffff;
	v61 =	vor.u32 v19, v44  }
0x169: {  	v45 =	vadd.f32 v46, v45;
	v46 =	vor.u32 v22, v36;
	[tilespmem:s26+$0x400] =	vst v47;
	v47 =	vld.idx.msk [tilespmem:v60+s4+$0x0], $0xffff;
	v51 =	vmul.f32 $5.000000000e-01, v62  }
0x16a: {  	v36 =	vor.u32 v23, v36;
	v52 =	vld.idx.msk [tilespmem:v52+s4+$0x0], $0xffff  }
0x16b: {  	v45 =	vmul.f32 $5.000000000e-01, v45;
	v49 =	vadd.f32 v55, v49;
	v55 =	vor.u32 v26, v32;
	v58 =	vld.idx.msk [tilespmem:v58+s4+$0x0], $0xffff;
	[tilespmem:s28+$0x400] =	vst v51  }
0x16c: {  	v62 =	vadd.f32 v56, v53;
	v53 =	vor.u32 v20, v34;
	v54 =	vld.idx.msk [tilespmem:v63+s4+$0x0], $0xffff  }
0x16d: {  	[tilespmem:s23+$0x420] =	vst v45;
	v60 =	vor.u32 v21, v34;
	v63 =	vmul.f32 $5.000000000e-01, v49;
	v61 =	vld.idx.msk [tilespmem:v61+s4+$0x0], $0xffff  }
0x16e: {  	v46 =	vld.idx.msk [tilespmem:v46+s4+$0x0], $0xffff;
	v51 =	vmul.f32 $5.000000000e-01, v62;
	v47 =	vadd.f32 v47, v57;
	v57 =	vor.u32 v20, v39  }
0x16f: {  	v45 =	vor.u32 v21, v39;
	v36 =	vld.idx.msk [tilespmem:v36+s4+$0x0], $0xffff;
	[tilespmem:s22+$0x440] =	vst v63  }
0x170: {  	[tilespmem:s24+$0x410] =	vst v51;
	v63 =	vor.u32 v20, v41;
	v55 =	vld.idx.msk [tilespmem:v55+s4+$0x0], $0xffff;
	v62 =	vadd.f32 v58, v52;
	v47 =	vmul.f32 $5.000000000e-01, v47  }
0x171: {  	v53 =	vld.idx.msk [tilespmem:v53+s4+$0x0], $0xffff;
	v58 =	vor.u32 v21, v41  }
0x172: {  	v49 =	vld.idx.msk [tilespmem:v60+s4+$0x0], $0xffff;
	v60 =	vmul.f32 $5.000000000e-01, v62;
	v61 =	vadd.f32 v61, v54;
	v54 =	vor.u32 v20, v44;
	[tilespmem:s25+$0x410] =	vst v47  }
0x173: {  	v56 =	vld.idx.msk [tilespmem:v57+s4+$0x0], $0xffff;
	v57 =	vor.u32 v21, v44  }
0x174: {  	v59 =	vor.u32 v27, v32;
	v45 =	vld.idx.msk [tilespmem:v45+s4+$0x0], $0xffff;
	[tilespmem:s26+$0x410] =	vst v60;
	v62 =	vmul.f32 $5.000000000e-01, v61  }
0x175: {  	v35 =	vor.u32 v35, v33;
	v48 =	vadd.f32 v48, v50;
	v50 =	vor.u32 v30, v40;
	v51 =	vld.idx.msk [tilespmem:v63+s4+$0x0], $0xffff  }
0x176: {  	v63 =	vadd.f32 v36, v46;
	v36 =	vor.u32 v24, v35;
	v46 =	vld.idx.msk [tilespmem:v58+s4+$0x0], $0xffff;
	[tilespmem:s28+$0x410] =	vst v62  }
0x177: {  	v47 =	vmul.f32 $5.000000000e-01, v48;
	v61 =	vor.u32 v22, v34;
	v60 =	vadd.f32 v49, v53;
	v52 =	vld.idx.msk [tilespmem:v54+s4+$0x0], $0xffff  }
0x178: {  	v62 =	vmul.f32 $5.000000000e-01, v63;
	v63 =	vor.u32 v23, v34;
	v57 =	vld.idx.msk [tilespmem:v57+s4+$0x0], $0xffff  }
0x179: {  	[tilespmem:s21+$0x460] =	vst v47;
	v47 =	vld.idx.msk [tilespmem:v59+s4+$0x0], $0xffff;
	v48 =	vmul.f32 $5.000000000e-01, v60;
	v45 =	vadd.f32 v45, v56;
	v56 =	vor.u32 v22, v39  }
0x17a: {  	v59 =	vor.u32 v23, v39;
	v33 =	vld.idx.msk [tilespmem:v50+s4+$0x0], $0xffff;
	[tilespmem:s23+$0x430] =	vst v62  }
0x17b: {  	v60 =	vor.u32 v22, v41;
	[tilespmem:s24+$0x420] =	vst v48;
	v36 =	vld.idx.msk [tilespmem:v36+s4+$0x0], $0xffff;
	v46 =	vadd.f32 v46, v51;
	v45 =	vmul.f32 $5.000000000e-01, v45  }
0x17c: {  	v50 =	vor.u32 v23, v41;
	v49 =	vld.idx.msk [tilespmem:v61+s4+$0x0], $0xffff  }
0x17d: {  	v51 =	vld.idx.msk [tilespmem:v63+s4+$0x0], $0xffff;
	v61 =	vmul.f32 $5.000000000e-01, v46;
	v63 =	vor.u32 v22, v44;
	[tilespmem:s25+$0x420] =	vst v45;
	v62 =	vadd.f32 v57, v52  }
0x17e: {  	v53 =	vld.idx.msk [tilespmem:v56+s4+$0x0], $0xffff;
	v57 =	vor.u32 v23, v44  }
0x17f: {  	v54 =	vor.u32 v28, v32;
	v47 =	vadd.f32 v47, v55;
	v39 =	vld.idx.msk [tilespmem:v59+s4+$0x0], $0xffff;
	[tilespmem:s26+$0x420] =	vst v61;
	v58 =	vmul.f32 $5.000000000e-01, v62  }
0x180: {  	v59 =	vor.u32 v29, v32;
	v48 =	vld.idx.msk [tilespmem:v60+s4+$0x0], $0xffff  }
0x181: {  	v47 =	vmul.f32 $5.000000000e-01, v47;
	v60 =	vor.u32 v25, v35;
	v50 =	vld.idx.msk [tilespmem:v50+s4+$0x0], $0xffff;
	[tilespmem:s28+$0x420] =	vst v58  }
0x182: {  	v62 =	vor.u32 v24, v34;
	v61 =	vadd.f32 v51, v49;
	v51 =	vld.idx.msk [tilespmem:v63+s4+$0x0], $0xffff  }
0x183: {  	v37 =	vor.u32 v38, v37;
	[tilespmem:s22+$0x450] =	vst v47;
	v63 =	vor.u32 v25, v34;
	v57 =	vld.idx.msk [tilespmem:v57+s4+$0x0], $0xffff  }
0x184: {  	v44 =	vld.idx.msk [tilespmem:v54+s4+$0x0], $0xffff;
	v58 =	vor.u32 v24, v37;
	v45 =	vmul.f32 $5.000000000e-01, v61;
	v39 =	vadd.f32 v39, v53  }
0x185: {  	v46 =	vld.idx.msk [tilespmem:v59+s4+$0x0], $0xffff;
	v59 =	vor.u32 v25, v37  }
0x186: {  	v61 =	vor.u32 v24, v41;
	v54 =	vld.idx.msk [tilespmem:v60+s4+$0x0], $0xffff;
	v60 =	vadd.f32 v50, v48;
	[tilespmem:s24+$0x430] =	vst v45;
	v39 =	vmul.f32 $5.000000000e-01, v39  }
0x187: {  	v42 =	vor.u32 v43, v42;
	v50 =	vor.u32 v25, v41;
	v49 =	vld.idx.msk [tilespmem:v62+s4+$0x0], $0xffff  }
0x188: {  	v56 =	vor.u32 v24, v42;
	[tilespmem:s25+$0x430] =	vst v39;
	v62 =	vld.idx.msk [tilespmem:v63+s4+$0x0], $0xffff;
	v63 =	vmul.f32 $5.000000000e-01, v60;
	v38 =	vadd.f32 v57, v51  }
0x189: {  	v47 =	vld.idx.msk [tilespmem:v58+s4+$0x0], $0xffff;
	v57 =	vor.u32 v25, v42  }
0x18a: {  	v58 =	vor.u32 v31, v40;
	v59 =	vld.idx.msk [tilespmem:v59+s4+$0x0], $0xffff;
	[tilespmem:s26+$0x430] =	vst v63;
	v38 =	vmul.f32 $5.000000000e-01, v38  }
0x18b: {  	v60 =	vor.u32 v26, v35;
	v36 =	vadd.f32 v54, v36;
	v48 =	vld.idx.msk [tilespmem:v61+s4+$0x0], $0xffff  }
0x18c: {  	v61 =	vor.u32 v27, v35;
	v50 =	vld.idx.msk [tilespmem:v50+s4+$0x0], $0xffff;
	[tilespmem:s28+$0x430] =	vst v38  }
0x18d: {  	v63 =	vor.u32 v26, v34;
	v36 =	vmul.f32 $5.000000000e-01, v36;
	v62 =	vadd.f32 v62, v49;
	v45 =	vld.idx.msk [tilespmem:v56+s4+$0x0], $0xffff  }
0x18e: {  	v56 =	vor.u32 v27, v34;
	v51 =	vld.idx.msk [tilespmem:v57+s4+$0x0], $0xffff  }
0x18f: {  	v40 =	vld.idx.msk [tilespmem:v58+s4+$0x0], $0xffff;
	[tilespmem:s23+$0x440] =	vst v36;
	v58 =	vadd.f32 v59, v47;
	v59 =	vor.u32 v26, v37;
	v57 =	vmul.f32 $5.000000000e-01, v62  }
0x190: {  	v39 =	vld.idx.msk [tilespmem:v60+s4+$0x0], $0xffff;
	v60 =	vor.u32 v27, v37  }
0x191: {  	v53 =	vld.idx.msk [tilespmem:v61+s4+$0x0], $0xffff;
	v61 =	vmul.f32 $5.000000000e-01, v58;
	v62 =	vadd.f32 v50, v48;
	v48 =	vor.u32 v26, v41;
	[tilespmem:s24+$0x440] =	vst v57  }
0x192: {  	v50 =	vor.u32 v27, v41;
	v43 =	vld.idx.msk [tilespmem:v63+s4+$0x0], $0xffff  }
0x193: {  	v57 =	vor.u32 v26, v42;
	v49 =	vld.idx.msk [tilespmem:v56+s4+$0x0], $0xffff;
	[tilespmem:s25+$0x440] =	vst v61;
	v63 =	vmul.f32 $5.000000000e-01, v62;
	v56 =	vadd.f32 v51, v45  }
0x194: {  	v58 =	vor.u32 v27, v42;
	v47 =	vld.idx.msk [tilespmem:v59+s4+$0x0], $0xffff  }
0x195: {  	v44 =	vadd.f32 v46, v44;
	v59 =	vor.u32 v30, v32;
	v52 =	vld.idx.msk [tilespmem:v60+s4+$0x0], $0xffff;
	[tilespmem:s26+$0x440] =	vst v63;
	v60 =	vmul.f32 $5.000000000e-01, v56  }
0x196: {  	v62 =	vor.u32 v28, v35;
	v61 =	vadd.f32 v53, v39;
	v48 =	vld.idx.msk [tilespmem:v48+s4+$0x0], $0xffff  }
0x197: {  	v44 =	vmul.f32 $5.000000000e-01, v44;
	v63 =	vor.u32 v29, v35;
	v50 =	vld.idx.msk [tilespmem:v50+s4+$0x0], $0xffff;
	[tilespmem:s28+$0x440] =	vst v60  }
0x198: {  	v54 =	vmul.f32 $5.000000000e-01, v61;
	v55 =	vadd.f32 v49, v43;
	v43 =	vor.u32 v28, v34;
	v45 =	vld.idx.msk [tilespmem:v57+s4+$0x0], $0xffff  }
0x199: {  	[tilespmem:s22+$0x460] =	vst v44;
	v44 =	vor.u32 v29, v34;
	v56 =	vld.idx.msk [tilespmem:v58+s4+$0x0], $0xffff  }
0x19a: {  	v46 =	vld.idx.msk [tilespmem:v59+s4+$0x0], $0xffff;
	v58 =	vadd.f32 v52, v47;
	v59 =	vor.u32 v28, v37;
	[tilespmem:s23+$0x450] =	vst v54;
	v57 =	vmul.f32 $5.000000000e-01, v55  }
0x19b: {  	v60 =	vor.u32 v29, v37;
	v39 =	vld.idx.msk [tilespmem:v62+s4+$0x0], $0xffff  }
0x19c: {  	v52 =	vld.idx.msk [tilespmem:v63+s4+$0x0], $0xffff;
	v61 =	vmul.f32 $5.000000000e-01, v58;
	v62 =	vadd.f32 v50, v48;
	v63 =	vor.u32 v28, v41;
	[tilespmem:s24+$0x450] =	vst v57  }
0x19d: {  	v54 =	vor.u32 v29, v41;
	v43 =	vld.idx.msk [tilespmem:v43+s4+$0x0], $0xffff  }
0x19e: {  	v57 =	vor.u32 v28, v42;
	v44 =	vld.idx.msk [tilespmem:v44+s4+$0x0], $0xffff;
	[tilespmem:s25+$0x450] =	vst v61;
	v55 =	vmul.f32 $5.000000000e-01, v62;
	v56 =	vadd.f32 v56, v45  }
0x19f: {  	v58 =	vor.u32 v29, v42;
	v47 =	vld.idx.msk [tilespmem:v59+s4+$0x0], $0xffff  }
0x1a0: {  	v59 =	vor.u32 v31, v32;
	v51 =	vld.idx.msk [tilespmem:v60+s4+$0x0], $0xffff;
	[tilespmem:s26+$0x450] =	vst v55;
	v60 =	vmul.f32 $5.000000000e-01, v56  }
0x1a1: {  	v62 =	vor.u32 v30, v35;
	v61 =	vadd.f32 v52, v39;
	v48 =	vld.idx.msk [tilespmem:v63+s4+$0x0], $0xffff  }
0x1a2: {  	v35 =	vor.u32 v31, v35;
	v50 =	vld.idx.msk [tilespmem:v54+s4+$0x0], $0xffff;
	[tilespmem:s28+$0x450] =	vst v60  }
0x1a3: {  	v53 =	vor.u32 v30, v34;
	v63 =	vmul.f32 $5.000000000e-01, v61;
	v52 =	vadd.f32 v44, v43;
	v54 =	vld.idx.msk [tilespmem:v57+s4+$0x0], $0xffff  }
0x1a4: {  	v55 =	vor.u32 v31, v34;
	v56 =	vld.idx.msk [tilespmem:v58+s4+$0x0], $0xffff  }
0x1a5: {  	v32 =	vld.idx.msk [tilespmem:v59+s4+$0x0], $0xffff;
	v58 =	vadd.f32 v51, v47;
	v59 =	vor.u32 v30, v37;
	[tilespmem:s23+$0x460] =	vst v63;
	v57 =	vmul.f32 $5.000000000e-01, v52  }
0x1a6: {  	v37 =	vor.u32 v31, v37;
	v39 =	vld.idx.msk [tilespmem:v62+s4+$0x0], $0xffff  }
0x1a7: {  	v35 =	vld.idx.msk [tilespmem:v35+s4+$0x0], $0xffff;
	v60 =	vmul.f32 $5.000000000e-01, v58;
	v61 =	vadd.f32 v50, v48;
	v62 =	vor.u32 v30, v41;
	[tilespmem:s24+$0x460] =	vst v57  }
0x1a8: {  	v63 =	vor.u32 v31, v41;
	v43 =	vld.idx.msk [tilespmem:v53+s4+$0x0], $0xffff  }
0x1a9: {  	v51 =	vor.u32 v30, v42;
	v34 =	vld.idx.msk [tilespmem:v55+s4+$0x0], $0xffff;
	[tilespmem:s25+$0x460] =	vst v60;
	v49 =	vmul.f32 $5.000000000e-01, v61;
	v50 =	vadd.f32 v56, v54  }
0x1aa: {  	v42 =	vor.u32 v31, v42;
	v52 =	vld.idx.msk [tilespmem:v59+s4+$0x0], $0xffff  }
0x1ab: {  	v37 =	vld.idx.msk [tilespmem:v37+s4+$0x0], $0xffff;
	[tilespmem:s26+$0x460] =	vst v49;
	v53 =	vmul.f32 $5.000000000e-01, v50  }
0x1ac: {  	v54 =	vld.idx.msk [tilespmem:v62+s4+$0x0], $0xffff  }
0x1ad: {  	v41 =	vld.idx.msk [tilespmem:v63+s4+$0x0], $0xffff;
	[tilespmem:s28+$0x460] =	vst v53  }
0x1ae: {  	v33 =	vadd.f32 v40, v33;
	v36 =	vld.idx.msk [tilespmem:v51+s4+$0x0], $0xffff  }
0x1af: {  	v32 =	vadd.f32 v32, v46;
	v55 =	vld.idx.msk [tilespmem:v42+s4+$0x0], $0xffff  }
0x1b0: {  	v33 =	vmul.f32 $5.000000000e-01, v33;
	v35 =	vadd.f32 v35, v39  }
0x1b1: {  	v32 =	vmul.f32 $5.000000000e-01, v32;
	v34 =	vadd.f32 v34, v43  }
0x1b2: {  	[tilespmem:s21+$0x470] =	vst v33;
	v56 =	vmul.f32 $5.000000000e-01, v35;
	v57 =	vadd.f32 v37, v52  }
0x1b3: {  	[tilespmem:s22+$0x470] =	vst v32;
	v58 =	vmul.f32 $5.000000000e-01, v34;
	v59 =	vadd.f32 v41, v54  }
0x1b4: {  	p1 =	sne.s32 s17, $0x13;
	[tilespmem:s23+$0x470] =	vst v56;
	v60 =	vmul.f32 $5.000000000e-01, v57;
	v61 =	vadd.f32 v55, v36  }
.Ltmp1:
0x1b5: {  	[tilespmem:s24+$0x470] =	vst v58;
	v62 =	vmul.f32 $5.000000000e-01, v59;
	(pc) =	sbr.rel @p1 .LBB2_6-.Ltmp1, $4  }
0x1b6: {  	s31 =	smul.u32 $0xA00, s20;
	[tilespmem:s25+$0x470] =	vst v60;
	v63 =	vmul.f32 $5.000000000e-01, v61  }
0x1b7: {  	[tilespmem:s26+$0x470] =	vst v62  }
0x1b8: {  	s2 =	sadd.s32 s3, s31;
	[tilespmem:s28+$0x470] =	vst v63  }
0x1b9: {  	[hbm4b:s2+s4] =	stream.linear.scatter [tilespmem:s11], [sflag:$0x3], $0x5000, $0x38;
	[tilespmem:$0x1E000] =	vst v63  }
.Ltmp2:
0x1ba: {  	(pc) =	sbr.rel .LBB2_7-.Ltmp2, $4  }
0x1bb: {  	_ = 	snop  }
0x1bc: {  	_ =	swait.ge [sflag:s12], $0xA000  }
0x1bd: {  	[sflag:s12] =	ssyncset.done $0x0  }
0x1be: {  	[sflag:s12] =	ssyncadd.s32 $0xFFFF6000  }
.LBB2_6:
0x1bf: {  	s2 =	sadd.s32 s7, s19  }
0x1c0: {  	s19 =	smov.u32 s5;
	p1 =	slt.u32 s2, $0x4E2  }
0x1c1: {  	s19 =	smov.u32 @p1 s2  }
0x1c2: {  	s2 =	smul.u32 $0x1400, s19;
	_ =	sdelay $0x1  }
.Ltmp3:
0x1c3: {  	s2 =	sadd.s32 s0, s2;
	(pc) =	sbr.rel @p0 .LBB2_8-.Ltmp3, $4  }
0x1c4: {  	[tilespmem:s4], [sflag:$0x1] =	stream.linear.gather [hbm4b:s2+s4], $0xA000, $0x38;
	[tilespmem:$0x1E000] =	vst v63  }
0x1c5: {  	_ =	swait.ge [sflag:s12], $0xA000  }
0x1c6: {  	[sflag:s12] =	ssyncset.done $0x0  }
0x1c7: {  	[sflag:s12] =	ssyncadd.s32 $0xFFFF6000  }
.LBB2_7:
0x1c8: {  	_ =	swait.ge [sflag:s13], $0x5000  }
0x1c9: {  	[sflag:s13] =	ssyncset.done $0x0  }
0x1ca: {  	[sflag:s13] =	ssyncadd.s32 $0xFFFFB000  }
.LBB2_8:
0x1cb: {  	s2 =	simm.s32 $0x1  }
0x1cc: {  	v32 =	vmov s2  }
0x1cd: {  	v33 =	vshll.u32 v32, $0x9;
	v32 =	vshll.u32 v32, $0x7  }
0x1ce: {  	v33 =	vand.u32 $0xF000, v33;
	v32 =	vand.u32 $0x380, v32  }
0x1cf: {  	v41 =	vor.u32 v32, v33  }
0x1d0: {  	v32 =	vor.u32 v0, v41  }
0x1d1: {  	v33 =	vor.u32 v1, v41;
	_ =	sdelay $0x3  }
0x1d2: {  	v32 =	vld.idx.msk [tilespmem:v32+s9+$0x0], $0xffff  }
0x1d3: {  	v33 =	vld.idx.msk [tilespmem:v33+s9+$0x0], $0xffff  }
0x1d4: {  	s20 =	simm.s32 $0x0  }
0x1d5: {  	v34 =	vmov s20  }
0x1d6: {  	v40 =	vshll.u32 v34, $0x9  }
0x1d7: {  	v34 =	vshll.u32 v34, $0x7;
	v35 =	vand.u32 $0xF000, v40  }
0x1d8: {  	v42 =	vand.u32 $0x300, v34;
	v55 =	vor.u32 v2, v41;
	v32 =	vadd.f32 v33, v32  }
0x1d9: {  	s19 =	simm.s32 $0x80;
	s2 =	sand.u32 $0x7800, s20;
	v43 =	vor.u32 v42, v35;
	v36 =	vor.u32 v3, v41  }
0x1da: {  	s19 =	sand.u32 $0x380, s19;
	s2 =	sadd.s32 $0x19000, s2;
	v54 =	vor.u32 v0, v43;
	v32 =	vmul.f32 $5.000000000e-01, v32  }
0x1db: {  	s26 =	sor.u32 s19, s2;
	v35 =	vor.u32 v1, v43  }
0x1dc: {  	[tilespmem:s26+$0x0] =	vst v32  }
0x1dd: {  	v32 =	vld.idx.msk [tilespmem:v55+s9+$0x0], $0xffff  }
0x1de: {  	v56 =	vld.idx.msk [tilespmem:v36+s9+$0x0], $0xffff  }
0x1df: {  	v34 =	vld.idx.msk [tilespmem:v54+s9+$0x0], $0xffff  }
0x1e0: {  	v35 =	vld.idx.msk [tilespmem:v35+s9+$0x0], $0xffff;
	_ =	sdelay $0x2  }
0x1e1: {  	v59 =	vor.u32 v4, v41;
	v32 =	vadd.f32 v56, v32  }
0x1e2: {  	v37 =	vor.u32 v5, v41  }
0x1e3: {  	v57 =	vor.u32 v2, v43;
	v34 =	vadd.f32 v35, v34;
	v32 =	vmul.f32 $5.000000000e-01, v32  }
0x1e4: {  	s21 =	simm.s32 $0x0;
	v58 =	vor.u32 v3, v43  }
0x1e5: {  	s19 =	sand.u32 $0x300, s21;
	v34 =	vmul.f32 $5.000000000e-01, v34;
	[tilespmem:s26+$0x10] =	vst v32  }
0x1e6: {  	s19 =	sor.u32 s19, s2;
	v32 =	vld.idx.msk [tilespmem:v59+s9+$0x0], $0xffff  }
0x1e7: {  	[tilespmem:s19+$0x0] =	vst v34;
	v61 =	vld.idx.msk [tilespmem:v37+s9+$0x0], $0xffff  }
0x1e8: {  	v34 =	vld.idx.msk [tilespmem:v57+s9+$0x0], $0xffff  }
0x1e9: {  	v60 =	vld.idx.msk [tilespmem:v58+s9+$0x0], $0xffff;
	_ =	sdelay $0x2  }
0x1ea: {  	v44 =	vor.u32 v6, v41;
	v32 =	vadd.f32 v61, v32  }
0x1eb: {  	v45 =	vor.u32 v7, v41  }
0x1ec: {  	v62 =	vor.u32 v4, v43;
	v34 =	vadd.f32 v60, v34;
	v32 =	vmul.f32 $5.000000000e-01, v32  }
0x1ed: {  	v63 =	vor.u32 v5, v43  }
0x1ee: {  	v34 =	vmul.f32 $5.000000000e-01, v34;
	[tilespmem:s26+$0x20] =	vst v32  }
0x1ef: {  	v32 =	vld.idx.msk [tilespmem:v44+s9+$0x0], $0xffff  }
0x1f0: {  	[tilespmem:s19+$0x10] =	vst v34;
	v47 =	vld.idx.msk [tilespmem:v45+s9+$0x0], $0xffff  }
0x1f1: {  	v34 =	vld.idx.msk [tilespmem:v62+s9+$0x0], $0xffff  }
0x1f2: {  	v46 =	vld.idx.msk [tilespmem:v63+s9+$0x0], $0xffff;
	_ =	sdelay $0x2  }
0x1f3: {  	v50 =	vor.u32 v8, v41;
	v32 =	vadd.f32 v47, v32  }
0x1f4: {  	v51 =	vor.u32 v9, v41  }
0x1f5: {  	v48 =	vor.u32 v6, v43;
	v34 =	vadd.f32 v46, v34;
	v32 =	vmul.f32 $5.000000000e-01, v32  }
0x1f6: {  	v49 =	vor.u32 v7, v43  }
0x1f7: {  	v34 =	vmul.f32 $5.000000000e-01, v34;
	[tilespmem:s26+$0x30] =	vst v32  }
0x1f8: {  	v32 =	vld.idx.msk [tilespmem:v50+s9+$0x0], $0xffff  }
0x1f9: {  	[tilespmem:s19+$0x20] =	vst v34;
	v53 =	vld.idx.msk [tilespmem:v51+s9+$0x0], $0xffff  }
0x1fa: {  	v34 =	vld.idx.msk [tilespmem:v48+s9+$0x0], $0xffff  }
0x1fb: {  	v52 =	vld.idx.msk [tilespmem:v49+s9+$0x0], $0xffff;
	_ =	sdelay $0x1  }
0x1fc: {  	s22 =	simm.s32 $0x3  }
0x1fd: {  	v54 =	vor.u32 v10, v41;
	v56 =	vmov s22;
	v32 =	vadd.f32 v53, v32  }
0x1fe: {  	v55 =	vor.u32 v8, v43;
	v57 =	vor.u32 v11, v41;
	v38 =	vshll.u32 v56, $0x9  }
0x1ff: {  	v35 =	vshll.u32 v56, $0x7;
	v34 =	vadd.f32 v52, v34;
	v39 =	vmul.f32 $5.000000000e-01, v32  }
0x200: {  	v58 =	vand.u32 $0xF000, v38;
	v35 =	vand.u32 $0x380, v35;
	v44 =	vor.u32 v9, v43  }
0x201: {  	s23 =	simm.s32 $0x2;
	v34 =	vmul.f32 $5.000000000e-01, v34;
	v32 =	vor.u32 v35, v58;
	[tilespmem:s26+$0x40] =	vst v39  }
0x202: {  	v59 =	vmov s23;
	v60 =	vor.u32 v0, v32;
	v39 =	vld.idx.msk [tilespmem:v54+s9+$0x0], $0xffff  }
0x203: {  	v33 =	vshll.u32 v59, $0x9;
	[tilespmem:s19+$0x30] =	vst v34;
	v35 =	vshll.u32 v59, $0x7;
	v61 =	vor.u32 v1, v32;
	v37 =	vld.idx.msk [tilespmem:v57+s9+$0x0], $0xffff  }
0x204: {  	v45 =	vand.u32 $0xF000, v33;
	v46 =	vld.idx.msk [tilespmem:v55+s9+$0x0], $0xffff;
	v35 =	vand.u32 $0x300, v35  }
0x205: {  	v44 =	vld.idx.msk [tilespmem:v44+s9+$0x0], $0xffff;
	v36 =	vor.u32 v35, v45  }
0x206: {  	v45 =	vor.u32 v0, v36  }
0x207: {  	v47 =	vor.u32 v1, v36;
	v38 =	vld.idx.msk [tilespmem:v60+s9+$0x0], $0xffff  }
0x208: {  	v62 =	vor.u32 v12, v41;
	v34 =	vld.idx.msk [tilespmem:v61+s9+$0x0], $0xffff;
	v37 =	vadd.f32 v37, v39  }
0x209: {  	v48 =	vor.u32 v13, v41  }
0x20a: {  	v49 =	vor.u32 v10, v43;
	v44 =	vadd.f32 v44, v46;
	v37 =	vmul.f32 $5.000000000e-01, v37  }
0x20b: {  	v63 =	vor.u32 v11, v43;
	v45 =	vld.idx.msk [tilespmem:v45+s9+$0x0], $0xffff  }
0x20c: {  	v44 =	vmul.f32 $5.000000000e-01, v44;
	v47 =	vld.idx.msk [tilespmem:v47+s9+$0x0], $0xffff;
	[tilespmem:s26+$0x50] =	vst v37  }
0x20d: {  	s24 =	simm.s32 $0x200;
	v52 =	vor.u32 v2, v32;
	v34 =	vadd.f32 v34, v38;
	v53 =	vld.idx.msk [tilespmem:v62+s9+$0x0], $0xffff  }
0x20e: {  	s20 =	simm.s32 $0x180;
	s2 =	sand.u32 $0x7800, s24;
	[tilespmem:s19+$0x40] =	vst v44;
	v54 =	vor.u32 v3, v32;
	v55 =	vld.idx.msk [tilespmem:v48+s9+$0x0], $0xffff  }
0x20f: {  	s20 =	sand.u32 $0x380, s20;
	s2 =	sadd.s32 $0x19000, s2;
	v56 =	vld.idx.msk [tilespmem:v49+s9+$0x0], $0xffff;
	v34 =	vmul.f32 $5.000000000e-01, v34  }
0x210: {  	s20 =	sor.u32 s20, s2;
	v46 =	vld.idx.msk [tilespmem:v63+s9+$0x0], $0xffff  }
0x211: {  	v57 =	vor.u32 v2, v36;
	v45 =	vadd.f32 v47, v45;
	[tilespmem:s20+$0x0] =	vst v34  }
0x212: {  	s21 =	simm.s32 $0x100;
	v58 =	vor.u32 v3, v36;
	v37 =	vld.idx.msk [tilespmem:v52+s9+$0x0], $0xffff  }
0x213: {  	s21 =	sand.u32 $0x300, s21;
	v59 =	vor.u32 v14, v41;
	v45 =	vmul.f32 $5.000000000e-01, v45;
	v39 =	vld.idx.msk [tilespmem:v54+s9+$0x0], $0xffff;
	v38 =	vadd.f32 v55, v53  }
0x214: {  	s21 =	sor.u32 s21, s2;
	v60 =	vor.u32 v15, v41  }
0x215: {  	v61 =	vor.u32 v12, v43;
	v46 =	vadd.f32 v46, v56;
	[tilespmem:s21+$0x0] =	vst v45;
	v38 =	vmul.f32 $5.000000000e-01, v38  }
0x216: {  	v62 =	vor.u32 v13, v43;
	v47 =	vld.idx.msk [tilespmem:v57+s9+$0x0], $0xffff  }
0x217: {  	v46 =	vmul.f32 $5.000000000e-01, v46;
	v34 =	vld.idx.msk [tilespmem:v58+s9+$0x0], $0xffff;
	[tilespmem:s26+$0x60] =	vst v38  }
0x218: {  	v63 =	vor.u32 v4, v32;
	v37 =	vadd.f32 v39, v37;
	v52 =	vld.idx.msk [tilespmem:v59+s9+$0x0], $0xffff  }
0x219: {  	[tilespmem:s19+$0x50] =	vst v46;
	v53 =	vor.u32 v5, v32;
	v54 =	vld.idx.msk [tilespmem:v60+s9+$0x0], $0xffff  }
0x21a: {  	v45 =	vld.idx.msk [tilespmem:v61+s9+$0x0], $0xffff;
	v37 =	vmul.f32 $5.000000000e-01, v37  }
0x21b: {  	v48 =	vld.idx.msk [tilespmem:v62+s9+$0x0], $0xffff  }
0x21c: {  	v55 =	vor.u32 v4, v36;
	v34 =	vadd.f32 v34, v47;
	[tilespmem:s20+$0x10] =	vst v37  }
0x21d: {  	v56 =	vor.u32 v5, v36;
	v38 =	vld.idx.msk [tilespmem:v63+s9+$0x0], $0xffff  }
0x21e: {  	v57 =	vor.u32 v16, v41;
	v34 =	vmul.f32 $5.000000000e-01, v34;
	v44 =	vld.idx.msk [tilespmem:v53+s9+$0x0], $0xffff;
	v39 =	vadd.f32 v54, v52  }
0x21f: {  	v58 =	vor.u32 v17, v41  }
0x220: {  	v59 =	vadd.f32 v48, v45;
	v60 =	vor.u32 v14, v43;
	[tilespmem:s21+$0x10] =	vst v34;
	v39 =	vmul.f32 $5.000000000e-01, v39  }
0x221: {  	v61 =	vor.u32 v15, v43;
	v47 =	vld.idx.msk [tilespmem:v55+s9+$0x0], $0xffff  }
0x222: {  	v34 =	vmul.f32 $5.000000000e-01, v59;
	v37 =	vld.idx.msk [tilespmem:v56+s9+$0x0], $0xffff;
	[tilespmem:s26+$0x70] =	vst v39  }
0x223: {  	v62 =	vor.u32 v6, v32;
	v38 =	vadd.f32 v44, v38;
	v63 =	vld.idx.msk [tilespmem:v57+s9+$0x0], $0xffff  }
0x224: {  	v52 =	vor.u32 v7, v32;
	[tilespmem:s19+$0x60] =	vst v34;
	v53 =	vld.idx.msk [tilespmem:v58+s9+$0x0], $0xffff  }
0x225: {  	v45 =	vld.idx.msk [tilespmem:v60+s9+$0x0], $0xffff;
	v38 =	vmul.f32 $5.000000000e-01, v38  }
0x226: {  	v48 =	vld.idx.msk [tilespmem:v61+s9+$0x0], $0xffff  }
0x227: {  	v54 =	vor.u32 v6, v36;
	v37 =	vadd.f32 v37, v47;
	[tilespmem:s20+$0x20] =	vst v38  }
0x228: {  	v55 =	vor.u32 v7, v36;
	v39 =	vld.idx.msk [tilespmem:v62+s9+$0x0], $0xffff  }
0x229: {  	v56 =	vor.u32 v18, v41;
	v37 =	vmul.f32 $5.000000000e-01, v37;
	v34 =	vld.idx.msk [tilespmem:v52+s9+$0x0], $0xffff;
	v44 =	vadd.f32 v53, v63  }
0x22a: {  	v57 =	vor.u32 v19, v41  }
0x22b: {  	v59 =	vor.u32 v16, v43;
	v58 =	vadd.f32 v48, v45;
	[tilespmem:s21+$0x20] =	vst v37;
	v44 =	vmul.f32 $5.000000000e-01, v44  }
0x22c: {  	v60 =	vor.u32 v17, v43;
	v47 =	vld.idx.msk [tilespmem:v54+s9+$0x0], $0xffff  }
0x22d: {  	v37 =	vmul.f32 $5.000000000e-01, v58;
	v38 =	vld.idx.msk [tilespmem:v55+s9+$0x0], $0xffff;
	[tilespmem:s26+$0x400] =	vst v44  }
0x22e: {  	v61 =	vor.u32 v8, v32;
	v34 =	vadd.f32 v34, v39;
	v44 =	vld.idx.msk [tilespmem:v56+s9+$0x0], $0xffff  }
0x22f: {  	v62 =	vor.u32 v9, v32;
	[tilespmem:s19+$0x70] =	vst v37;
	v49 =	vld.idx.msk [tilespmem:v57+s9+$0x0], $0xffff  }
0x230: {  	v45 =	vld.idx.msk [tilespmem:v59+s9+$0x0], $0xffff;
	v34 =	vmul.f32 $5.000000000e-01, v34  }
0x231: {  	s25 =	simm.s32 $0x4;
	v48 =	vld.idx.msk [tilespmem:v60+s9+$0x0], $0xffff  }
0x232: {  	v50 =	vmov s25;
	[tilespmem:s20+$0x30] =	vst v34  }
0x233: {  	v52 =	vor.u32 v21, v41;
	v63 =	vshll.u32 v50, $0x7;
	v56 =	vld.idx.msk [tilespmem:v61+s9+$0x0], $0xffff  }
0x234: {  	v37 =	vshll.u32 v50, $0x9;
	v59 =	vor.u32 v20, v41;
	v46 =	vld.idx.msk [tilespmem:v62+s9+$0x0], $0xffff;
	v44 =	vadd.f32 v49, v44  }
0x235: {  	v53 =	vor.u32 v19, v43;
	v54 =	vor.u32 v11, v32;
	v51 =	vand.u32 $0xF000, v37  }
0x236: {  	v58 =	vadd.f32 v38, v47;
	v60 =	vadd.f32 v48, v45;
	v44 =	vmul.f32 $5.000000000e-01, v44  }
0x237: {  	s28 =	simm.s32 $0x5;
	v38 =	vand.u32 $0x300, v63;
	v63 =	vor.u32 v18, v43;
	v61 =	vor.u32 v9, v36  }
0x238: {  	v57 =	vmov s28;
	v34 =	vmul.f32 $5.000000000e-01, v60;
	v49 =	vor.u32 v8, v36;
	[tilespmem:s26+$0x410] =	vst v44  }
0x239: {  	v62 =	vmul.f32 $5.000000000e-01, v58;
	v58 =	vor.u32 v10, v32;
	v46 =	vadd.f32 v46, v56;
	v47 =	vld.idx.msk [tilespmem:v59+s9+$0x0], $0xffff  }
0x23a: {  	v39 =	vor.u32 v38, v51;
	[tilespmem:s19+$0x400] =	vst v34;
	v44 =	vshll.u32 v57, $0x7;
	v59 =	vshll.u32 v57, $0x9;
	v52 =	vld.idx.msk [tilespmem:v52+s9+$0x0], $0xffff  }
0x23b: {  	[tilespmem:s21+$0x30] =	vst v62;
	v53 =	vld.idx.msk [tilespmem:v53+s9+$0x0], $0xffff;
	v46 =	vmul.f32 $5.000000000e-01, v46;
	v44 =	vand.u32 $0x380, v44;
	v48 =	vand.u32 $0xF000, v59  }
0x23c: {  	v55 =	vor.u32 v0, v39;
	v45 =	vld.idx.msk [tilespmem:v61+s9+$0x0], $0xffff;
	v34 =	vor.u32 v44, v48  }
0x23d: {  	v49 =	vld.idx.msk [tilespmem:v49+s9+$0x0], $0xffff;
	[tilespmem:s20+$0x40] =	vst v46;
	v46 =	vor.u32 v0, v34  }
0x23e: {  	v48 =	vld.idx.msk [tilespmem:v58+s9+$0x0], $0xffff;
	v60 =	vor.u32 v1, v34  }
0x23f: {  	v62 =	vor.u32 v22, v41;
	v61 =	vld.idx.msk [tilespmem:v54+s9+$0x0], $0xffff;
	v47 =	vadd.f32 v52, v47  }
0x240: {  	v44 =	vld.idx.msk [tilespmem:v63+s9+$0x0], $0xffff;
	v63 =	vor.u32 v23, v41  }
0x241: {  	v55 =	vld.idx.msk [tilespmem:v55+s9+$0x0], $0xffff;
	v56 =	vor.u32 v1, v39;
	v47 =	vmul.f32 $5.000000000e-01, v47  }
0x242: {  	v57 =	vor.u32 v10, v36;
	v45 =	vadd.f32 v45, v49;
	v46 =	vld.idx.msk [tilespmem:v46+s9+$0x0], $0xffff  }
0x243: {  	v49 =	vor.u32 v11, v36;
	v50 =	vld.idx.msk [tilespmem:v60+s9+$0x0], $0xffff;
	[tilespmem:s26+$0x420] =	vst v47  }
0x244: {  	v45 =	vmul.f32 $5.000000000e-01, v45;
	v60 =	vadd.f32 v61, v48;
	v61 =	vor.u32 v12, v32;
	v51 =	vld.idx.msk [tilespmem:v62+s9+$0x0], $0xffff  }
0x245: {  	v62 =	vor.u32 v13, v32;
	v54 =	vld.idx.msk [tilespmem:v63+s9+$0x0], $0xffff  }
0x246: {  	v56 =	vld.idx.msk [tilespmem:v56+s9+$0x0], $0xffff;
	v44 =	vadd.f32 v53, v44;
	[tilespmem:s21+$0x40] =	vst v45;
	v45 =	vor.u32 v20, v43;
	v47 =	vmul.f32 $5.000000000e-01, v60  }
0x247: {  	v53 =	vld.idx.msk [tilespmem:v57+s9+$0x0], $0xffff;
	v63 =	vor.u32 v21, v43  }
0x248: {  	s24 =	simm.s32 $0x400;
	v44 =	vmul.f32 $5.000000000e-01, v44;
	v49 =	vld.idx.msk [tilespmem:v49+s9+$0x0], $0xffff;
	[tilespmem:s20+$0x50] =	vst v47;
	v47 =	vor.u32 v2, v34;
	v46 =	vadd.f32 v50, v46  }
0x249: {  	s29 =	sand.u32 $0x7800, s24;
	s25 =	simm.s32 $0x280;
	v60 =	vor.u32 v3, v34;
	v48 =	vld.idx.msk [tilespmem:v61+s9+$0x0], $0xffff  }
0x24a: {  	s2 =	sadd.s32 $0x19000, s29;
	s22 =	sand.u32 $0x380, s25;
	[tilespmem:s19+$0x410] =	vst v44;
	v61 =	vld.idx.msk [tilespmem:v62+s9+$0x0], $0xffff;
	v46 =	vmul.f32 $5.000000000e-01, v46;
	v51 =	vadd.f32 v54, v51;
	v62 =	vor.u32 v24, v41  }
0x24b: {  	s22 =	sor.u32 s22, s2;
	v45 =	vld.idx.msk [tilespmem:v45+s9+$0x0], $0xffff;
	v54 =	vor.u32 v25, v41  }
0x24c: {  	v55 =	vadd.f32 v56, v55;
	v57 =	vld.idx.msk [tilespmem:v63+s9+$0x0], $0xffff;
	v63 =	vor.u32 v2, v39;
	[tilespmem:s22+$0x0] =	vst v46;
	v59 =	vmul.f32 $5.000000000e-01, v51  }
0x24d: {  	s23 =	simm.s32 $0x200;
	v51 =	vor.u32 v3, v39;
	v47 =	vld.idx.msk [tilespmem:v47+s9+$0x0], $0xffff  }
0x24e: {  	s23 =	sand.u32 $0x300, s23;
	v55 =	vmul.f32 $5.000000000e-01, v55;
	v49 =	vadd.f32 v49, v53;
	v50 =	vld.idx.msk [tilespmem:v60+s9+$0x0], $0xffff;
	v60 =	vor.u32 v12, v36;
	[tilespmem:s26+$0x430] =	vst v59  }
0x24f: {  	s23 =	sor.u32 s23, s2;
	v44 =	vadd.f32 v61, v48;
	v61 =	vor.u32 v14, v32;
	v48 =	vld.idx.msk [tilespmem:v62+s9+$0x0], $0xffff  }
0x250: {  	[tilespmem:s23+$0x0] =	vst v55;
	v49 =	vmul.f32 $5.000000000e-01, v49;
	v62 =	vor.u32 v15, v32;
	v54 =	vld.idx.msk [tilespmem:v54+s9+$0x0], $0xffff  }
0x251: {  	v55 =	vld.idx.msk [tilespmem:v63+s9+$0x0], $0xffff;
	v63 =	vor.u32 v13, v36;
	v44 =	vmul.f32 $5.000000000e-01, v44  }
0x252: {  	[tilespmem:s21+$0x50] =	vst v49;
	v45 =	vadd.f32 v57, v45;
	v57 =	vor.u32 v22, v43;
	v49 =	vld.idx.msk [tilespmem:v51+s9+$0x0], $0xffff  }
0x253: {  	v43 =	vor.u32 v23, v43;
	v53 =	vld.idx.msk [tilespmem:v60+s9+$0x0], $0xffff;
	[tilespmem:s20+$0x60] =	vst v44  }
0x254: {  	v58 =	vmul.f32 $5.000000000e-01, v45;
	v59 =	vadd.f32 v50, v47;
	v47 =	vor.u32 v4, v34;
	v46 =	vld.idx.msk [tilespmem:v61+s9+$0x0], $0xffff  }
0x255: {  	v60 =	vor.u32 v5, v34;
	v52 =	vld.idx.msk [tilespmem:v62+s9+$0x0], $0xffff  }
0x256: {  	[tilespmem:s19+$0x420] =	vst v58;
	v61 =	vmul.f32 $5.000000000e-01, v59;
	v45 =	vld.idx.msk [tilespmem:v63+s9+$0x0], $0xffff;
	v48 =	vadd.f32 v54, v48;
	v62 =	vor.u32 v26, v41  }
0x257: {  	v51 =	vld.idx.msk [tilespmem:v57+s9+$0x0], $0xffff;
	v63 =	vor.u32 v27, v41  }
0x258: {  	v43 =	vld.idx.msk [tilespmem:v43+s9+$0x0], $0xffff;
	v49 =	vadd.f32 v49, v55;
	v55 =	vor.u32 v4, v39;
	[tilespmem:s22+$0x10] =	vst v61;
	v58 =	vmul.f32 $5.000000000e-01, v48  }
0x259: {  	v59 =	vor.u32 v5, v39;
	v47 =	vld.idx.msk [tilespmem:v47+s9+$0x0], $0xffff  }
0x25a: {  	v61 =	vor.u32 v16, v32;
	v50 =	vld.idx.msk [tilespmem:v60+s9+$0x0], $0xffff;
	v49 =	vmul.f32 $5.000000000e-01, v49;
	[tilespmem:s26+$0x440] =	vst v58;
	v60 =	vadd.f32 v52, v46  }
0x25b: {  	v52 =	vld.idx.msk [tilespmem:v62+s9+$0x0], $0xffff;
	v62 =	vor.u32 v17, v32  }
0x25c: {  	v57 =	vor.u32 v14, v36;
	v45 =	vadd.f32 v45, v53;
	v63 =	vld.idx.msk [tilespmem:v63+s9+$0x0], $0xffff;
	[tilespmem:s23+$0x10] =	vst v49;
	v44 =	vmul.f32 $5.000000000e-01, v60  }
0x25d: {  	v40 =	vor.u32 v42, v40;
	v58 =	vor.u32 v15, v36;
	v55 =	vld.idx.msk [tilespmem:v55+s9+$0x0], $0xffff  }
0x25e: {  	v43 =	vadd.f32 v43, v51;
	v48 =	vld.idx.msk [tilespmem:v59+s9+$0x0], $0xffff;
	v45 =	vmul.f32 $5.000000000e-01, v45;
	v59 =	vor.u32 v24, v40;
	[tilespmem:s20+$0x70] =	vst v44  }
0x25f: {  	v47 =	vadd.f32 v50, v47;
	v50 =	vor.u32 v6, v34;
	v46 =	vld.idx.msk [tilespmem:v61+s9+$0x0], $0xffff  }
0x260: {  	v43 =	vmul.f32 $5.000000000e-01, v43;
	v60 =	vor.u32 v7, v34;
	[tilespmem:s21+$0x60] =	vst v45;
	v61 =	vld.idx.msk [tilespmem:v62+s9+$0x0], $0xffff  }
0x261: {  	v47 =	vmul.f32 $5.000000000e-01, v47;
	v53 =	vld.idx.msk [tilespmem:v57+s9+$0x0], $0xffff;
	v49 =	vadd.f32 v63, v52;
	v62 =	vor.u32 v28, v41  }
0x262: {  	[tilespmem:s19+$0x430] =	vst v43;
	v42 =	vld.idx.msk [tilespmem:v58+s9+$0x0], $0xffff;
	v63 =	vor.u32 v29, v41  }
0x263: {  	v57 =	vor.u32 v6, v39;
	v48 =	vadd.f32 v48, v55;
	[tilespmem:s22+$0x20] =	vst v47;
	v44 =	vld.idx.msk [tilespmem:v59+s9+$0x0], $0xffff;
	v58 =	vmul.f32 $5.000000000e-01, v49  }
0x264: {  	v59 =	vor.u32 v7, v39;
	v50 =	vld.idx.msk [tilespmem:v50+s9+$0x0], $0xffff  }
0x265: {  	v45 =	vld.idx.msk [tilespmem:v60+s9+$0x0], $0xffff;
	v60 =	vor.u32 v25, v40;
	v48 =	vmul.f32 $5.000000000e-01, v48;
	[tilespmem:s26+$0x450] =	vst v58  }
0x266: {  	v46 =	vadd.f32 v61, v46;
	v61 =	vor.u32 v18, v32;
	v51 =	vld.idx.msk [tilespmem:v62+s9+$0x0], $0xffff  }
0x267: {  	v62 =	vor.u32 v19, v32;
	v43 =	vld.idx.msk [tilespmem:v63+s9+$0x0], $0xffff;
	[tilespmem:s23+$0x20] =	vst v48  }
0x268: {  	v58 =	vor.u32 v17, v36;
	v42 =	vadd.f32 v42, v53;
	v63 =	vld.idx.msk [tilespmem:v57+s9+$0x0], $0xffff;
	v46 =	vmul.f32 $5.000000000e-01, v46  }
0x269: {  	v57 =	vor.u32 v16, v36;
	v49 =	vld.idx.msk [tilespmem:v59+s9+$0x0], $0xffff  }
0x26a: {  	v42 =	vmul.f32 $5.000000000e-01, v42;
	v59 =	vor.u32 v8, v34;
	v45 =	vadd.f32 v45, v50;
	[tilespmem:s20+$0x400] =	vst v46;
	v46 =	vld.idx.msk [tilespmem:v60+s9+$0x0], $0xffff  }
0x26b: {  	v60 =	vor.u32 v9, v34;
	v47 =	vld.idx.msk [tilespmem:v61+s9+$0x0], $0xffff  }
0x26c: {  	[tilespmem:s21+$0x70] =	vst v42;
	v48 =	vld.idx.msk [tilespmem:v62+s9+$0x0], $0xffff;
	v61 =	vmul.f32 $5.000000000e-01, v45;
	v43 =	vadd.f32 v43, v51;
	v45 =	vor.u32 v30, v41  }
0x26d: {  	v41 =	vor.u32 v31, v41;
	v62 =	vld.idx.msk [tilespmem:v58+s9+$0x0], $0xffff  }
0x26e: {  	v51 =	vld.idx.msk [tilespmem:v57+s9+$0x0], $0xffff;
	v49 =	vadd.f32 v49, v63;
	v63 =	vor.u32 v8, v39;
	[tilespmem:s22+$0x30] =	vst v61;
	v57 =	vmul.f32 $5.000000000e-01, v43  }
0x26f: {  	v56 =	vor.u32 v19, v36;
	v54 =	vor.u32 v9, v39;
	v50 =	vld.idx.msk [tilespmem:v59+s9+$0x0], $0xffff  }
0x270: {  	v44 =	vadd.f32 v46, v44;
	v59 =	vmul.f32 $5.000000000e-01, v49;
	v49 =	vld.idx.msk [tilespmem:v60+s9+$0x0], $0xffff;
	v60 =	vor.u32 v26, v40;
	[tilespmem:s26+$0x460] =	vst v57  }
0x271: {  	s30 =	simm.s32 $0x6;
	v53 =	vor.u32 v27, v40;
	v61 =	vor.u32 v20, v32;
	v47 =	vadd.f32 v48, v47;
	v45 =	vld.idx.msk [tilespmem:v45+s9+$0x0], $0xffff  }
0x272: {  	v58 =	vmov s30;
	v46 =	vor.u32 v21, v32;
	v57 =	vld.idx.msk [tilespmem:v41+s9+$0x0], $0xffff;
	v44 =	vmul.f32 $5.000000000e-01, v44;
	[tilespmem:s23+$0x30] =	vst v59  }
0x273: {  	v52 =	vld.idx.msk [tilespmem:v63+s9+$0x0], $0xffff;
	v62 =	vadd.f32 v62, v51;
	v51 =	vor.u32 v18, v36;
	v47 =	vmul.f32 $5.000000000e-01, v47  }
0x274: {  	v42 =	vshll.u32 v58, $0x9;
	v43 =	vshll.u32 v58, $0x7;
	v58 =	vor.u32 v10, v39;
	v54 =	vld.idx.msk [tilespmem:v54+s9+$0x0], $0xffff;
	[tilespmem:s19+$0x440] =	vst v44  }
0x275: {  	v43 =	vand.u32 $0x300, v43;
	v63 =	vand.u32 $0xF000, v42;
	v41 =	vmul.f32 $5.000000000e-01, v62;
	[tilespmem:s20+$0x410] =	vst v47;
	v47 =	vld.idx.msk [tilespmem:v60+s9+$0x0], $0xffff  }
0x276: {  	s31 =	simm.s32 $0x7;
	v44 =	vor.u32 v43, v63;
	v49 =	vadd.f32 v49, v50;
	v50 =	vor.u32 v10, v34;
	v48 =	vld.idx.msk [tilespmem:v61+s9+$0x0], $0xffff  }
0x277: {  	v59 =	vmov s31;
	v55 =	vor.u32 v0, v44;
	v60 =	vor.u32 v11, v34;
	v46 =	vld.idx.msk [tilespmem:v46+s9+$0x0], $0xffff;
	[tilespmem:s21+$0x400] =	vst v41  }
0x278: {  	v41 =	vshll.u32 v59, $0x9;
	v59 =	vshll.u32 v59, $0x7;
	v49 =	vmul.f32 $5.000000000e-01, v49;
	v61 =	vld.idx.msk [tilespmem:v51+s9+$0x0], $0xffff  }
0x279: {  	v51 =	vor.u32 v1, v44;
	v41 =	vand.u32 $0xF000, v41;
	v59 =	vand.u32 $0x380, v59;
	v62 =	vld.idx.msk [tilespmem:v56+s9+$0x0], $0xffff  }
0x27a: {  	v52 =	vadd.f32 v54, v52;
	v41 =	vor.u32 v59, v41;
	[tilespmem:s22+$0x40] =	vst v49;
	v49 =	vld.idx.msk [tilespmem:v53+s9+$0x0], $0xffff  }
0x27b: {  	v50 =	vld.idx.msk [tilespmem:v50+s9+$0x0], $0xffff;
	v54 =	vor.u32 v1, v41  }
0x27c: {  	v53 =	vor.u32 v0, v41;
	v52 =	vmul.f32 $5.000000000e-01, v52;
	v59 =	vld.idx.msk [tilespmem:v60+s9+$0x0], $0xffff  }
0x27d: {  	v55 =	vld.idx.msk [tilespmem:v55+s9+$0x0], $0xffff;
	v46 =	vadd.f32 v46, v48;
	v48 =	vor.u32 v22, v32  }
0x27e: {  	[tilespmem:s23+$0x40] =	vst v52;
	v52 =	vor.u32 v23, v32;
	v56 =	vld.idx.msk [tilespmem:v51+s9+$0x0], $0xffff;
	v61 =	vadd.f32 v62, v61  }
0x27f: {  	v60 =	vor.u32 v11, v39;
	v51 =	vld.idx.msk [tilespmem:v58+s9+$0x0], $0xffff;
	v46 =	vmul.f32 $5.000000000e-01, v46  }
0x280: {  	v45 =	vadd.f32 v57, v45;
	v62 =	vor.u32 v20, v36;
	v58 =	vld.idx.msk [tilespmem:v54+s9+$0x0], $0xffff;
	v54 =	vmul.f32 $5.000000000e-01, v61  }
0x281: {  	v63 =	vor.u32 v21, v36;
	v49 =	vadd.f32 v49, v47;
	v57 =	vld.idx.msk [tilespmem:v53+s9+$0x0], $0xffff;
	[tilespmem:s20+$0x420] =	vst v46  }
0x282: {  	v45 =	vmul.f32 $5.000000000e-01, v45;
	v50 =	vadd.f32 v59, v50;
	v47 =	vld.idx.msk [tilespmem:v48+s9+$0x0], $0xffff;
	[tilespmem:s21+$0x410] =	vst v54;
	v54 =	vor.u32 v12, v34  }
0x283: {  	v53 =	vor.u32 v13, v34;
	v59 =	vmul.f32 $5.000000000e-01, v49;
	v49 =	vld.idx.msk [tilespmem:v52+s9+$0x0], $0xffff  }
0x284: {  	[tilespmem:s26+$0x470] =	vst v45;
	v52 =	vld.idx.msk [tilespmem:v60+s9+$0x0], $0xffff;
	v61 =	vmul.f32 $5.000000000e-01, v50;
	v50 =	vor.u32 v28, v40  }
0x285: {  	v48 =	vor.u32 v29, v40;
	[tilespmem:s19+$0x450] =	vst v59;
	v45 =	vld.idx.msk [tilespmem:v62+s9+$0x0], $0xffff  }
0x286: {  	s26 =	simm.s32 $0x8;
	v46 =	vld.idx.msk [tilespmem:v63+s9+$0x0], $0xffff;
	[tilespmem:s22+$0x50] =	vst v61  }
.LBB2_9:
0x287: {  	p0 =	slt.u32 s26, $0x4E;
	v57 =	vadd.f32 v58, v57;
	v58 =	vor.u32 v2, v41;
	v54 =	vld.idx.msk [tilespmem:v54+s9+$0x0], $0xffff;
	s24 =	sadd.s32 $0x200, s24  }
0x288: {  	v55 =	vadd.f32 v56, v55;
	v56 =	vor.u32 v3, v41;
	s25 =	sadd.s32 $0x100, s25;
	s2 =	sand.u32 $0x7800, s24;
	v53 =	vld.idx.msk [tilespmem:v53+s9+$0x0], $0xffff  }
0x289: {  	s28 =	sadd.s32 $0xFFFFFF80, s25;
	s29 =	sand.u32 $0x380, s25;
	v47 =	vadd.f32 v49, v47;
	v49 =	vor.u32 v24, v32;
	s2 =	sadd.s32 $0x19000, s2;
	v57 =	vmul.f32 $5.000000000e-01, v57;
	v50 =	vld.idx.msk [tilespmem:v50+s9+$0x0], $0xffff  }
0x28a: {  	v55 =	vmul.f32 $5.000000000e-01, v55;
	s30 =	sand.u32 $0x300, s28;
	v51 =	vadd.f32 v52, v51;
	v52 =	vor.u32 v25, v32;
	s28 =	sor.u32 s29, s2;
	v48 =	vld.idx.msk [tilespmem:v48+s9+$0x0], $0xffff  }
0x28b: {  	v59 =	vor.u32 v2, v44;
	s29 =	sor.u32 s30, s2;
	v47 =	vmul.f32 $5.000000000e-01, v47;
	[tilespmem:s28+$0x0] =	vst v57  }
0x28c: {  	v51 =	vmul.f32 $5.000000000e-01, v51;
	v45 =	vadd.f32 v46, v45;
	[tilespmem:s29+$0x0] =	vst v55;
	v55 =	vor.u32 v3, v44;
	v57 =	vld.idx.msk [tilespmem:v58+s9+$0x0], $0xffff  }
0x28d: {  	v46 =	vld.idx.msk [tilespmem:v56+s9+$0x0], $0xffff;
	v56 =	vor.u32 v12, v39;
	[tilespmem:s20+$0x430] =	vst v47  }
0x28e: {  	v47 =	vadd.f32 v53, v54;
	v45 =	vmul.f32 $5.000000000e-01, v45;
	[tilespmem:s23+$0x50] =	vst v51;
	v51 =	vor.u32 v14, v34;
	v49 =	vld.idx.msk [tilespmem:v49+s9+$0x0], $0xffff  }
0x28f: {  	v53 =	vor.u32 v15, v34;
	v52 =	vld.idx.msk [tilespmem:v52+s9+$0x0], $0xffff  }
0x290: {  	v58 =	vor.u32 v13, v39;
	v47 =	vmul.f32 $5.000000000e-01, v47;
	v54 =	vld.idx.msk [tilespmem:v59+s9+$0x0], $0xffff;
	[tilespmem:s21+$0x420] =	vst v45;
	v45 =	vadd.f32 v48, v50  }
0x291: {  	v50 =	vor.u32 v22, v36;
	v48 =	vld.idx.msk [tilespmem:v55+s9+$0x0], $0xffff  }
0x292: {  	v55 =	vld.idx.msk [tilespmem:v56+s9+$0x0], $0xffff;
	[tilespmem:s22+$0x60] =	vst v47;
	v47 =	vor.u32 v23, v36;
	v45 =	vmul.f32 $5.000000000e-01, v45;
	v36 =	vmovc v39;
	v39 =	vmov v44  }
0x293: {  	v44 =	vadd.f32 v46, v57;
	v46 =	vor.u32 v4, v41;
	v51 =	vld.idx.msk [tilespmem:v51+s9+$0x0], $0xffff  }
0x294: {  	v56 =	vor.u32 v5, v41;
	v53 =	vld.idx.msk [tilespmem:v53+s9+$0x0], $0xffff;
	[tilespmem:s19+$0x460] =	vst v45  }
0x295: {  	v44 =	vmul.f32 $5.000000000e-01, v44;
	v49 =	vadd.f32 v52, v49;
	v52 =	vor.u32 v26, v32;
	v45 =	vld.idx.msk [tilespmem:v58+s9+$0x0], $0xffff  }
0x296: {  	v57 =	vor.u32 v27, v32;
	v50 =	vld.idx.msk [tilespmem:v50+s9+$0x0], $0xffff  }
0x297: {  	v48 =	vadd.f32 v48, v54;
	v54 =	vor.u32 v4, v39;
	[tilespmem:s28+$0x10] =	vst v44;
	v44 =	vld.idx.msk [tilespmem:v47+s9+$0x0], $0xffff;
	v47 =	vmul.f32 $5.000000000e-01, v49  }
0x298: {  	v49 =	vor.u32 v5, v39;
	v46 =	vld.idx.msk [tilespmem:v46+s9+$0x0], $0xffff  }
0x299: {  	v48 =	vmul.f32 $5.000000000e-01, v48;
	v56 =	vld.idx.msk [tilespmem:v56+s9+$0x0], $0xffff;
	[tilespmem:s20+$0x440] =	vst v47;
	v47 =	vor.u32 v30, v40  }
0x29a: {  	v51 =	vadd.f32 v53, v51;
	v53 =	vor.u32 v16, v34;
	v52 =	vld.idx.msk [tilespmem:v52+s9+$0x0], $0xffff  }
0x29b: {  	v45 =	vadd.f32 v45, v55;
	[tilespmem:s29+$0x10] =	vst v48;
	v48 =	vor.u32 v17, v34;
	v55 =	vld.idx.msk [tilespmem:v57+s9+$0x0], $0xffff  }
0x29c: {  	v58 =	vor.u32 v35, v33;
	v33 =	vmovc v37;
	v57 =	vor.u32 v14, v36;
	v51 =	vmul.f32 $5.000000000e-01, v51;
	v54 =	vld.idx.msk [tilespmem:v54+s9+$0x0], $0xffff  }
0x29d: {  	v59 =	vor.u32 v15, v36;
	v37 =	vmovc v42;
	v45 =	vmul.f32 $5.000000000e-01, v45;
	v44 =	vadd.f32 v44, v50;
	v49 =	vld.idx.msk [tilespmem:v49+s9+$0x0], $0xffff  }
0x29e: {  	v35 =	vmov v38;
	v38 =	vmov v43;
	v42 =	vor.u32 v24, v58;
	[tilespmem:s22+$0x70] =	vst v51;
	v47 =	vld.idx.msk [tilespmem:v47+s9+$0x0], $0xffff  }
0x29f: {  	v43 =	vadd.f32 v56, v46;
	v46 =	vor.u32 v6, v41;
	v44 =	vmul.f32 $5.000000000e-01, v44;
	[tilespmem:s23+$0x60] =	vst v45;
	v45 =	vld.idx.msk [tilespmem:v53+s9+$0x0], $0xffff  }
0x2a0: {  	v50 =	vor.u32 v7, v41;
	v48 =	vld.idx.msk [tilespmem:v48+s9+$0x0], $0xffff  }
0x2a1: {  	v43 =	vmul.f32 $5.000000000e-01, v43;
	v51 =	vld.idx.msk [tilespmem:v57+s9+$0x0], $0xffff;
	[tilespmem:s21+$0x430] =	vst v44;
	v44 =	vadd.f32 v55, v52;
	v52 =	vor.u32 v28, v32  }
0x2a2: {  	v55 =	vor.u32 v29, v32;
	v53 =	vld.idx.msk [tilespmem:v59+s9+$0x0], $0xffff  }
0x2a3: {  	v49 =	vadd.f32 v49, v54;
	v54 =	vor.u32 v6, v39;
	[tilespmem:s28+$0x20] =	vst v43;
	v43 =	vld.idx.msk [tilespmem:v42+s9+$0x0], $0xffff;
	v42 =	vmul.f32 $5.000000000e-01, v44  }
0x2a4: {  	v44 =	vor.u32 v7, v39;
	v46 =	vld.idx.msk [tilespmem:v46+s9+$0x0], $0xffff  }
0x2a5: {  	v56 =	vor.u32 v25, v58;
	v49 =	vmul.f32 $5.000000000e-01, v49;
	v50 =	vld.idx.msk [tilespmem:v50+s9+$0x0], $0xffff;
	[tilespmem:s20+$0x450] =	vst v42  }
0x2a6: {  	v42 =	vadd.f32 v48, v45;
	v45 =	vor.u32 v18, v34;
	v48 =	vld.idx.msk [tilespmem:v52+s9+$0x0], $0xffff  }
0x2a7: {  	[tilespmem:s29+$0x20] =	vst v49;
	v49 =	vor.u32 v19, v34;
	v52 =	vld.idx.msk [tilespmem:v55+s9+$0x0], $0xffff  }
0x2a8: {  	v51 =	vadd.f32 v53, v51;
	v53 =	vor.u32 v16, v36;
	v42 =	vmul.f32 $5.000000000e-01, v42;
	v54 =	vld.idx.msk [tilespmem:v54+s9+$0x0], $0xffff  }
0x2a9: {  	v55 =	vor.u32 v17, v36;
	v44 =	vld.idx.msk [tilespmem:v44+s9+$0x0], $0xffff  }
0x2aa: {  	v57 =	vor.u32 v31, v40;
	v40 =	vmov v58;
	v51 =	vmul.f32 $5.000000000e-01, v51;
	[tilespmem:s22+$0x400] =	vst v42;
	v56 =	vld.idx.msk [tilespmem:v56+s9+$0x0], $0xffff  }
0x2ab: {  	v42 =	vadd.f32 v50, v46;
	v46 =	vor.u32 v8, v41;
	v45 =	vld.idx.msk [tilespmem:v45+s9+$0x0], $0xffff  }
0x2ac: {  	v58 =	vor.u32 v9, v41;
	v50 =	vmov s26;
	[tilespmem:s23+$0x70] =	vst v51;
	v49 =	vld.idx.msk [tilespmem:v49+s9+$0x0], $0xffff  }
0x2ad: {  	v51 =	vmul.f32 $5.000000000e-01, v42;
	v48 =	vadd.f32 v52, v48;
	v52 =	vor.u32 v30, v32;
	v53 =	vld.idx.msk [tilespmem:v53+s9+$0x0], $0xffff  }
0x2ae: {  	v59 =	vor.u32 v31, v32;
	v42 =	vshll.u32 v50, $0x9;
	v50 =	vshll.u32 v50, $0x7;
	v32 =	vmovc v34;
	v34 =	vmovc v41;
	v55 =	vld.idx.msk [tilespmem:v55+s9+$0x0], $0xffff  }
0x2af: {  	v41 =	vadd.f32 v44, v54;
	v54 =	vor.u32 v8, v39;
	v44 =	vmul.f32 $5.000000000e-01, v48;
	[tilespmem:s28+$0x30] =	vst v51;
	v48 =	vld.idx.msk [tilespmem:v57+s9+$0x0], $0xffff  }
0x2b0: {  	v51 =	vand.u32 $0xF000, v42;
	v57 =	vor.u32 v9, v39;
	v56 =	vadd.f32 v56, v43;
	v46 =	vld.idx.msk [tilespmem:v46+s9+$0x0], $0xffff  }
0x2b1: {  	v43 =	vand.u32 $0x300, v50;
	v41 =	vmul.f32 $5.000000000e-01, v41;
	v50 =	vld.idx.msk [tilespmem:v58+s9+$0x0], $0xffff;
	v58 =	vor.u32 v26, v40;
	[tilespmem:s20+$0x460] =	vst v44  }
0x2b2: {  	v45 =	vadd.f32 v49, v45;
	v49 =	vor.u32 v20, v32;
	v56 =	vmul.f32 $5.000000000e-01, v56;
	v52 =	vld.idx.msk [tilespmem:v52+s9+$0x0], $0xffff  }
0x2b3: {  	v44 =	vor.u32 v43, v51;
	[tilespmem:s29+$0x30] =	vst v41;
	v41 =	vor.u32 v21, v32;
	v51 =	vld.idx.msk [tilespmem:v59+s9+$0x0], $0xffff  }
0x2b4: {  	v53 =	vadd.f32 v55, v53;
	v55 =	vor.u32 v18, v36;
	v45 =	vmul.f32 $5.000000000e-01, v45;
	v54 =	vld.idx.msk [tilespmem:v54+s9+$0x0], $0xffff;
	[tilespmem:s21+$0x440] =	vst v56  }
0x2b5: {  	v59 =	vor.u32 v27, v40;
	v47 =	vadd.f32 v48, v47;
	v56 =	vld.idx.msk [tilespmem:v57+s9+$0x0], $0xffff;
	v57 =	vor.u32 v19, v36  }
0x2b6: {  	s2 =	sadd.s32 $0x1, s26;
	v60 =	vor.u32 v10, v39;
	v48 =	vor.u32 v0, v44;
	v53 =	vmul.f32 $5.000000000e-01, v53;
	[tilespmem:s22+$0x410] =	vst v45;
	v45 =	vld.idx.msk [tilespmem:v58+s9+$0x0], $0xffff  }
0x2b7: {  	v58 =	vmov s2;
	v46 =	vadd.f32 v50, v46;
	v50 =	vor.u32 v10, v34;
	v49 =	vld.idx.msk [tilespmem:v49+s9+$0x0], $0xffff  }
0x2b8: {  	v62 =	vor.u32 v11, v34;
	v61 =	vshll.u32 v58, $0x9;
	[tilespmem:s23+$0x400] =	vst v53;
	v53 =	vld.idx.msk [tilespmem:v41+s9+$0x0], $0xffff;
	v41 =	vmul.f32 $5.000000000e-01, v47  }
0x2b9: {  	v47 =	vshll.u32 v58, $0x7;
	v46 =	vmul.f32 $5.000000000e-01, v46;
	v51 =	vadd.f32 v51, v52;
	v58 =	vld.idx.msk [tilespmem:v55+s9+$0x0], $0xffff  }
0x2ba: {  	v52 =	vor.u32 v1, v44;
	v55 =	vand.u32 $0xF000, v61;
	v47 =	vand.u32 $0x380, v47;
	v57 =	vld.idx.msk [tilespmem:v57+s9+$0x0], $0xffff;
	[tilespmem:s19+$0x470] =	vst v41;
	s19 =	smov.u32 s21;
	s21 =	smov.u32 s23;
	s23 =	smov.u32 s29  }
0x2bb: {  	v41 =	vor.u32 v47, v55;
	v47 =	vadd.f32 v56, v54;
	v51 =	vmul.f32 $5.000000000e-01, v51;
	[tilespmem:s28+$0x40] =	vst v46;
	v46 =	vld.idx.msk [tilespmem:v59+s9+$0x0], $0xffff  }
0x2bc: {  	v54 =	vor.u32 v0, v41;
	v50 =	vld.idx.msk [tilespmem:v50+s9+$0x0], $0xffff  }
0x2bd: {  	v59 =	vor.u32 v1, v41;
	v47 =	vmul.f32 $5.000000000e-01, v47;
	v61 =	vld.idx.msk [tilespmem:v62+s9+$0x0], $0xffff;
	[tilespmem:s20+$0x470] =	vst v51;
	s20 =	smov.u32 s22;
	s22 =	smov.u32 s28  }
0x2be: {  	v55 =	vld.idx.msk [tilespmem:v48+s9+$0x0], $0xffff;
	v48 =	vadd.f32 v53, v49;
	v49 =	vor.u32 v22, v32  }
0x2bf: {  	v56 =	vld.idx.msk [tilespmem:v52+s9+$0x0], $0xffff;
	[tilespmem:s23+$0x40] =	vst v47;
	v52 =	vor.u32 v23, v32  }
0x2c0: {  	v47 =	vadd.f32 v57, v58;
	v51 =	vld.idx.msk [tilespmem:v60+s9+$0x0], $0xffff;
	v60 =	vor.u32 v11, v39;
	v48 =	vmul.f32 $5.000000000e-01, v48  }
0x2c1: {  	v62 =	vor.u32 v20, v36;
	v45 =	vadd.f32 v46, v45;
	v57 =	vld.idx.msk [tilespmem:v54+s9+$0x0], $0xffff  }
0x2c2: {  	v46 =	vmul.f32 $5.000000000e-01, v47;
	v58 =	vld.idx.msk [tilespmem:v59+s9+$0x0], $0xffff;
	v59 =	vor.u32 v21, v36;
	[tilespmem:s20+$0x420] =	vst v48  }
.Ltmp4:
0x2c3: {  	v54 =	vor.u32 v12, v34;
	v48 =	vadd.f32 v61, v50;
	v45 =	vmul.f32 $5.000000000e-01, v45;
	v47 =	vld.idx.msk [tilespmem:v49+s9+$0x0], $0xffff;
	(pc) =	sbr.rel @p0 .LBB2_9-.Ltmp4, $4  }
0x2c4: {  	v53 =	vor.u32 v13, v34;
	[tilespmem:s21+$0x410] =	vst v46;
	v49 =	vld.idx.msk [tilespmem:v52+s9+$0x0], $0xffff  }
0x2c5: {  	v50 =	vor.u32 v28, v40;
	v46 =	vmul.f32 $5.000000000e-01, v48;
	v52 =	vld.idx.msk [tilespmem:v60+s9+$0x0], $0xffff;
	[tilespmem:s19+$0x450] =	vst v45  }
0x2c6: {  	v48 =	vor.u32 v29, v40;
	v45 =	vld.idx.msk [tilespmem:v62+s9+$0x0], $0xffff  }
0x2c7: {  	s26 =	sadd.s32 $0x2, s26;
	[tilespmem:s22+$0x50] =	vst v46;
	v46 =	vld.idx.msk [tilespmem:v59+s9+$0x0], $0xffff  }
0x2c8: {  	v57 =	vadd.f32 v58, v57;
	v58 =	vor.u32 v2, v41;
	s2 =	sadd.s32 $0x200, s24  }
0x2c9: {  	v59 =	vor.u32 v3, v41;
	s28 =	sadd.s32 $0x100, s25;
	s2 =	sand.u32 $0x7800, s2  }
0x2ca: {  	v55 =	vadd.f32 v56, v55;
	v60 =	vor.u32 v3, v44;
	s25 =	sand.u32 $0x380, s28;
	s2 =	sadd.s32 $0x19000, s2;
	v56 =	vmul.f32 $5.000000000e-01, v57  }
0x2cb: {  	s26 =	sadd.s32 $0xFFFFFF80, s28;
	v57 =	vor.u32 v2, v44;
	s29 =	sor.u32 s25, s2  }
0x2cc: {  	v55 =	vmul.f32 $5.000000000e-01, v55;
	s30 =	sand.u32 $0x300, s26;
	[tilespmem:s29+$0x0] =	vst v56  }
0x2cd: {  	s25 =	sor.u32 s30, s2;
	v56 =	vld.idx.msk [tilespmem:v58+s9+$0x0], $0xffff  }
0x2ce: {  	[tilespmem:s25+$0x0] =	vst v55;
	v63 =	vld.idx.msk [tilespmem:v59+s9+$0x0], $0xffff  }
0x2cf: {  	v61 =	vld.idx.msk [tilespmem:v60+s9+$0x0], $0xffff  }
0x2d0: {  	v57 =	vld.idx.msk [tilespmem:v57+s9+$0x0], $0xffff;
	_ =	sdelay $0x2  }
0x2d1: {  	v55 =	vadd.f32 v63, v56;
	v56 =	vor.u32 v4, v41  }
0x2d2: {  	v59 =	vor.u32 v5, v41  }
0x2d3: {  	v58 =	vor.u32 v4, v44;
	v55 =	vmul.f32 $5.000000000e-01, v55;
	v57 =	vadd.f32 v61, v57  }
0x2d4: {  	v60 =	vor.u32 v5, v44  }
0x2d5: {  	[tilespmem:s29+$0x10] =	vst v55;
	v62 =	vmul.f32 $5.000000000e-01, v57  }
0x2d6: {  	v56 =	vld.idx.msk [tilespmem:v56+s9+$0x0], $0xffff  }
0x2d7: {  	v63 =	vld.idx.msk [tilespmem:v59+s9+$0x0], $0xffff;
	[tilespmem:s25+$0x10] =	vst v62  }
0x2d8: {  	v55 =	vld.idx.msk [tilespmem:v58+s9+$0x0], $0xffff  }
0x2d9: {  	v60 =	vld.idx.msk [tilespmem:v60+s9+$0x0], $0xffff;
	_ =	sdelay $0x2  }
0x2da: {  	v57 =	vor.u32 v6, v41;
	v56 =	vadd.f32 v63, v56  }
0x2db: {  	v59 =	vor.u32 v7, v41  }
0x2dc: {  	v58 =	vor.u32 v6, v44;
	v56 =	vmul.f32 $5.000000000e-01, v56;
	v55 =	vadd.f32 v60, v55  }
0x2dd: {  	v60 =	vor.u32 v7, v44  }
0x2de: {  	[tilespmem:s29+$0x20] =	vst v56;
	v55 =	vmul.f32 $5.000000000e-01, v55  }
0x2df: {  	v56 =	vld.idx.msk [tilespmem:v57+s9+$0x0], $0xffff  }
0x2e0: {  	v61 =	vld.idx.msk [tilespmem:v59+s9+$0x0], $0xffff;
	[tilespmem:s25+$0x20] =	vst v55  }
0x2e1: {  	v55 =	vld.idx.msk [tilespmem:v58+s9+$0x0], $0xffff  }
0x2e2: {  	v62 =	vld.idx.msk [tilespmem:v60+s9+$0x0], $0xffff;
	_ =	sdelay $0x2  }
0x2e3: {  	v57 =	vor.u32 v8, v41;
	v56 =	vadd.f32 v61, v56  }
0x2e4: {  	v59 =	vor.u32 v9, v41  }
0x2e5: {  	v58 =	vor.u32 v8, v44;
	v56 =	vmul.f32 $5.000000000e-01, v56;
	v55 =	vadd.f32 v62, v55  }
0x2e6: {  	v60 =	vor.u32 v9, v44  }
0x2e7: {  	[tilespmem:s29+$0x30] =	vst v56;
	v55 =	vmul.f32 $5.000000000e-01, v55  }
0x2e8: {  	v56 =	vld.idx.msk [tilespmem:v57+s9+$0x0], $0xffff  }
0x2e9: {  	v63 =	vld.idx.msk [tilespmem:v59+s9+$0x0], $0xffff;
	[tilespmem:s25+$0x30] =	vst v55  }
0x2ea: {  	v55 =	vld.idx.msk [tilespmem:v58+s9+$0x0], $0xffff  }
0x2eb: {  	v58 =	vld.idx.msk [tilespmem:v60+s9+$0x0], $0xffff;
	_ =	sdelay $0x2  }
0x2ec: {  	v57 =	vor.u32 v10, v41;
	v56 =	vadd.f32 v63, v56  }
0x2ed: {  	v59 =	vor.u32 v11, v41  }
0x2ee: {  	v60 =	vor.u32 v10, v44;
	v56 =	vmul.f32 $5.000000000e-01, v56;
	v55 =	vadd.f32 v58, v55  }
0x2ef: {  	v61 =	vor.u32 v11, v44  }
0x2f0: {  	[tilespmem:s29+$0x40] =	vst v56;
	v55 =	vmul.f32 $5.000000000e-01, v55  }
0x2f1: {  	v56 =	vld.idx.msk [tilespmem:v57+s9+$0x0], $0xffff  }
0x2f2: {  	v62 =	vld.idx.msk [tilespmem:v59+s9+$0x0], $0xffff;
	[tilespmem:s25+$0x40] =	vst v55  }
0x2f3: {  	v55 =	vld.idx.msk [tilespmem:v60+s9+$0x0], $0xffff  }
0x2f4: {  	v58 =	vld.idx.msk [tilespmem:v61+s9+$0x0], $0xffff  }
0x2f5: {  	v51 =	vadd.f32 v52, v51;
	v52 =	vor.u32 v12, v39  }
0x2f6: {  	v59 =	vor.u32 v13, v39  }
0x2f7: {  	v51 =	vmul.f32 $5.000000000e-01, v51;
	v57 =	vor.u32 v12, v41;
	v56 =	vadd.f32 v62, v56  }
0x2f8: {  	v54 =	vld.idx.msk [tilespmem:v54+s9+$0x0], $0xffff;
	v60 =	vor.u32 v13, v41  }
0x2f9: {  	v53 =	vld.idx.msk [tilespmem:v53+s9+$0x0], $0xffff;
	[tilespmem:s23+$0x50] =	vst v51;
	v61 =	vor.u32 v12, v44;
	v63 =	vmul.f32 $5.000000000e-01, v56;
	v55 =	vadd.f32 v58, v55  }
0x2fa: {  	v52 =	vld.idx.msk [tilespmem:v52+s9+$0x0], $0xffff;
	v62 =	vor.u32 v13, v44  }
0x2fb: {  	v59 =	vld.idx.msk [tilespmem:v59+s9+$0x0], $0xffff;
	[tilespmem:s29+$0x50] =	vst v63;
	v63 =	vmul.f32 $5.000000000e-01, v55  }
0x2fc: {  	v55 =	vld.idx.msk [tilespmem:v57+s9+$0x0], $0xffff  }
0x2fd: {  	v57 =	vld.idx.msk [tilespmem:v60+s9+$0x0], $0xffff;
	[tilespmem:s25+$0x50] =	vst v63  }
0x2fe: {  	v60 =	vadd.f32 v53, v54;
	v53 =	vor.u32 v14, v34;
	v54 =	vld.idx.msk [tilespmem:v61+s9+$0x0], $0xffff  }
0x2ff: {  	v56 =	vor.u32 v15, v34;
	v58 =	vld.idx.msk [tilespmem:v62+s9+$0x0], $0xffff  }
0x300: {  	v52 =	vadd.f32 v59, v52;
	v59 =	vor.u32 v14, v39;
	v51 =	vmul.f32 $5.000000000e-01, v60  }
0x301: {  	v60 =	vor.u32 v15, v39  }
0x302: {  	v61 =	vmul.f32 $5.000000000e-01, v52;
	[tilespmem:s22+$0x60] =	vst v51;
	v62 =	vadd.f32 v57, v55;
	v55 =	vor.u32 v14, v41  }
0x303: {  	v53 =	vld.idx.msk [tilespmem:v53+s9+$0x0], $0xffff;
	v57 =	vor.u32 v15, v41  }
0x304: {  	[tilespmem:s23+$0x60] =	vst v61;
	v56 =	vld.idx.msk [tilespmem:v56+s9+$0x0], $0xffff;
	v51 =	vmul.f32 $5.000000000e-01, v62;
	v52 =	vadd.f32 v58, v54;
	v54 =	vor.u32 v14, v44  }
0x305: {  	v58 =	vld.idx.msk [tilespmem:v59+s9+$0x0], $0xffff;
	v59 =	vor.u32 v15, v44  }
0x306: {  	v60 =	vld.idx.msk [tilespmem:v60+s9+$0x0], $0xffff;
	[tilespmem:s29+$0x60] =	vst v51;
	v63 =	vmul.f32 $5.000000000e-01, v52  }
0x307: {  	v52 =	vld.idx.msk [tilespmem:v55+s9+$0x0], $0xffff  }
0x308: {  	v55 =	vld.idx.msk [tilespmem:v57+s9+$0x0], $0xffff;
	[tilespmem:s25+$0x60] =	vst v63  }
0x309: {  	v61 =	vadd.f32 v56, v53;
	v53 =	vor.u32 v16, v34;
	v54 =	vld.idx.msk [tilespmem:v54+s9+$0x0], $0xffff  }
0x30a: {  	v56 =	vor.u32 v17, v34;
	v57 =	vld.idx.msk [tilespmem:v59+s9+$0x0], $0xffff  }
0x30b: {  	v51 =	vmul.f32 $5.000000000e-01, v61;
	v58 =	vadd.f32 v60, v58;
	v59 =	vor.u32 v16, v39  }
0x30c: {  	v60 =	vor.u32 v17, v39  }
0x30d: {  	v50 =	vld.idx.msk [tilespmem:v50+s9+$0x0], $0xffff;
	[tilespmem:s22+$0x70] =	vst v51;
	v62 =	vmul.f32 $5.000000000e-01, v58;
	v52 =	vadd.f32 v55, v52;
	v55 =	vor.u32 v16, v41  }
0x30e: {  	v58 =	vor.u32 v17, v41;
	v53 =	vld.idx.msk [tilespmem:v53+s9+$0x0], $0xffff  }
0x30f: {  	v56 =	vld.idx.msk [tilespmem:v56+s9+$0x0], $0xffff;
	[tilespmem:s23+$0x70] =	vst v62;
	v51 =	vmul.f32 $5.000000000e-01, v52;
	v52 =	vadd.f32 v57, v54;
	v54 =	vor.u32 v16, v44  }
0x310: {  	v57 =	vld.idx.msk [tilespmem:v59+s9+$0x0], $0xffff;
	v59 =	vor.u32 v17, v44  }
0x311: {  	v60 =	vld.idx.msk [tilespmem:v60+s9+$0x0], $0xffff;
	[tilespmem:s29+$0x70] =	vst v51;
	v63 =	vmul.f32 $5.000000000e-01, v52  }
0x312: {  	v47 =	vadd.f32 v49, v47;
	v61 =	vor.u32 v24, v32;
	v52 =	vld.idx.msk [tilespmem:v55+s9+$0x0], $0xffff  }
0x313: {  	v55 =	vor.u32 v25, v32;
	v58 =	vld.idx.msk [tilespmem:v58+s9+$0x0], $0xffff;
	[tilespmem:s25+$0x70] =	vst v63  }
0x314: {  	v47 =	vmul.f32 $5.000000000e-01, v47;
	v62 =	vadd.f32 v56, v53;
	v53 =	vor.u32 v18, v34;
	v54 =	vld.idx.msk [tilespmem:v54+s9+$0x0], $0xffff  }
0x315: {  	v56 =	vor.u32 v19, v34;
	v59 =	vld.idx.msk [tilespmem:v59+s9+$0x0], $0xffff  }
0x316: {  	v48 =	vld.idx.msk [tilespmem:v48+s9+$0x0], $0xffff;
	[tilespmem:s20+$0x430] =	vst v47;
	v47 =	vmul.f32 $5.000000000e-01, v62;
	v51 =	vadd.f32 v60, v57;
	v57 =	vor.u32 v18, v39  }
0x317: {  	v49 =	vld.idx.msk [tilespmem:v61+s9+$0x0], $0xffff;
	v60 =	vor.u32 v19, v39  }
0x318: {  	[tilespmem:s22+$0x400] =	vst v47;
	v63 =	vmul.f32 $5.000000000e-01, v51;
	v55 =	vld.idx.msk [tilespmem:v55+s9+$0x0], $0xffff;
	v61 =	vadd.f32 v58, v52;
	v52 =	vor.u32 v18, v41  }
0x319: {  	v53 =	vld.idx.msk [tilespmem:v53+s9+$0x0], $0xffff;
	v58 =	vor.u32 v19, v41  }
0x31a: {  	v56 =	vld.idx.msk [tilespmem:v56+s9+$0x0], $0xffff;
	[tilespmem:s23+$0x400] =	vst v63;
	v63 =	vor.u32 v18, v44;
	v47 =	vmul.f32 $5.000000000e-01, v61;
	v62 =	vadd.f32 v59, v54  }
0x31b: {  	v57 =	vld.idx.msk [tilespmem:v57+s9+$0x0], $0xffff;
	v61 =	vor.u32 v19, v44  }
0x31c: {  	v45 =	vadd.f32 v46, v45;
	v46 =	vor.u32 v22, v36;
	[tilespmem:s29+$0x400] =	vst v47;
	v47 =	vld.idx.msk [tilespmem:v60+s9+$0x0], $0xffff;
	v51 =	vmul.f32 $5.000000000e-01, v62  }
0x31d: {  	v36 =	vor.u32 v23, v36;
	v52 =	vld.idx.msk [tilespmem:v52+s9+$0x0], $0xffff  }
0x31e: {  	v45 =	vmul.f32 $5.000000000e-01, v45;
	v49 =	vadd.f32 v55, v49;
	v55 =	vor.u32 v26, v32;
	v58 =	vld.idx.msk [tilespmem:v58+s9+$0x0], $0xffff;
	[tilespmem:s25+$0x400] =	vst v51  }
0x31f: {  	v62 =	vadd.f32 v56, v53;
	v53 =	vor.u32 v20, v34;
	v54 =	vld.idx.msk [tilespmem:v63+s9+$0x0], $0xffff  }
0x320: {  	[tilespmem:s21+$0x420] =	vst v45;
	v60 =	vor.u32 v21, v34;
	v63 =	vmul.f32 $5.000000000e-01, v49;
	v61 =	vld.idx.msk [tilespmem:v61+s9+$0x0], $0xffff  }
0x321: {  	v46 =	vld.idx.msk [tilespmem:v46+s9+$0x0], $0xffff;
	v51 =	vmul.f32 $5.000000000e-01, v62;
	v47 =	vadd.f32 v47, v57;
	v57 =	vor.u32 v20, v39  }
0x322: {  	v45 =	vor.u32 v21, v39;
	v36 =	vld.idx.msk [tilespmem:v36+s9+$0x0], $0xffff;
	[tilespmem:s20+$0x440] =	vst v63  }
0x323: {  	[tilespmem:s22+$0x410] =	vst v51;
	v63 =	vor.u32 v20, v41;
	v55 =	vld.idx.msk [tilespmem:v55+s9+$0x0], $0xffff;
	v62 =	vadd.f32 v58, v52;
	v47 =	vmul.f32 $5.000000000e-01, v47  }
0x324: {  	v53 =	vld.idx.msk [tilespmem:v53+s9+$0x0], $0xffff;
	v58 =	vor.u32 v21, v41  }
0x325: {  	v49 =	vld.idx.msk [tilespmem:v60+s9+$0x0], $0xffff;
	v60 =	vmul.f32 $5.000000000e-01, v62;
	v61 =	vadd.f32 v61, v54;
	v54 =	vor.u32 v20, v44;
	[tilespmem:s23+$0x410] =	vst v47  }
0x326: {  	v56 =	vld.idx.msk [tilespmem:v57+s9+$0x0], $0xffff;
	v57 =	vor.u32 v21, v44  }
0x327: {  	v59 =	vor.u32 v27, v32;
	v45 =	vld.idx.msk [tilespmem:v45+s9+$0x0], $0xffff;
	[tilespmem:s29+$0x410] =	vst v60;
	v62 =	vmul.f32 $5.000000000e-01, v61  }
0x328: {  	v35 =	vor.u32 v35, v33;
	v48 =	vadd.f32 v48, v50;
	v50 =	vor.u32 v30, v40;
	v51 =	vld.idx.msk [tilespmem:v63+s9+$0x0], $0xffff  }
0x329: {  	v63 =	vadd.f32 v36, v46;
	v36 =	vor.u32 v24, v35;
	v46 =	vld.idx.msk [tilespmem:v58+s9+$0x0], $0xffff;
	[tilespmem:s25+$0x410] =	vst v62  }
0x32a: {  	v47 =	vmul.f32 $5.000000000e-01, v48;
	v61 =	vor.u32 v22, v34;
	v60 =	vadd.f32 v49, v53;
	v52 =	vld.idx.msk [tilespmem:v54+s9+$0x0], $0xffff  }
0x32b: {  	v62 =	vmul.f32 $5.000000000e-01, v63;
	v63 =	vor.u32 v23, v34;
	v57 =	vld.idx.msk [tilespmem:v57+s9+$0x0], $0xffff  }
0x32c: {  	[tilespmem:s19+$0x460] =	vst v47;
	v47 =	vld.idx.msk [tilespmem:v59+s9+$0x0], $0xffff;
	v48 =	vmul.f32 $5.000000000e-01, v60;
	v45 =	vadd.f32 v45, v56;
	v56 =	vor.u32 v22, v39  }
0x32d: {  	v59 =	vor.u32 v23, v39;
	v33 =	vld.idx.msk [tilespmem:v50+s9+$0x0], $0xffff;
	[tilespmem:s21+$0x430] =	vst v62  }
0x32e: {  	v60 =	vor.u32 v22, v41;
	[tilespmem:s22+$0x420] =	vst v48;
	v36 =	vld.idx.msk [tilespmem:v36+s9+$0x0], $0xffff;
	v46 =	vadd.f32 v46, v51;
	v45 =	vmul.f32 $5.000000000e-01, v45  }
0x32f: {  	v50 =	vor.u32 v23, v41;
	v49 =	vld.idx.msk [tilespmem:v61+s9+$0x0], $0xffff  }
0x330: {  	v51 =	vld.idx.msk [tilespmem:v63+s9+$0x0], $0xffff;
	v61 =	vmul.f32 $5.000000000e-01, v46;
	v63 =	vor.u32 v22, v44;
	[tilespmem:s23+$0x420] =	vst v45;
	v62 =	vadd.f32 v57, v52  }
0x331: {  	v53 =	vld.idx.msk [tilespmem:v56+s9+$0x0], $0xffff;
	v57 =	vor.u32 v23, v44  }
0x332: {  	v54 =	vor.u32 v28, v32;
	v47 =	vadd.f32 v47, v55;
	v39 =	vld.idx.msk [tilespmem:v59+s9+$0x0], $0xffff;
	[tilespmem:s29+$0x420] =	vst v61;
	v58 =	vmul.f32 $5.000000000e-01, v62  }
0x333: {  	v59 =	vor.u32 v29, v32;
	v48 =	vld.idx.msk [tilespmem:v60+s9+$0x0], $0xffff  }
0x334: {  	v47 =	vmul.f32 $5.000000000e-01, v47;
	v60 =	vor.u32 v25, v35;
	v50 =	vld.idx.msk [tilespmem:v50+s9+$0x0], $0xffff;
	[tilespmem:s25+$0x420] =	vst v58  }
0x335: {  	v62 =	vor.u32 v24, v34;
	v61 =	vadd.f32 v51, v49;
	v51 =	vld.idx.msk [tilespmem:v63+s9+$0x0], $0xffff  }
0x336: {  	v37 =	vor.u32 v38, v37;
	[tilespmem:s20+$0x450] =	vst v47;
	v63 =	vor.u32 v25, v34;
	v57 =	vld.idx.msk [tilespmem:v57+s9+$0x0], $0xffff  }
0x337: {  	v44 =	vld.idx.msk [tilespmem:v54+s9+$0x0], $0xffff;
	v58 =	vor.u32 v24, v37;
	v45 =	vmul.f32 $5.000000000e-01, v61;
	v39 =	vadd.f32 v39, v53  }
0x338: {  	v46 =	vld.idx.msk [tilespmem:v59+s9+$0x0], $0xffff;
	v59 =	vor.u32 v25, v37  }
0x339: {  	v61 =	vor.u32 v24, v41;
	v54 =	vld.idx.msk [tilespmem:v60+s9+$0x0], $0xffff;
	v60 =	vadd.f32 v50, v48;
	[tilespmem:s22+$0x430] =	vst v45;
	v39 =	vmul.f32 $5.000000000e-01, v39  }
0x33a: {  	v42 =	vor.u32 v43, v42;
	v50 =	vor.u32 v25, v41;
	v49 =	vld.idx.msk [tilespmem:v62+s9+$0x0], $0xffff  }
0x33b: {  	v56 =	vor.u32 v24, v42;
	[tilespmem:s23+$0x430] =	vst v39;
	v62 =	vld.idx.msk [tilespmem:v63+s9+$0x0], $0xffff;
	v63 =	vmul.f32 $5.000000000e-01, v60;
	v38 =	vadd.f32 v57, v51  }
0x33c: {  	v47 =	vld.idx.msk [tilespmem:v58+s9+$0x0], $0xffff;
	v57 =	vor.u32 v25, v42  }
0x33d: {  	v58 =	vor.u32 v31, v40;
	v59 =	vld.idx.msk [tilespmem:v59+s9+$0x0], $0xffff;
	[tilespmem:s29+$0x430] =	vst v63;
	v38 =	vmul.f32 $5.000000000e-01, v38  }
0x33e: {  	v60 =	vor.u32 v26, v35;
	v36 =	vadd.f32 v54, v36;
	v48 =	vld.idx.msk [tilespmem:v61+s9+$0x0], $0xffff  }
0x33f: {  	v61 =	vor.u32 v27, v35;
	v50 =	vld.idx.msk [tilespmem:v50+s9+$0x0], $0xffff;
	[tilespmem:s25+$0x430] =	vst v38  }
0x340: {  	v63 =	vor.u32 v26, v34;
	v36 =	vmul.f32 $5.000000000e-01, v36;
	v62 =	vadd.f32 v62, v49;
	v45 =	vld.idx.msk [tilespmem:v56+s9+$0x0], $0xffff  }
0x341: {  	v56 =	vor.u32 v27, v34;
	v51 =	vld.idx.msk [tilespmem:v57+s9+$0x0], $0xffff  }
0x342: {  	v40 =	vld.idx.msk [tilespmem:v58+s9+$0x0], $0xffff;
	[tilespmem:s21+$0x440] =	vst v36;
	v58 =	vadd.f32 v59, v47;
	v59 =	vor.u32 v26, v37;
	v57 =	vmul.f32 $5.000000000e-01, v62  }
0x343: {  	v39 =	vld.idx.msk [tilespmem:v60+s9+$0x0], $0xffff;
	v60 =	vor.u32 v27, v37  }
0x344: {  	v53 =	vld.idx.msk [tilespmem:v61+s9+$0x0], $0xffff;
	v61 =	vmul.f32 $5.000000000e-01, v58;
	v62 =	vadd.f32 v50, v48;
	v48 =	vor.u32 v26, v41;
	[tilespmem:s22+$0x440] =	vst v57  }
0x345: {  	v50 =	vor.u32 v27, v41;
	v43 =	vld.idx.msk [tilespmem:v63+s9+$0x0], $0xffff  }
0x346: {  	v57 =	vor.u32 v26, v42;
	v49 =	vld.idx.msk [tilespmem:v56+s9+$0x0], $0xffff;
	[tilespmem:s23+$0x440] =	vst v61;
	v63 =	vmul.f32 $5.000000000e-01, v62;
	v56 =	vadd.f32 v51, v45  }
0x347: {  	v58 =	vor.u32 v27, v42;
	v47 =	vld.idx.msk [tilespmem:v59+s9+$0x0], $0xffff  }
0x348: {  	v44 =	vadd.f32 v46, v44;
	v59 =	vor.u32 v30, v32;
	v52 =	vld.idx.msk [tilespmem:v60+s9+$0x0], $0xffff;
	[tilespmem:s29+$0x440] =	vst v63;
	v60 =	vmul.f32 $5.000000000e-01, v56  }
0x349: {  	v62 =	vor.u32 v28, v35;
	v61 =	vadd.f32 v53, v39;
	v48 =	vld.idx.msk [tilespmem:v48+s9+$0x0], $0xffff  }
0x34a: {  	v44 =	vmul.f32 $5.000000000e-01, v44;
	v63 =	vor.u32 v29, v35;
	v50 =	vld.idx.msk [tilespmem:v50+s9+$0x0], $0xffff;
	[tilespmem:s25+$0x440] =	vst v60  }
0x34b: {  	v54 =	vmul.f32 $5.000000000e-01, v61;
	v55 =	vadd.f32 v49, v43;
	v43 =	vor.u32 v28, v34;
	v45 =	vld.idx.msk [tilespmem:v57+s9+$0x0], $0xffff  }
0x34c: {  	[tilespmem:s20+$0x460] =	vst v44;
	v44 =	vor.u32 v29, v34;
	v56 =	vld.idx.msk [tilespmem:v58+s9+$0x0], $0xffff  }
0x34d: {  	v46 =	vld.idx.msk [tilespmem:v59+s9+$0x0], $0xffff;
	v58 =	vadd.f32 v52, v47;
	v59 =	vor.u32 v28, v37;
	[tilespmem:s21+$0x450] =	vst v54;
	v57 =	vmul.f32 $5.000000000e-01, v55  }
0x34e: {  	v60 =	vor.u32 v29, v37;
	v39 =	vld.idx.msk [tilespmem:v62+s9+$0x0], $0xffff  }
0x34f: {  	v52 =	vld.idx.msk [tilespmem:v63+s9+$0x0], $0xffff;
	v61 =	vmul.f32 $5.000000000e-01, v58;
	v62 =	vadd.f32 v50, v48;
	v63 =	vor.u32 v28, v41;
	[tilespmem:s22+$0x450] =	vst v57  }
0x350: {  	v54 =	vor.u32 v29, v41;
	v43 =	vld.idx.msk [tilespmem:v43+s9+$0x0], $0xffff  }
0x351: {  	v57 =	vor.u32 v28, v42;
	v44 =	vld.idx.msk [tilespmem:v44+s9+$0x0], $0xffff;
	[tilespmem:s23+$0x450] =	vst v61;
	v55 =	vmul.f32 $5.000000000e-01, v62;
	v56 =	vadd.f32 v56, v45  }
0x352: {  	v58 =	vor.u32 v29, v42;
	v47 =	vld.idx.msk [tilespmem:v59+s9+$0x0], $0xffff  }
0x353: {  	v59 =	vor.u32 v31, v32;
	v51 =	vld.idx.msk [tilespmem:v60+s9+$0x0], $0xffff;
	[tilespmem:s29+$0x450] =	vst v55;
	v60 =	vmul.f32 $5.000000000e-01, v56  }
0x354: {  	v62 =	vor.u32 v30, v35;
	v61 =	vadd.f32 v52, v39;
	v48 =	vld.idx.msk [tilespmem:v63+s9+$0x0], $0xffff  }
0x355: {  	v35 =	vor.u32 v31, v35;
	v50 =	vld.idx.msk [tilespmem:v54+s9+$0x0], $0xffff;
	[tilespmem:s25+$0x450] =	vst v60  }
0x356: {  	v53 =	vor.u32 v30, v34;
	v63 =	vmul.f32 $5.000000000e-01, v61;
	v52 =	vadd.f32 v44, v43;
	v54 =	vld.idx.msk [tilespmem:v57+s9+$0x0], $0xffff  }
0x357: {  	v55 =	vor.u32 v31, v34;
	v56 =	vld.idx.msk [tilespmem:v58+s9+$0x0], $0xffff  }
0x358: {  	v32 =	vld.idx.msk [tilespmem:v59+s9+$0x0], $0xffff;
	v58 =	vadd.f32 v51, v47;
	v59 =	vor.u32 v30, v37;
	[tilespmem:s21+$0x460] =	vst v63;
	v57 =	vmul.f32 $5.000000000e-01, v52  }
0x359: {  	v37 =	vor.u32 v31, v37;
	v39 =	vld.idx.msk [tilespmem:v62+s9+$0x0], $0xffff  }
0x35a: {  	v35 =	vld.idx.msk [tilespmem:v35+s9+$0x0], $0xffff;
	v60 =	vmul.f32 $5.000000000e-01, v58;
	v61 =	vadd.f32 v50, v48;
	v62 =	vor.u32 v30, v41;
	[tilespmem:s22+$0x460] =	vst v57  }
0x35b: {  	v63 =	vor.u32 v31, v41;
	v43 =	vld.idx.msk [tilespmem:v53+s9+$0x0], $0xffff  }
0x35c: {  	v51 =	vor.u32 v30, v42;
	v34 =	vld.idx.msk [tilespmem:v55+s9+$0x0], $0xffff;
	[tilespmem:s23+$0x460] =	vst v60;
	v49 =	vmul.f32 $5.000000000e-01, v61;
	v50 =	vadd.f32 v56, v54  }
0x35d: {  	v42 =	vor.u32 v31, v42;
	v52 =	vld.idx.msk [tilespmem:v59+s9+$0x0], $0xffff  }
0x35e: {  	v37 =	vld.idx.msk [tilespmem:v37+s9+$0x0], $0xffff;
	[tilespmem:s29+$0x460] =	vst v49;
	v53 =	vmul.f32 $5.000000000e-01, v50  }
0x35f: {  	v54 =	vld.idx.msk [tilespmem:v62+s9+$0x0], $0xffff  }
0x360: {  	v41 =	vld.idx.msk [tilespmem:v63+s9+$0x0], $0xffff;
	[tilespmem:s25+$0x460] =	vst v53  }
0x361: {  	v33 =	vadd.f32 v40, v33;
	v36 =	vld.idx.msk [tilespmem:v51+s9+$0x0], $0xffff  }
0x362: {  	v32 =	vadd.f32 v32, v46;
	v55 =	vld.idx.msk [tilespmem:v42+s9+$0x0], $0xffff  }
0x363: {  	v33 =	vmul.f32 $5.000000000e-01, v33;
	v35 =	vadd.f32 v35, v39  }
0x364: {  	v32 =	vmul.f32 $5.000000000e-01, v32;
	v34 =	vadd.f32 v34, v43  }
0x365: {  	[tilespmem:s19+$0x470] =	vst v33;
	v56 =	vmul.f32 $5.000000000e-01, v35;
	v57 =	vadd.f32 v37, v52  }
0x366: {  	s17 =	sadd.s32 $0x1, s17;
	[tilespmem:s20+$0x470] =	vst v32;
	v58 =	vmul.f32 $5.000000000e-01, v34;
	v59 =	vadd.f32 v41, v54  }
0x367: {  	p0 =	sne.s32 s17, $0x14;
	[tilespmem:s21+$0x470] =	vst v56;
	v60 =	vmul.f32 $5.000000000e-01, v57;
	v61 =	vadd.f32 v55, v36  }
.Ltmp5:
0x368: {  	[tilespmem:s22+$0x470] =	vst v58;
	v62 =	vmul.f32 $5.000000000e-01, v59;
	(pc) =	sbr.rel @p0 .LBB2_2-.Ltmp5, $4  }
0x369: {  	s31 =	smul.u32 $0xA00, s18;
	[tilespmem:s23+$0x470] =	vst v60;
	v63 =	vmul.f32 $5.000000000e-01, v61  }
0x36a: {  	[tilespmem:s29+$0x470] =	vst v62  }
0x36b: {  	s2 =	sadd.s32 s3, s31;
	[tilespmem:s25+$0x470] =	vst v63  }
0x36c: {  	[hbm4b:s2+s4] =	stream.linear.scatter [tilespmem:s14], [sflag:$0x4], $0x5000, $0x38;
	[tilespmem:$0x1E000] =	vst v63  }
0x36d: {  	s16 =	sadd.s32 $0x1, s16  }
0x36e: {  	_ =	swait.ge [sflag:s15], $0x5000;
	p0 =	sne.s32 s16, s8  }
.Ltmp6:
0x36f: {  	[sflag:s15] =	ssyncset.done $0x0;
	(pc) =	sbr.rel @p0 .LBB2_1-.Ltmp6, $4  }
0x370: {  	[sflag:s15] =	ssyncadd.s32 $0xFFFFB000  }
0x371: {  	_ =	swait.ge [sflag:s13], $0x5000  }
0x372: {  	[sflag:s13] =	ssyncset.done $0x0  }
0x373: {  	[sflag:s13] =	ssyncadd.s32 $0xFFFFB000  }
0x374: {  	_ =	sfence.sel $0x180000  }
0x375: {  	[bflag:$0x0] =	sbarrier.arrive $0xFFFF  }
0x376: {  	_ =	strace $0x90000047  }
0x377: {  	[bflag:$0x2] =	sbarrier.arrive $0xFFFF  }
0x378: {  	p0 =	sne.s32 s1, $0x0;
	s0 =	rddreg [dreg:$0x2]  }
0x379: {  	s0 =	sadd.s32 @!p0 $0x100000, s0  }
0x37a: {  	[sflag:s0] =	ssyncadd.tile.s32 @!p0 $0x1;
	_ =	shalt  }
.Lfunc_end2:
_tile_overlayer_lowered:
.L_overlay_start_2:
0x37b: {  	(tag) =	ssettag $0x2  }
0x37c: {  	s0 =	rddreg [dreg:$0x0];
	s2 =	stileid.u32  }
0x37d: {  	s1 =	rddreg [dreg:$0x1];
	p0 =	sne.s32 s2, $0x0  }
0x37e: {  	s3 =	rddreg [dreg:$0x2];
	[bflag:$0x3] =	sbarrier.arrive $0xFFFF;
	s2 =	simm.s32 @!p0 $0x1C05  }
0x37f: {  	[timem:s3], [sflag:s2] =	dma.local @!p0 [hbm:s0], s1  }
0x380: {  	s0 =	simm.s32 @!p0 $0x5  }
0x381: {  	_ =	swait.ge @!p0 [sflag:s0], s1  }
0x382: {  	s1 =	ssub.s32 @!p0 $0x0, s1;
	[sflag:s0] =	ssyncset.done @!p0 $0x0  }
0x383: {  	[sflag:s0] =	ssyncadd.s32 @!p0 s1  }
0x384: {  	[bflag:$0x3] =	sbarrier.arrive $0xFFFF  }
0x385: {  	_ =	shalt  }

</sc_bundles>
